<compile_context>
chip_gen: v7x
topology: tpu7x:2x2x1
jax: 0.10.2.dev20260603
libtpu: 0.0.44.dev20260713+nightly
codegen_flags: <defaults>
</compile_context>

<pallas_src>
import functools

import jax
import jax.numpy as jnp
from jax import lax
from jax.experimental import pallas as pl
from jax.experimental.pallas import tpu as pltpu
from jax.experimental.pallas import tpu_sc as plsc

N_NODES = 10000
N_PAD = 10240
E_EDGES = 320000
CH = 128
NCH = 80
NCHP = 88
EPT = E_EDGES // 32
D = 128
D_OUT = 64
N_GRAPHS = 64
ROWS_PER_TILE = N_PAD // 16


def _mesh():
  return plsc.VectorSubcoreMesh(core_axis_name="c", subcore_axis_name="s",
                                num_cores=2, num_subcores=16)


SCH = 8
NSCH = NCH // SCH


@functools.cache
def _make_sc_agg(with_cnt: bool):
  out_type = [jax.ShapeDtypeStruct((2, N_PAD, D), jnp.float32)]
  if with_cnt:
    out_type.append(jax.ShapeDtypeStruct((32, N_PAD), jnp.float32))
  scratch = [
      pltpu.VMEM((2 * SCH, CH), jnp.int32),
      pltpu.VMEM((2, CH, D), jnp.float32),
      pltpu.VMEM_SHARED((N_PAD, D), jnp.float32),
      pltpu.SemaphoreType.DMA,
      pltpu.SemaphoreType.DMA,
  ]
  if with_cnt:
    scratch.append(pltpu.VMEM((N_PAD,), jnp.float32))

  def body(x_hbm, ei_hbm, zrow_hbm, *refs):
    if with_cnt:
      (zhist_hbm, out_hbm, cnt_hbm, idxv, rows, acc, sem, sem1,
       hist) = refs
    else:
      (out_hbm, idxv, rows, acc, sem, sem1) = refs
    c = lax.axis_index("c")
    s = lax.axis_index("s")
    wid = c * 16 + s

    pltpu.sync_copy(zrow_hbm, acc.at[pl.ds(s * ROWS_PER_TILE, ROWS_PER_TILE)])
    if with_cnt:
      pltpu.sync_copy(zhist_hbm, hist)
    plsc.subcore_barrier()

    ones16 = jnp.ones((16,), jnp.float32)

    def step(j, carry):
      pltpu.sync_copy(ei_hbm.at[wid, pl.ds(j * 2 * SCH, 2 * SCH)], idxv)
      sems = (sem, sem1)
      pltpu.async_copy(x_hbm.at[idxv.at[0]], rows.at[0], sems[0])
      for k in range(SCH):
        b = k % 2
        pltpu.make_async_copy(x_hbm.at[pl.ds(0, CH)], rows.at[b],
                              sems[b]).wait()
        if k < SCH - 1:
          pltpu.async_copy(x_hbm.at[idxv.at[2 * k + 2]], rows.at[1 - b],
                           sems[1 - b])
        if with_cnt:
          for m in range(CH // 16):
            d = idxv[2 * k + 1, pl.ds(m * 16, 16)]
            plsc.addupdate_scatter(hist, [d], ones16)
        pltpu.sync_copy(rows.at[b], acc.at[idxv.at[2 * k + 1]], add=True)
      return carry

    lax.fori_loop(0, NSCH, step, 0)
    if with_cnt:
      pltpu.sync_copy(hist, cnt_hbm.at[wid])
    plsc.subcore_barrier()

    sl = pl.ds(s * ROWS_PER_TILE, ROWS_PER_TILE)
    pltpu.sync_copy(acc.at[sl], out_hbm.at[c, sl])

  return pl.kernel(body, out_type=out_type, mesh=_mesh(),
                   scratch_types=scratch,
                   compiler_params=pltpu.CompilerParams(
                       needs_layout_passes=False))


BLK = 1024
GRID = N_PAD // BLK


def _tc_layer1_body(p_ref, c_ref, x_ref, wl_ref, wr_ref, b_ref, h_ref):
  agg = p_ref[0] + p_ref[1]
  cnt = jnp.dot(c_ref[...], jnp.ones((32, 1), jnp.float32),
                preferred_element_type=jnp.float32)
  mean = agg / jnp.maximum(cnt, 1.0)
  h = (jnp.dot(mean, wl_ref[...], preferred_element_type=jnp.float32)
       + jnp.dot(x_ref[...], wr_ref[...], preferred_element_type=jnp.float32)
       + b_ref[...])
  h_ref[...] = jnp.maximum(h, 0.0)


_tc_layer1 = pl.pallas_call(
    _tc_layer1_body,
    grid=(GRID,),
    in_specs=[
        pl.BlockSpec((2, BLK, D), lambda i: (0, i, 0)),
        pl.BlockSpec((BLK, 32), lambda i: (i, 0)),
        pl.BlockSpec((BLK, D), lambda i: (i, 0)),
        pl.BlockSpec((D, D), lambda i: (0, 0)),
        pl.BlockSpec((D, D), lambda i: (0, 0)),
        pl.BlockSpec((1, D), lambda i: (0, 0)),
    ],
    out_specs=pl.BlockSpec((BLK, D), lambda i: (i, 0)),
    out_shape=jax.ShapeDtypeStruct((N_PAD, D), jnp.float32),
    compiler_params=pltpu.CompilerParams(
        dimension_semantics=("arbitrary",)),
)


def _tc_layer2_body(p_ref, c_ref, h_ref, b3_ref, wl_ref, wr_ref, b_ref,
                    wfc_ref, bfc_ref, out_ref, ps_ref, gc_ref):
  i = pl.program_id(0)

  @pl.when(i == 0)
  def _init():
    ps_ref[...] = jnp.zeros_like(ps_ref)
    gc_ref[...] = jnp.zeros_like(gc_ref)

  agg = p_ref[0] + p_ref[1]
  cnt = jnp.dot(c_ref[...], jnp.ones((32, 1), jnp.float32),
                preferred_element_type=jnp.float32)
  mean = agg / jnp.maximum(cnt, 1.0)
  h2 = (jnp.dot(mean, wl_ref[...], preferred_element_type=jnp.float32)
        + jnp.dot(h_ref[...], wr_ref[...], preferred_element_type=jnp.float32)
        + b_ref[...])
  b = b3_ref[0, 0, :]
  onehot = (lax.broadcasted_iota(jnp.int32, (N_GRAPHS, BLK), 0)
            == b[None, :]).astype(jnp.float32)
  ps_ref[...] += jnp.dot(onehot, h2, preferred_element_type=jnp.float32)
  gc_ref[...] += jnp.broadcast_to(
      jnp.sum(onehot, axis=1, keepdims=True), (N_GRAPHS, D))

  @pl.when(i == GRID - 1)
  def _fin():
    pooled = ps_ref[...] / jnp.maximum(gc_ref[...], 1.0)
    out_ref[...] = (jnp.dot(pooled, wfc_ref[...],
                            preferred_element_type=jnp.float32)
                    + bfc_ref[...])


_tc_layer2 = pl.pallas_call(
    _tc_layer2_body,
    grid=(GRID,),
    in_specs=[
        pl.BlockSpec((2, BLK, D), lambda i: (0, i, 0)),
        pl.BlockSpec((BLK, 32), lambda i: (i, 0)),
        pl.BlockSpec((BLK, D), lambda i: (i, 0)),
        pl.BlockSpec((1, 1, BLK), lambda i: (i, 0, 0)),
        pl.BlockSpec((D, D), lambda i: (0, 0)),
        pl.BlockSpec((D, D), lambda i: (0, 0)),
        pl.BlockSpec((1, D), lambda i: (0, 0)),
        pl.BlockSpec((D, D_OUT), lambda i: (0, 0)),
        pl.BlockSpec((1, D_OUT), lambda i: (0, 0)),
    ],
    out_specs=pl.BlockSpec((N_GRAPHS, D_OUT), lambda i: (0, 0)),
    out_shape=jax.ShapeDtypeStruct((N_GRAPHS, D_OUT), jnp.float32),
    scratch_shapes=[
        pltpu.VMEM((N_GRAPHS, D), jnp.float32),
        pltpu.VMEM((N_GRAPHS, D), jnp.float32),
    ],
    compiler_params=pltpu.CompilerParams(
        dimension_semantics=("arbitrary",)),
)


@jax.jit
def kernel(x, edge_index, batch, W1l, W1r, b1, W2l, W2r, b2, Wfc, bfc):
  src = edge_index[0]
  dst = edge_index[1]
  tpad = NCHP * CH - EPT
  srcp = jnp.concatenate(
      [src.reshape(32, EPT), jnp.zeros((32, tpad), jnp.int32)],
      axis=1).reshape(32, NCHP, CH)
  dstp = jnp.concatenate(
      [dst.reshape(32, EPT), jnp.full((32, tpad), N_NODES, jnp.int32)],
      axis=1).reshape(32, NCHP, CH)
  ei = jnp.stack([srcp, dstp], axis=2).reshape(32, 2 * NCHP, CH)
  xpad = jnp.concatenate(
      [x, jnp.zeros((N_PAD - N_NODES, D), jnp.float32)])
  batchp = jnp.concatenate(
      [batch, jnp.full((N_PAD - N_NODES,), N_NODES, jnp.int32)]
  ).reshape(GRID, 1, BLK)
  zrow = jnp.zeros((ROWS_PER_TILE, D), jnp.float32)
  zhist = jnp.zeros((N_PAD,), jnp.float32)

  part1, cnt = _make_sc_agg(True)(x, ei, zrow, zhist)
  cntp = cnt.T
  h = _tc_layer1(part1, cntp, xpad, W1l, W1r, b1.reshape(1, D))
  (part2,) = _make_sc_agg(False)(h, ei, zrow)
  out = _tc_layer2(part2, cntp, h, batchp, W2l, W2r, b2.reshape(1, D),
                   Wfc, bfc.reshape(1, D_OUT))
  return out

# --- scband reference (transcript-rebuilt; emitter-appended) ---
"""Pipeline reference for scband-gnn-20882130993433 (READ-ONLY COPY).

The authoritative reference and input builder live on the scoring server;
editing this copy changes nothing except your own understanding.
"""

import jax, jax.numpy as jnp
import numpy as np

N = 10000
E = 320000
D_IN = 128
D_HID = 128
D_OUT = 64
N_GRAPHS = 64


def _uniform(key, shape, fan_in):
    s = 1.0 / np.sqrt(fan_in)
    return jax.random.uniform(key, shape, minval=-s, maxval=s, dtype=jnp.float32)


def setup_inputs(seed: int = 0):
    key = jax.random.key(seed)
    ks = jax.random.split(key, 12)
    x = jax.random.normal(ks[0], (N, D_IN), dtype=jnp.float32)
    edge_index = jax.random.randint(ks[1], (2, E), 0, N, dtype=jnp.int32)
    batch = jnp.sort(jax.random.randint(ks[2], (N,), 0, N_GRAPHS, dtype=jnp.int32))
    W1l = _uniform(ks[3], (D_IN, D_HID), D_IN)
    W1r = _uniform(ks[4], (D_IN, D_HID), D_IN)
    b1 = jnp.zeros((D_HID,), dtype=jnp.float32)
    W2l = _uniform(ks[5], (D_HID, D_HID), D_HID)
    W2r = _uniform(ks[6], (D_HID, D_HID), D_HID)
    b2 = jnp.zeros((D_HID,), dtype=jnp.float32)
    Wfc = _uniform(ks[7], (D_HID, D_OUT), D_HID)
    bfc = jnp.zeros((D_OUT,), dtype=jnp.float32)
    return {"x": x, "edge_index": edge_index, "batch": batch,
            "W1l": W1l, "W1r": W1r, "b1": b1,
            "W2l": W2l, "W2r": W2r, "b2": b2,
            "Wfc": Wfc, "bfc": bfc}


def _sage_conv(x, src, dst, Wl, Wr, b, num_nodes):
    # PyG SAGEConv with mean aggregation: lin_l(mean_{j in N(i)} x_j) + lin_r(x_i)
    msgs = jnp.take(x, src, axis=0)
    agg = jax.ops.segment_sum(msgs, dst, num_segments=num_nodes)
    cnt = jax.ops.segment_sum(jnp.ones((src.shape[0],), dtype=x.dtype), dst, num_segments=num_nodes)
    mean = agg / jnp.clip(cnt, 1.0, None)[:, None]
    return mean @ Wl + b + x @ Wr


def reference(x, edge_index, batch, W1l, W1r, b1, W2l, W2r, b2, Wfc, bfc):
    src = edge_index[0]
    dst = edge_index[1]
    h = _sage_conv(x, src, dst, W1l, W1r, b1, N)
    h = jax.nn.relu(h)
    # dropout is identity at inference (eval mode)
    h = _sage_conv(h, src, dst, W2l, W2r, b2, N)
    pooled_sum = jax.ops.segment_sum(h, batch, num_segments=N_GRAPHS)
    graph_cnt = jax.ops.segment_sum(jnp.ones((h.shape[0],), dtype=h.dtype), batch, num_segments=N_GRAPHS)
    pooled = pooled_sum / jnp.clip(graph_cnt, 1.0, None)[:, None]
    return pooled @ Wfc + bfc

if __name__ == "__main__":
    import jax
    _d = setup_inputs()
    print(jax.jit(kernel)(*tuple(_d.values())))

</pallas_src>

<mosaic_0001>
#map = affine_map<(d0, d1) -> (0, 0)>
#map1 = affine_map<(d0, d1) -> (0, 0, 0)>
#map2 = affine_map<(d0, d1) -> (0)>
module attributes {stable_mosaic.version = 14 : i64} {
  func.func @body(%arg0: i32, %arg1: i32, %arg2: memref<10000x128xf32, #tpu.memory_space<hbm>>, %arg3: memref<32x176x128xi32, #tpu.memory_space<hbm>>, %arg4: memref<640x128xf32, #tpu.memory_space<hbm>>, %arg5: memref<10240xf32, #tpu.memory_space<hbm>>, %arg6: memref<2x10240x128xf32, #tpu.memory_space<hbm>>, %arg7: memref<32x10240xf32, #tpu.memory_space<hbm>>, %arg8: memref<16x128xi32, #tpu.memory_space<vmem>>, %arg9: memref<2x128x128xf32, #tpu.memory_space<vmem>>, %arg10: memref<10240x128xf32, #tpu.memory_space<vmem_shared>>, %arg11: memref<!tpu.dma_semaphore, #tpu.memory_space<semaphore_mem>>, %arg12: memref<!tpu.dma_semaphore, #tpu.memory_space<semaphore_mem>>, %arg13: memref<10240xf32, #tpu.memory_space<vmem>>) attributes {dimension_semantics = [#tpu.dimension_semantics<core_parallel>, #tpu.dimension_semantics<subcore_parallel>], iteration_bounds = array<i64: 2, 16>, scalar_prefetch = 0 : i64, scratch_operands = 6 : i64, tpu.core_type = #tpu.core_type<sc_vector_subcore>, window_params = [{transform_indices = #map}, {transform_indices = #map1}, {transform_indices = #map}, {transform_indices = #map2}, {transform_indices = #map1}, {transform_indices = #map}]} {
    %mul3A = arith.constant 16 : i32
    %mul3A_0 = arith.muli %arg0, %mul3A : i32
    %add3A = arith.addi %mul3A_0, %arg1 : i32
    %mul3A_1 = arith.constant 640 : i32
    %mul3A_2 = arith.muli %arg1, %mul3A_1 : i32
    "tpu.region"() ({
      %run_scoped3A = tpu.sem_alloc : memref<!tpu.dma_semaphore, #tpu.memory_space<semaphore_mem>>
      %dma_start3A = arith.constant 0 : i32
      %dma_start3A_12 = tpu.memref_slice %arg10[%mul3A_2, %dma_start3A] : memref<10240x128xf32, #tpu.memory_space<vmem_shared>> -> memref<640x128xf32, #tpu.memory_space<vmem_shared>>
      tpu.enqueue_dma source(%arg4 : memref<640x128xf32, #tpu.memory_space<hbm>>) target(%dma_start3A_12 : memref<640x128xf32, #tpu.memory_space<vmem_shared>>) target_semaphore(%run_scoped3A : memref<!tpu.dma_semaphore, #tpu.memory_space<semaphore_mem>>)
      %dma_wait3A = arith.constant 0 : i32
      %dma_wait3A_13 = tpu.memref_slice %arg10[%mul3A_2, %dma_wait3A] : memref<10240x128xf32, #tpu.memory_space<vmem_shared>> -> memref<640x128xf32, #tpu.memory_space<vmem_shared>>
      tpu.wait_dma2 semaphore(%run_scoped3A : memref<!tpu.dma_semaphore, #tpu.memory_space<semaphore_mem>>) src(%arg4 : memref<640x128xf32, #tpu.memory_space<hbm>>) dst(%dma_wait3A_13 : memref<640x128xf32, #tpu.memory_space<vmem_shared>>)
      tpu.yield
    }) : () -> ()
    "tpu.region"() ({
      %run_scoped3A = tpu.sem_alloc : memref<!tpu.dma_semaphore, #tpu.memory_space<semaphore_mem>>
      tpu.enqueue_dma source(%arg5 : memref<10240xf32, #tpu.memory_space<hbm>>) target(%arg13 : memref<10240xf32, #tpu.memory_space<vmem>>) target_semaphore(%run_scoped3A : memref<!tpu.dma_semaphore, #tpu.memory_space<semaphore_mem>>)
      tpu.wait_dma2 semaphore(%run_scoped3A : memref<!tpu.dma_semaphore, #tpu.memory_space<semaphore_mem>>) src(%arg5 : memref<10240xf32, #tpu.memory_space<hbm>>) dst(%arg13 : memref<10240xf32, #tpu.memory_space<vmem>>)
      tpu.yield
    }) : () -> ()
    %barrier3A = arith.constant 0 : index
    tpu.barrier barrier_id(%barrier3A)
    %broadcast_in_dim3A = arith.constant 1.000000e+00 : f32
    %broadcast_in_dim3A_3 = vector.broadcast %broadcast_in_dim3A : f32 to vector<16xf32>
    %scan3A = arith.constant 0 : i32
    %scan3A_4 = arith.constant 0 : i32
    %scan3A_5 = arith.constant 10 : i32
    %scan3A_6 = arith.addi %scan3A_4, %scan3A_5 : i32
    %scan3A_7 = arith.constant 1 : i32
    scf.for %scan3A_12 = %scan3A_4 to %scan3A_6 step %scan3A_7  : i32 {
      %mul3A_13 = arith.constant 2 : i32
      %mul3A_14 = arith.muli %scan3A_12, %mul3A_13 : i32
      %mul3A_15 = arith.constant 8 : i32
      %mul3A_16 = arith.muli %mul3A_14, %mul3A_15 : i32
      "tpu.region"() ({
        %run_scoped3A_501 = tpu.sem_alloc : memref<!tpu.dma_semaphore, #tpu.memory_space<semaphore_mem>>
        %dma_start3A_502 = arith.constant 0 : i32
        %dma_start3A_503 = tpu.memref_slice %arg3[%add3A, %mul3A_16, %dma_start3A_502] : memref<32x176x128xi32, #tpu.memory_space<hbm>> -> memref<1x16x128xi32, #tpu.memory_space<hbm>>
        %dma_start3A_504 = tpu.memref_squeeze %dma_start3A_503 : memref<1x16x128xi32, #tpu.memory_space<hbm>> -> memref<16x128xi32, #tpu.memory_space<hbm>>
        %dma_start3A_505 = arith.constant 0 : i32
        %dma_start3A_506 = tpu.memref_slice %arg3[%add3A, %mul3A_16, %dma_start3A_505] : memref<32x176x128xi32, #tpu.memory_space<hbm>> -> memref<1x16x128xi32, #tpu.memory_space<hbm>>
        %dma_start3A_507 = tpu.memref_squeeze %dma_start3A_506 : memref<1x16x128xi32, #tpu.memory_space<hbm>> -> memref<16x128xi32, #tpu.memory_space<hbm>>
        tpu.enqueue_dma source(%dma_start3A_507 : memref<16x128xi32, #tpu.memory_space<hbm>>) target(%arg8 : memref<16x128xi32, #tpu.memory_space<vmem>>) target_semaphore(%run_scoped3A_501 : memref<!tpu.dma_semaphore, #tpu.memory_space<semaphore_mem>>)
        %dma_wait3A_508 = arith.constant 0 : i32
        %dma_wait3A_509 = tpu.memref_slice %arg3[%add3A, %mul3A_16, %dma_wait3A_508] : memref<32x176x128xi32, #tpu.memory_space<hbm>> -> memref<1x16x128xi32, #tpu.memory_space<hbm>>
        %dma_wait3A_510 = tpu.memref_squeeze %dma_wait3A_509 : memref<1x16x128xi32, #tpu.memory_space<hbm>> -> memref<16x128xi32, #tpu.memory_space<hbm>>
        %dma_wait3A_511 = arith.constant 0 : i32
        %dma_wait3A_512 = tpu.memref_slice %arg3[%add3A, %mul3A_16, %dma_wait3A_511] : memref<32x176x128xi32, #tpu.memory_space<hbm>> -> memref<1x16x128xi32, #tpu.memory_space<hbm>>
        %dma_wait3A_513 = tpu.memref_squeeze %dma_wait3A_512 : memref<1x16x128xi32, #tpu.memory_space<hbm>> -> memref<16x128xi32, #tpu.memory_space<hbm>>
        tpu.wait_dma2 semaphore(%run_scoped3A_501 : memref<!tpu.dma_semaphore, #tpu.memory_space<semaphore_mem>>) src(%dma_wait3A_513 : memref<16x128xi32, #tpu.memory_space<hbm>>) dst(%arg8 : memref<16x128xi32, #tpu.memory_space<vmem>>)
        tpu.yield
      }) : () -> ()
      %dma_start3A = arith.constant 0 : i32
      %dma_start3A_17 = arith.constant 0 : i32
      %dma_start3A_18 = arith.constant 0 : i32
      %dma_start3A_19 = arith.constant 0 : i32
      %dma_start3A_20 = tpu.memref_slice %arg9[%dma_start3A_17, %dma_start3A_18, %dma_start3A_19] : memref<2x128x128xf32, #tpu.memory_space<vmem>> -> memref<1x128x128xf32, #tpu.memory_space<vmem>>
      %dma_start3A_21 = tpu.memref_squeeze %dma_start3A_20 : memref<1x128x128xf32, #tpu.memory_space<vmem>> -> memref<128x128xf32, #tpu.memory_space<vmem>>
      %dma_start3A_22 = arith.constant 0 : i32
      %dma_start3A_23 = tpu.memref_slice %arg8[%dma_start3A, %dma_start3A_22] : memref<16x128xi32, #tpu.memory_space<vmem>> -> memref<1x128xi32, #tpu.memory_space<vmem>>
      %dma_start3A_24 = tpu.memref_squeeze %dma_start3A_23 : memref<1x128xi32, #tpu.memory_space<vmem>> -> memref<128xi32, #tpu.memory_space<vmem>>
      %dma_start3A_25 = arith.constant 0 : i32
      %dma_start3A_26 = arith.constant 0 : i32
      %dma_start3A_27 = tpu.memref_slice %arg2[%dma_start3A_25, %dma_start3A_26] : memref<10000x128xf32, #tpu.memory_space<hbm>> -> memref<10000x128xf32, #tpu.memory_space<hbm>>
      tpu.enqueue_indirect_dma source(%dma_start3A_27 : memref<10000x128xf32, #tpu.memory_space<hbm>>) target(%dma_start3A_21 : memref<128x128xf32, #tpu.memory_space<vmem>>) offsets(%dma_start3A_24 : memref<128xi32, #tpu.memory_space<vmem>>) semaphore(%arg11 : memref<!tpu.dma_semaphore, #tpu.memory_space<semaphore_mem>>)
      %dma_wait3A = arith.constant 0 : i32
      %dma_wait3A_28 = arith.constant 0 : i32
      %dma_wait3A_29 = arith.constant 0 : i32
      %dma_wait3A_30 = tpu.memref_slice %arg9[%dma_wait3A, %dma_wait3A_28, %dma_wait3A_29] : memref<2x128x128xf32, #tpu.memory_space<vmem>> -> memref<1x128x128xf32, #tpu.memory_space<vmem>>
      %dma_wait3A_31 = tpu.memref_squeeze %dma_wait3A_30 : memref<1x128x128xf32, #tpu.memory_space<vmem>> -> memref<128x128xf32, #tpu.memory_space<vmem>>
      %dma_wait3A_32 = arith.constant 0 : i32
      %dma_wait3A_33 = arith.constant 0 : i32
      %dma_wait3A_34 = tpu.memref_slice %arg2[%dma_wait3A_32, %dma_wait3A_33] : memref<10000x128xf32, #tpu.memory_space<hbm>> -> memref<128x128xf32, #tpu.memory_space<hbm>>
      %dma_wait3A_35 = arith.constant 0 : i32
      %dma_wait3A_36 = arith.constant 0 : i32
      %dma_wait3A_37 = tpu.memref_slice %arg9[%dma_wait3A, %dma_wait3A_35, %dma_wait3A_36] : memref<2x128x128xf32, #tpu.memory_space<vmem>> -> memref<1x128x128xf32, #tpu.memory_space<vmem>>
      %dma_wait3A_38 = tpu.memref_squeeze %dma_wait3A_37 : memref<1x128x128xf32, #tpu.memory_space<vmem>> -> memref<128x128xf32, #tpu.memory_space<vmem>>
      %dma_wait3A_39 = arith.constant 0 : i32
      %dma_wait3A_40 = arith.constant 0 : i32
      %dma_wait3A_41 = tpu.memref_slice %arg2[%dma_wait3A_39, %dma_wait3A_40] : memref<10000x128xf32, #tpu.memory_space<hbm>> -> memref<128x128xf32, #tpu.memory_space<hbm>>
      tpu.wait_dma2 semaphore(%arg11 : memref<!tpu.dma_semaphore, #tpu.memory_space<semaphore_mem>>) src(%dma_wait3A_41 : memref<128x128xf32, #tpu.memory_space<hbm>>) dst(%dma_wait3A_38 : memref<128x128xf32, #tpu.memory_space<vmem>>)
      %dma_start3A_42 = arith.constant 2 : i32
      %dma_start3A_43 = arith.constant 1 : i32
      %dma_start3A_44 = arith.constant 0 : i32
      %dma_start3A_45 = arith.constant 0 : i32
      %dma_start3A_46 = tpu.memref_slice %arg9[%dma_start3A_43, %dma_start3A_44, %dma_start3A_45] : memref<2x128x128xf32, #tpu.memory_space<vmem>> -> memref<1x128x128xf32, #tpu.memory_space<vmem>>
      %dma_start3A_47 = tpu.memref_squeeze %dma_start3A_46 : memref<1x128x128xf32, #tpu.memory_space<vmem>> -> memref<128x128xf32, #tpu.memory_space<vmem>>
      %dma_start3A_48 = arith.constant 0 : i32
      %dma_start3A_49 = tpu.memref_slice %arg8[%dma_start3A_42, %dma_start3A_48] : memref<16x128xi32, #tpu.memory_space<vmem>> -> memref<1x128xi32, #tpu.memory_space<vmem>>
      %dma_start3A_50 = tpu.memref_squeeze %dma_start3A_49 : memref<1x128xi32, #tpu.memory_space<vmem>> -> memref<128xi32, #tpu.memory_space<vmem>>
      %dma_start3A_51 = arith.constant 0 : i32
      %dma_start3A_52 = arith.constant 0 : i32
      %dma_start3A_53 = tpu.memref_slice %arg2[%dma_start3A_51, %dma_start3A_52] : memref<10000x128xf32, #tpu.memory_space<hbm>> -> memref<10000x128xf32, #tpu.memory_space<hbm>>
      tpu.enqueue_indirect_dma source(%dma_start3A_53 : memref<10000x128xf32, #tpu.memory_space<hbm>>) target(%dma_start3A_47 : memref<128x128xf32, #tpu.memory_space<vmem>>) offsets(%dma_start3A_50 : memref<128xi32, #tpu.memory_space<vmem>>) semaphore(%arg12 : memref<!tpu.dma_semaphore, #tpu.memory_space<semaphore_mem>>)
      %get3A = arith.constant 1 : i32
      %get3A_54 = arith.index_cast %get3A : i32 to index
      %get3A_55 = arith.constant 0 : index
      %get3A_56 = tpu.vector_load %arg8[%get3A_54, %get3A_55] {strides = array<i32>} : memref<16x128xi32, #tpu.memory_space<vmem>>, vector<16xi32>,
      tpu.vector_store_idx %arg13[%get3A_56], %broadcast_in_dim3A_3 {add = true} : memref<10240xf32, #tpu.memory_space<vmem>>[vector<16xi32>], vector<16xf32>,
      %get3A_57 = arith.constant 1 : i32
      %get3A_58 = arith.index_cast %get3A_57 : i32 to index
      %get3A_59 = arith.constant 16 : index
      %get3A_60 = tpu.vector_load %arg8[%get3A_58, %get3A_59] {strides = array<i32>} : memref<16x128xi32, #tpu.memory_space<vmem>>, vector<16xi32>,
      tpu.vector_store_idx %arg13[%get3A_60], %broadcast_in_dim3A_3 {add = true} : memref<10240xf32, #tpu.memory_space<vmem>>[vector<16xi32>], vector<16xf32>,
      %get3A_61 = arith.constant 1 : i32
      %get3A_62 = arith.index_cast %get3A_61 : i32 to index
      %get3A_63 = arith.constant 32 : index
      %get3A_64 = tpu.vector_load %arg8[%get3A_62, %get3A_63] {strides = array<i32>} : memref<16x128xi32, #tpu.memory_space<vmem>>, vector<16xi32>,
      tpu.vector_store_idx %arg13[%get3A_64], %broadcast_in_dim3A_3 {add = true} : memref<10240xf32, #tpu.memory_space<vmem>>[vector<16xi32>], vector<16xf32>,
      %get3A_65 = arith.constant 1 : i32
      %get3A_66 = arith.index_cast %get3A_65 : i32 to index
      %get3A_67 = arith.constant 48 : index
      %get3A_68 = tpu.vector_load %arg8[%get3A_66, %get3A_67] {strides = array<i32>} : memref<16x128xi32, #tpu.memory_space<vmem>>, vector<16xi32>,
      tpu.vector_store_idx %arg13[%get3A_68], %broadcast_in_dim3A_3 {add = true} : memref<10240xf32, #tpu.memory_space<vmem>>[vector<16xi32>], vector<16xf32>,
      %get3A_69 = arith.constant 1 : i32
      %get3A_70 = arith.index_cast %get3A_69 : i32 to index
      %get3A_71 = arith.constant 64 : index
      %get3A_72 = tpu.vector_load %arg8[%get3A_70, %get3A_71] {strides = array<i32>} : memref<16x128xi32, #tpu.memory_space<vmem>>, vector<16xi32>,
      tpu.vector_store_idx %arg13[%get3A_72], %broadcast_in_dim3A_3 {add = true} : memref<10240xf32, #tpu.memory_space<vmem>>[vector<16xi32>], vector<16xf32>,
      %get3A_73 = arith.constant 1 : i32
      %get3A_74 = arith.index_cast %get3A_73 : i32 to index
      %get3A_75 = arith.constant 80 : index
      %get3A_76 = tpu.vector_load %arg8[%get3A_74, %get3A_75] {strides = array<i32>} : memref<16x128xi32, #tpu.memory_space<vmem>>, vector<16xi32>,
      tpu.vector_store_idx %arg13[%get3A_76], %broadcast_in_dim3A_3 {add = true} : memref<10240xf32, #tpu.memory_space<vmem>>[vector<16xi32>], vector<16xf32>,
      %get3A_77 = arith.constant 1 : i32
      %get3A_78 = arith.index_cast %get3A_77 : i32 to index
      %get3A_79 = arith.constant 96 : index
      %get3A_80 = tpu.vector_load %arg8[%get3A_78, %get3A_79] {strides = array<i32>} : memref<16x128xi32, #tpu.memory_space<vmem>>, vector<16xi32>,
      tpu.vector_store_idx %arg13[%get3A_80], %broadcast_in_dim3A_3 {add = true} : memref<10240xf32, #tpu.memory_space<vmem>>[vector<16xi32>], vector<16xf32>,
      %get3A_81 = arith.constant 1 : i32
      %get3A_82 = arith.index_cast %get3A_81 : i32 to index
      %get3A_83 = arith.constant 112 : index
      %get3A_84 = tpu.vector_load %arg8[%get3A_82, %get3A_83] {strides = array<i32>} : memref<16x128xi32, #tpu.memory_space<vmem>>, vector<16xi32>,
      tpu.vector_store_idx %arg13[%get3A_84], %broadcast_in_dim3A_3 {add = true} : memref<10240xf32, #tpu.memory_space<vmem>>[vector<16xi32>], vector<16xf32>,
      %run_scoped3A = arith.constant 0 : i32
      %run_scoped3A_85 = arith.constant 1 : i32
      "tpu.region"() ({
        %run_scoped3A_501 = tpu.sem_alloc : memref<!tpu.dma_semaphore, #tpu.memory_space<semaphore_mem>>
        %dma_start3A_502 = arith.constant 0 : i32
        %dma_start3A_503 = arith.constant 0 : i32
        %dma_start3A_504 = tpu.memref_slice %arg9[%run_scoped3A, %dma_start3A_502, %dma_start3A_503] : memref<2x128x128xf32, #tpu.memory_space<vmem>> -> memref<1x128x128xf32, #tpu.memory_space<vmem>>
        %dma_start3A_505 = tpu.memref_squeeze %dma_start3A_504 : memref<1x128x128xf32, #tpu.memory_space<vmem>> -> memref<128x128xf32, #tpu.memory_space<vmem>>
        %dma_start3A_506 = arith.constant 0 : i32
        %dma_start3A_507 = tpu.memref_slice %arg8[%run_scoped3A_85, %dma_start3A_506] : memref<16x128xi32, #tpu.memory_space<vmem>> -> memref<1x128xi32, #tpu.memory_space<vmem>>
        %dma_start3A_508 = tpu.memref_squeeze %dma_start3A_507 : memref<1x128xi32, #tpu.memory_space<vmem>> -> memref<128xi32, #tpu.memory_space<vmem>>
        %dma_start3A_509 = arith.constant 0 : i32
        %dma_start3A_510 = arith.constant 0 : i32
        %dma_start3A_511 = tpu.memref_slice %arg10[%dma_start3A_509, %dma_start3A_510] : memref<10240x128xf32, #tpu.memory_space<vmem_shared>> -> memref<10240x128xf32, #tpu.memory_space<vmem_shared>>
        tpu.enqueue_indirect_dma source(%dma_start3A_505 : memref<128x128xf32, #tpu.memory_space<vmem>>) target(%dma_start3A_511 : memref<10240x128xf32, #tpu.memory_space<vmem_shared>>) offsets(%dma_start3A_508 : memref<128xi32, #tpu.memory_space<vmem>>) semaphore(%run_scoped3A_501 : memref<!tpu.dma_semaphore, #tpu.memory_space<semaphore_mem>>) {add = true}
        %dma_wait3A_512 = arith.constant 0 : i32
        %dma_wait3A_513 = arith.constant 0 : i32
        %dma_wait3A_514 = tpu.memref_slice %arg9[%run_scoped3A, %dma_wait3A_512, %dma_wait3A_513] : memref<2x128x128xf32, #tpu.memory_space<vmem>> -> memref<1x128x128xf32, #tpu.memory_space<vmem>>
        %dma_wait3A_515 = tpu.memref_squeeze %dma_wait3A_514 : memref<1x128x128xf32, #tpu.memory_space<vmem>> -> memref<128x128xf32, #tpu.memory_space<vmem>>
        %dma_wait3A_516 = arith.constant 0 : i32
        %dma_wait3A_517 = tpu.memref_slice %arg8[%run_scoped3A_85, %dma_wait3A_516] : memref<16x128xi32, #tpu.memory_space<vmem>> -> memref<1x128xi32, #tpu.memory_space<vmem>>
        %dma_wait3A_518 = tpu.memref_squeeze %dma_wait3A_517 : memref<1x128xi32, #tpu.memory_space<vmem>> -> memref<128xi32, #tpu.memory_space<vmem>>
        %dma_wait3A_519 = arith.constant 0 : i32
        %dma_wait3A_520 = arith.constant 0 : i32
        %dma_wait3A_521 = tpu.memref_slice %arg10[%dma_wait3A_519, %dma_wait3A_520] : memref<10240x128xf32, #tpu.memory_space<vmem_shared>> -> memref<10240x128xf32, #tpu.memory_space<vmem_shared>>
        tpu.wait_indirect_dma semaphore(%run_scoped3A_501 : memref<!tpu.dma_semaphore, #tpu.memory_space<semaphore_mem>>) src(%dma_wait3A_515 : memref<128x128xf32, #tpu.memory_space<vmem>>) dst(%dma_wait3A_521 : memref<10240x128xf32, #tpu.memory_space<vmem_shared>>)
        tpu.yield
      }) : () -> ()
      %dma_wait3A_86 = arith.constant 1 : i32
      %dma_wait3A_87 = arith.constant 0 : i32
      %dma_wait3A_88 = arith.constant 0 : i32
      %dma_wait3A_89 = tpu.memref_slice %arg9[%dma_wait3A_86, %dma_wait3A_87, %dma_wait3A_88] : memref<2x128x128xf32, #tpu.memory_space<vmem>> -> memref<1x128x128xf32, #tpu.memory_space<vmem>>
      %dma_wait3A_90 = tpu.memref_squeeze %dma_wait3A_89 : memref<1x128x128xf32, #tpu.memory_space<vmem>> -> memref<128x128xf32, #tpu.memory_space<vmem>>
      %dma_wait3A_91 = arith.constant 0 : i32
      %dma_wait3A_92 = arith.constant 0 : i32
      %dma_wait3A_93 = tpu.memref_slice %arg2[%dma_wait3A_91, %dma_wait3A_92] : memref<10000x128xf32, #tpu.memory_space<hbm>> -> memref<128x128xf32, #tpu.memory_space<hbm>>
      %dma_wait3A_94 = arith.constant 0 : i32
      %dma_wait3A_95 = arith.constant 0 : i32
      %dma_wait3A_96 = tpu.memref_slice %arg9[%dma_wait3A_86, %dma_wait3A_94, %dma_wait3A_95] : memref<2x128x128xf32, #tpu.memory_space<vmem>> -> memref<1x128x128xf32, #tpu.memory_space<vmem>>
      %dma_wait3A_97 = tpu.memref_squeeze %dma_wait3A_96 : memref<1x128x128xf32, #tpu.memory_space<vmem>> -> memref<128x128xf32, #tpu.memory_space<vmem>>
      %dma_wait3A_98 = arith.constant 0 : i32
      %dma_wait3A_99 = arith.constant 0 : i32
      %dma_wait3A_100 = tpu.memref_slice %arg2[%dma_wait3A_98, %dma_wait3A_99] : memref<10000x128xf32, #tpu.memory_space<hbm>> -> memref<128x128xf32, #tpu.memory_space<hbm>>
      tpu.wait_dma2 semaphore(%arg12 : memref<!tpu.dma_semaphore, #tpu.memory_space<semaphore_mem>>) src(%dma_wait3A_100 : memref<128x128xf32, #tpu.memory_space<hbm>>) dst(%dma_wait3A_97 : memref<128x128xf32, #tpu.memory_space<vmem>>)
      %dma_start3A_101 = arith.constant 4 : i32
      %dma_start3A_102 = arith.constant 0 : i32
      %dma_start3A_103 = arith.constant 0 : i32
      %dma_start3A_104 = arith.constant 0 : i32
      %dma_start3A_105 = tpu.memref_slice %arg9[%dma_start3A_102, %dma_start3A_103, %dma_start3A_104] : memref<2x128x128xf32, #tpu.memory_space<vmem>> -> memref<1x128x128xf32, #tpu.memory_space<vmem>>
      %dma_start3A_106 = tpu.memref_squeeze %dma_start3A_105 : memref<1x128x128xf32, #tpu.memory_space<vmem>> -> memref<128x128xf32, #tpu.memory_space<vmem>>
      %dma_start3A_107 = arith.constant 0 : i32
      %dma_start3A_108 = tpu.memref_slice %arg8[%dma_start3A_101, %dma_start3A_107] : memref<16x128xi32, #tpu.memory_space<vmem>> -> memref<1x128xi32, #tpu.memory_space<vmem>>
      %dma_start3A_109 = tpu.memref_squeeze %dma_start3A_108 : memref<1x128xi32, #tpu.memory_space<vmem>> -> memref<128xi32, #tpu.memory_space<vmem>>
      %dma_start3A_110 = arith.constant 0 : i32
      %dma_start3A_111 = arith.constant 0 : i32
      %dma_start3A_112 = tpu.memref_slice %arg2[%dma_start3A_110, %dma_start3A_111] : memref<10000x128xf32, #tpu.memory_space<hbm>> -> memref<10000x128xf32, #tpu.memory_space<hbm>>
      tpu.enqueue_indirect_dma source(%dma_start3A_112 : memref<10000x128xf32, #tpu.memory_space<hbm>>) target(%dma_start3A_106 : memref<128x128xf32, #tpu.memory_space<vmem>>) offsets(%dma_start3A_109 : memref<128xi32, #tpu.memory_space<vmem>>) semaphore(%arg11 : memref<!tpu.dma_semaphore, #tpu.memory_space<semaphore_mem>>)
      %get3A_113 = arith.constant 3 : i32
      %get3A_114 = arith.index_cast %get3A_113 : i32 to index
      %get3A_115 = arith.constant 0 : index
      %get3A_116 = tpu.vector_load %arg8[%get3A_114, %get3A_115] {strides = array<i32>} : memref<16x128xi32, #tpu.memory_space<vmem>>, vector<16xi32>,
      tpu.vector_store_idx %arg13[%get3A_116], %broadcast_in_dim3A_3 {add = true} : memref<10240xf32, #tpu.memory_space<vmem>>[vector<16xi32>], vector<16xf32>,
      %get3A_117 = arith.constant 3 : i32
      %get3A_118 = arith.index_cast %get3A_117 : i32 to index
      %get3A_119 = arith.constant 16 : index
      %get3A_120 = tpu.vector_load %arg8[%get3A_118, %get3A_119] {strides = array<i32>} : memref<16x128xi32, #tpu.memory_space<vmem>>, vector<16xi32>,
      tpu.vector_store_idx %arg13[%get3A_120], %broadcast_in_dim3A_3 {add = true} : memref<10240xf32, #tpu.memory_space<vmem>>[vector<16xi32>], vector<16xf32>,
      %get3A_121 = arith.constant 3 : i32
      %get3A_122 = arith.index_cast %get3A_121 : i32 to index
      %get3A_123 = arith.constant 32 : index
      %get3A_124 = tpu.vector_load %arg8[%get3A_122, %get3A_123] {strides = array<i32>} : memref<16x128xi32, #tpu.memory_space<vmem>>, vector<16xi32>,
      tpu.vector_store_idx %arg13[%get3A_124], %broadcast_in_dim3A_3 {add = true} : memref<10240xf32, #tpu.memory_space<vmem>>[vector<16xi32>], vector<16xf32>,
      %get3A_125 = arith.constant 3 : i32
      %get3A_126 = arith.index_cast %get3A_125 : i32 to index
      %get3A_127 = arith.constant 48 : index
      %get3A_128 = tpu.vector_load %arg8[%get3A_126, %get3A_127] {strides = array<i32>} : memref<16x128xi32, #tpu.memory_space<vmem>>, vector<16xi32>,
      tpu.vector_store_idx %arg13[%get3A_128], %broadcast_in_dim3A_3 {add = true} : memref<10240xf32, #tpu.memory_space<vmem>>[vector<16xi32>], vector<16xf32>,
      %get3A_129 = arith.constant 3 : i32
      %get3A_130 = arith.index_cast %get3A_129 : i32 to index
      %get3A_131 = arith.constant 64 : index
      %get3A_132 = tpu.vector_load %arg8[%get3A_130, %get3A_131] {strides = array<i32>} : memref<16x128xi32, #tpu.memory_space<vmem>>, vector<16xi32>,
      tpu.vector_store_idx %arg13[%get3A_132], %broadcast_in_dim3A_3 {add = true} : memref<10240xf32, #tpu.memory_space<vmem>>[vector<16xi32>], vector<16xf32>,
      %get3A_133 = arith.constant 3 : i32
      %get3A_134 = arith.index_cast %get3A_133 : i32 to index
      %get3A_135 = arith.constant 80 : index
      %get3A_136 = tpu.vector_load %arg8[%get3A_134, %get3A_135] {strides = array<i32>} : memref<16x128xi32, #tpu.memory_space<vmem>>, vector<16xi32>,
      tpu.vector_store_idx %arg13[%get3A_136], %broadcast_in_dim3A_3 {add = true} : memref<10240xf32, #tpu.memory_space<vmem>>[vector<16xi32>], vector<16xf32>,
      %get3A_137 = arith.constant 3 : i32
      %get3A_138 = arith.index_cast %get3A_137 : i32 to index
      %get3A_139 = arith.constant 96 : index
      %get3A_140 = tpu.vector_load %arg8[%get3A_138, %get3A_139] {strides = array<i32>} : memref<16x128xi32, #tpu.memory_space<vmem>>, vector<16xi32>,
      tpu.vector_store_idx %arg13[%get3A_140], %broadcast_in_dim3A_3 {add = true} : memref<10240xf32, #tpu.memory_space<vmem>>[vector<16xi32>], vector<16xf32>,
      %get3A_141 = arith.constant 3 : i32
      %get3A_142 = arith.index_cast %get3A_141 : i32 to index
      %get3A_143 = arith.constant 112 : index
      %get3A_144 = tpu.vector_load %arg8[%get3A_142, %get3A_143] {strides = array<i32>} : memref<16x128xi32, #tpu.memory_space<vmem>>, vector<16xi32>,
      tpu.vector_store_idx %arg13[%get3A_144], %broadcast_in_dim3A_3 {add = true} : memref<10240xf32, #tpu.memory_space<vmem>>[vector<16xi32>], vector<16xf32>,
      %run_scoped3A_145 = arith.constant 1 : i32
      %run_scoped3A_146 = arith.constant 3 : i32
      "tpu.region"() ({
        %run_scoped3A_501 = tpu.sem_alloc : memref<!tpu.dma_semaphore, #tpu.memory_space<semaphore_mem>>
        %dma_start3A_502 = arith.constant 0 : i32
        %dma_start3A_503 = arith.constant 0 : i32
        %dma_start3A_504 = tpu.memref_slice %arg9[%run_scoped3A_145, %dma_start3A_502, %dma_start3A_503] : memref<2x128x128xf32, #tpu.memory_space<vmem>> -> memref<1x128x128xf32, #tpu.memory_space<vmem>>
        %dma_start3A_505 = tpu.memref_squeeze %dma_start3A_504 : memref<1x128x128xf32, #tpu.memory_space<vmem>> -> memref<128x128xf32, #tpu.memory_space<vmem>>
        %dma_start3A_506 = arith.constant 0 : i32
        %dma_start3A_507 = tpu.memref_slice %arg8[%run_scoped3A_146, %dma_start3A_506] : memref<16x128xi32, #tpu.memory_space<vmem>> -> memref<1x128xi32, #tpu.memory_space<vmem>>
        %dma_start3A_508 = tpu.memref_squeeze %dma_start3A_507 : memref<1x128xi32, #tpu.memory_space<vmem>> -> memref<128xi32, #tpu.memory_space<vmem>>
        %dma_start3A_509 = arith.constant 0 : i32
        %dma_start3A_510 = arith.constant 0 : i32
        %dma_start3A_511 = tpu.memref_slice %arg10[%dma_start3A_509, %dma_start3A_510] : memref<10240x128xf32, #tpu.memory_space<vmem_shared>> -> memref<10240x128xf32, #tpu.memory_space<vmem_shared>>
        tpu.enqueue_indirect_dma source(%dma_start3A_505 : memref<128x128xf32, #tpu.memory_space<vmem>>) target(%dma_start3A_511 : memref<10240x128xf32, #tpu.memory_space<vmem_shared>>) offsets(%dma_start3A_508 : memref<128xi32, #tpu.memory_space<vmem>>) semaphore(%run_scoped3A_501 : memref<!tpu.dma_semaphore, #tpu.memory_space<semaphore_mem>>) {add = true}
        %dma_wait3A_512 = arith.constant 0 : i32
        %dma_wait3A_513 = arith.constant 0 : i32
        %dma_wait3A_514 = tpu.memref_slice %arg9[%run_scoped3A_145, %dma_wait3A_512, %dma_wait3A_513] : memref<2x128x128xf32, #tpu.memory_space<vmem>> -> memref<1x128x128xf32, #tpu.memory_space<vmem>>
        %dma_wait3A_515 = tpu.memref_squeeze %dma_wait3A_514 : memref<1x128x128xf32, #tpu.memory_space<vmem>> -> memref<128x128xf32, #tpu.memory_space<vmem>>
        %dma_wait3A_516 = arith.constant 0 : i32
        %dma_wait3A_517 = tpu.memref_slice %arg8[%run_scoped3A_146, %dma_wait3A_516] : memref<16x128xi32, #tpu.memory_space<vmem>> -> memref<1x128xi32, #tpu.memory_space<vmem>>
        %dma_wait3A_518 = tpu.memref_squeeze %dma_wait3A_517 : memref<1x128xi32, #tpu.memory_space<vmem>> -> memref<128xi32, #tpu.memory_space<vmem>>
        %dma_wait3A_519 = arith.constant 0 : i32
        %dma_wait3A_520 = arith.constant 0 : i32
        %dma_wait3A_521 = tpu.memref_slice %arg10[%dma_wait3A_519, %dma_wait3A_520] : memref<10240x128xf32, #tpu.memory_space<vmem_shared>> -> memref<10240x128xf32, #tpu.memory_space<vmem_shared>>
        tpu.wait_indirect_dma semaphore(%run_scoped3A_501 : memref<!tpu.dma_semaphore, #tpu.memory_space<semaphore_mem>>) src(%dma_wait3A_515 : memref<128x128xf32, #tpu.memory_space<vmem>>) dst(%dma_wait3A_521 : memref<10240x128xf32, #tpu.memory_space<vmem_shared>>)
        tpu.yield
      }) : () -> ()
      %dma_wait3A_147 = arith.constant 0 : i32
      %dma_wait3A_148 = arith.constant 0 : i32
      %dma_wait3A_149 = arith.constant 0 : i32
      %dma_wait3A_150 = tpu.memref_slice %arg9[%dma_wait3A_147, %dma_wait3A_148, %dma_wait3A_149] : memref<2x128x128xf32, #tpu.memory_space<vmem>> -> memref<1x128x128xf32, #tpu.memory_space<vmem>>
      %dma_wait3A_151 = tpu.memref_squeeze %dma_wait3A_150 : memref<1x128x128xf32, #tpu.memory_space<vmem>> -> memref<128x128xf32, #tpu.memory_space<vmem>>
      %dma_wait3A_152 = arith.constant 0 : i32
      %dma_wait3A_153 = arith.constant 0 : i32
      %dma_wait3A_154 = tpu.memref_slice %arg2[%dma_wait3A_152, %dma_wait3A_153] : memref<10000x128xf32, #tpu.memory_space<hbm>> -> memref<128x128xf32, #tpu.memory_space<hbm>>
      %dma_wait3A_155 = arith.constant 0 : i32
      %dma_wait3A_156 = arith.constant 0 : i32
      %dma_wait3A_157 = tpu.memref_slice %arg9[%dma_wait3A_147, %dma_wait3A_155, %dma_wait3A_156] : memref<2x128x128xf32, #tpu.memory_space<vmem>> -> memref<1x128x128xf32, #tpu.memory_space<vmem>>
      %dma_wait3A_158 = tpu.memref_squeeze %dma_wait3A_157 : memref<1x128x128xf32, #tpu.memory_space<vmem>> -> memref<128x128xf32, #tpu.memory_space<vmem>>
      %dma_wait3A_159 = arith.constant 0 : i32
      %dma_wait3A_160 = arith.constant 0 : i32
      %dma_wait3A_161 = tpu.memref_slice %arg2[%dma_wait3A_159, %dma_wait3A_160] : memref<10000x128xf32, #tpu.memory_space<hbm>> -> memref<128x128xf32, #tpu.memory_space<hbm>>
      tpu.wait_dma2 semaphore(%arg11 : memref<!tpu.dma_semaphore, #tpu.memory_space<semaphore_mem>>) src(%dma_wait3A_161 : memref<128x128xf32, #tpu.memory_space<hbm>>) dst(%dma_wait3A_158 : memref<128x128xf32, #tpu.memory_space<vmem>>)
      %dma_start3A_162 = arith.constant 6 : i32
      %dma_start3A_163 = arith.constant 1 : i32
      %dma_start3A_164 = arith.constant 0 : i32
      %dma_start3A_165 = arith.constant 0 : i32
      %dma_start3A_166 = tpu.memref_slice %arg9[%dma_start3A_163, %dma_start3A_164, %dma_start3A_165] : memref<2x128x128xf32, #tpu.memory_space<vmem>> -> memref<1x128x128xf32, #tpu.memory_space<vmem>>
      %dma_start3A_167 = tpu.memref_squeeze %dma_start3A_166 : memref<1x128x128xf32, #tpu.memory_space<vmem>> -> memref<128x128xf32, #tpu.memory_space<vmem>>
      %dma_start3A_168 = arith.constant 0 : i32
      %dma_start3A_169 = tpu.memref_slice %arg8[%dma_start3A_162, %dma_start3A_168] : memref<16x128xi32, #tpu.memory_space<vmem>> -> memref<1x128xi32, #tpu.memory_space<vmem>>
      %dma_start3A_170 = tpu.memref_squeeze %dma_start3A_169 : memref<1x128xi32, #tpu.memory_space<vmem>> -> memref<128xi32, #tpu.memory_space<vmem>>
      %dma_start3A_171 = arith.constant 0 : i32
      %dma_start3A_172 = arith.constant 0 : i32
      %dma_start3A_173 = tpu.memref_slice %arg2[%dma_start3A_171, %dma_start3A_172] : memref<10000x128xf32, #tpu.memory_space<hbm>> -> memref<10000x128xf32, #tpu.memory_space<hbm>>
      tpu.enqueue_indirect_dma source(%dma_start3A_173 : memref<10000x128xf32, #tpu.memory_space<hbm>>) target(%dma_start3A_167 : memref<128x128xf32, #tpu.memory_space<vmem>>) offsets(%dma_start3A_170 : memref<128xi32, #tpu.memory_space<vmem>>) semaphore(%arg12 : memref<!tpu.dma_semaphore, #tpu.memory_space<semaphore_mem>>)
      %get3A_174 = arith.constant 5 : i32
      %get3A_175 = arith.index_cast %get3A_174 : i32 to index
      %get3A_176 = arith.constant 0 : index
      %get3A_177 = tpu.vector_load %arg8[%get3A_175, %get3A_176] {strides = array<i32>} : memref<16x128xi32, #tpu.memory_space<vmem>>, vector<16xi32>,
      tpu.vector_store_idx %arg13[%get3A_177], %broadcast_in_dim3A_3 {add = true} : memref<10240xf32, #tpu.memory_space<vmem>>[vector<16xi32>], vector<16xf32>,
      %get3A_178 = arith.constant 5 : i32
      %get3A_179 = arith.index_cast %get3A_178 : i32 to index
      %get3A_180 = arith.constant 16 : index
      %get3A_181 = tpu.vector_load %arg8[%get3A_179, %get3A_180] {strides = array<i32>} : memref<16x128xi32, #tpu.memory_space<vmem>>, vector<16xi32>,
      tpu.vector_store_idx %arg13[%get3A_181], %broadcast_in_dim3A_3 {add = true} : memref<10240xf32, #tpu.memory_space<vmem>>[vector<16xi32>], vector<16xf32>,
      %get3A_182 = arith.constant 5 : i32
      %get3A_183 = arith.index_cast %get3A_182 : i32 to index
      %get3A_184 = arith.constant 32 : index
      %get3A_185 = tpu.vector_load %arg8[%get3A_183, %get3A_184] {strides = array<i32>} : memref<16x128xi32, #tpu.memory_space<vmem>>, vector<16xi32>,
      tpu.vector_store_idx %arg13[%get3A_185], %broadcast_in_dim3A_3 {add = true} : memref<10240xf32, #tpu.memory_space<vmem>>[vector<16xi32>], vector<16xf32>,
      %get3A_186 = arith.constant 5 : i32
      %get3A_187 = arith.index_cast %get3A_186 : i32 to index
      %get3A_188 = arith.constant 48 : index
      %get3A_189 = tpu.vector_load %arg8[%get3A_187, %get3A_188] {strides = array<i32>} : memref<16x128xi32, #tpu.memory_space<vmem>>, vector<16xi32>,
      tpu.vector_store_idx %arg13[%get3A_189], %broadcast_in_dim3A_3 {add = true} : memref<10240xf32, #tpu.memory_space<vmem>>[vector<16xi32>], vector<16xf32>,
      %get3A_190 = arith.constant 5 : i32
      %get3A_191 = arith.index_cast %get3A_190 : i32 to index
      %get3A_192 = arith.constant 64 : index
      %get3A_193 = tpu.vector_load %arg8[%get3A_191, %get3A_192] {strides = array<i32>} : memref<16x128xi32, #tpu.memory_space<vmem>>, vector<16xi32>,
      tpu.vector_store_idx %arg13[%get3A_193], %broadcast_in_dim3A_3 {add = true} : memref<10240xf32, #tpu.memory_space<vmem>>[vector<16xi32>], vector<16xf32>,
      %get3A_194 = arith.constant 5 : i32
      %get3A_195 = arith.index_cast %get3A_194 : i32 to index
      %get3A_196 = arith.constant 80 : index
      %get3A_197 = tpu.vector_load %arg8[%get3A_195, %get3A_196] {strides = array<i32>} : memref<16x128xi32, #tpu.memory_space<vmem>>, vector<16xi32>,
      tpu.vector_store_idx %arg13[%get3A_197], %broadcast_in_dim3A_3 {add = true} : memref<10240xf32, #tpu.memory_space<vmem>>[vector<16xi32>], vector<16xf32>,
      %get3A_198 = arith.constant 5 : i32
      %get3A_199 = arith.index_cast %get3A_198 : i32 to index
      %get3A_200 = arith.constant 96 : index
      %get3A_201 = tpu.vector_load %arg8[%get3A_199, %get3A_200] {strides = array<i32>} : memref<16x128xi32, #tpu.memory_space<vmem>>, vector<16xi32>,
      tpu.vector_store_idx %arg13[%get3A_201], %broadcast_in_dim3A_3 {add = true} : memref<10240xf32, #tpu.memory_space<vmem>>[vector<16xi32>], vector<16xf32>,
      %get3A_202 = arith.constant 5 : i32
      %get3A_203 = arith.index_cast %get3A_202 : i32 to index
      %get3A_204 = arith.constant 112 : index
      %get3A_205 = tpu.vector_load %arg8[%get3A_203, %get3A_204] {strides = array<i32>} : memref<16x128xi32, #tpu.memory_space<vmem>>, vector<16xi32>,
      tpu.vector_store_idx %arg13[%get3A_205], %broadcast_in_dim3A_3 {add = true} : memref<10240xf32, #tpu.memory_space<vmem>>[vector<16xi32>], vector<16xf32>,
      %run_scoped3A_206 = arith.constant 0 : i32
      %run_scoped3A_207 = arith.constant 5 : i32
      "tpu.region"() ({
        %run_scoped3A_501 = tpu.sem_alloc : memref<!tpu.dma_semaphore, #tpu.memory_space<semaphore_mem>>
        %dma_start3A_502 = arith.constant 0 : i32
        %dma_start3A_503 = arith.constant 0 : i32
        %dma_start3A_504 = tpu.memref_slice %arg9[%run_scoped3A_206, %dma_start3A_502, %dma_start3A_503] : memref<2x128x128xf32, #tpu.memory_space<vmem>> -> memref<1x128x128xf32, #tpu.memory_space<vmem>>
        %dma_start3A_505 = tpu.memref_squeeze %dma_start3A_504 : memref<1x128x128xf32, #tpu.memory_space<vmem>> -> memref<128x128xf32, #tpu.memory_space<vmem>>
        %dma_start3A_506 = arith.constant 0 : i32
        %dma_start3A_507 = tpu.memref_slice %arg8[%run_scoped3A_207, %dma_start3A_506] : memref<16x128xi32, #tpu.memory_space<vmem>> -> memref<1x128xi32, #tpu.memory_space<vmem>>
        %dma_start3A_508 = tpu.memref_squeeze %dma_start3A_507 : memref<1x128xi32, #tpu.memory_space<vmem>> -> memref<128xi32, #tpu.memory_space<vmem>>
        %dma_start3A_509 = arith.constant 0 : i32
        %dma_start3A_510 = arith.constant 0 : i32
        %dma_start3A_511 = tpu.memref_slice %arg10[%dma_start3A_509, %dma_start3A_510] : memref<10240x128xf32, #tpu.memory_space<vmem_shared>> -> memref<10240x128xf32, #tpu.memory_space<vmem_shared>>
        tpu.enqueue_indirect_dma source(%dma_start3A_505 : memref<128x128xf32, #tpu.memory_space<vmem>>) target(%dma_start3A_511 : memref<10240x128xf32, #tpu.memory_space<vmem_shared>>) offsets(%dma_start3A_508 : memref<128xi32, #tpu.memory_space<vmem>>) semaphore(%run_scoped3A_501 : memref<!tpu.dma_semaphore, #tpu.memory_space<semaphore_mem>>) {add = true}
        %dma_wait3A_512 = arith.constant 0 : i32
        %dma_wait3A_513 = arith.constant 0 : i32
        %dma_wait3A_514 = tpu.memref_slice %arg9[%run_scoped3A_206, %dma_wait3A_512, %dma_wait3A_513] : memref<2x128x128xf32, #tpu.memory_space<vmem>> -> memref<1x128x128xf32, #tpu.memory_space<vmem>>
        %dma_wait3A_515 = tpu.memref_squeeze %dma_wait3A_514 : memref<1x128x128xf32, #tpu.memory_space<vmem>> -> memref<128x128xf32, #tpu.memory_space<vmem>>
        %dma_wait3A_516 = arith.constant 0 : i32
        %dma_wait3A_517 = tpu.memref_slice %arg8[%run_scoped3A_207, %dma_wait3A_516] : memref<16x128xi32, #tpu.memory_space<vmem>> -> memref<1x128xi32, #tpu.memory_space<vmem>>
        %dma_wait3A_518 = tpu.memref_squeeze %dma_wait3A_517 : memref<1x128xi32, #tpu.memory_space<vmem>> -> memref<128xi32, #tpu.memory_space<vmem>>
        %dma_wait3A_519 = arith.constant 0 : i32
        %dma_wait3A_520 = arith.constant 0 : i32
        %dma_wait3A_521 = tpu.memref_slice %arg10[%dma_wait3A_519, %dma_wait3A_520] : memref<10240x128xf32, #tpu.memory_space<vmem_shared>> -> memref<10240x128xf32, #tpu.memory_space<vmem_shared>>
        tpu.wait_indirect_dma semaphore(%run_scoped3A_501 : memref<!tpu.dma_semaphore, #tpu.memory_space<semaphore_mem>>) src(%dma_wait3A_515 : memref<128x128xf32, #tpu.memory_space<vmem>>) dst(%dma_wait3A_521 : memref<10240x128xf32, #tpu.memory_space<vmem_shared>>)
        tpu.yield
      }) : () -> ()
      %dma_wait3A_208 = arith.constant 1 : i32
      %dma_wait3A_209 = arith.constant 0 : i32
      %dma_wait3A_210 = arith.constant 0 : i32
      %dma_wait3A_211 = tpu.memref_slice %arg9[%dma_wait3A_208, %dma_wait3A_209, %dma_wait3A_210] : memref<2x128x128xf32, #tpu.memory_space<vmem>> -> memref<1x128x128xf32, #tpu.memory_space<vmem>>
      %dma_wait3A_212 = tpu.memref_squeeze %dma_wait3A_211 : memref<1x128x128xf32, #tpu.memory_space<vmem>> -> memref<128x128xf32, #tpu.memory_space<vmem>>
      %dma_wait3A_213 = arith.constant 0 : i32
      %dma_wait3A_214 = arith.constant 0 : i32
      %dma_wait3A_215 = tpu.memref_slice %arg2[%dma_wait3A_213, %dma_wait3A_214] : memref<10000x128xf32, #tpu.memory_space<hbm>> -> memref<128x128xf32, #tpu.memory_space<hbm>>
      %dma_wait3A_216 = arith.constant 0 : i32
      %dma_wait3A_217 = arith.constant 0 : i32
      %dma_wait3A_218 = tpu.memref_slice %arg9[%dma_wait3A_208, %dma_wait3A_216, %dma_wait3A_217] : memref<2x128x128xf32, #tpu.memory_space<vmem>> -> memref<1x128x128xf32, #tpu.memory_space<vmem>>
      %dma_wait3A_219 = tpu.memref_squeeze %dma_wait3A_218 : memref<1x128x128xf32, #tpu.memory_space<vmem>> -> memref<128x128xf32, #tpu.memory_space<vmem>>
      %dma_wait3A_220 = arith.constant 0 : i32
      %dma_wait3A_221 = arith.constant 0 : i32
      %dma_wait3A_222 = tpu.memref_slice %arg2[%dma_wait3A_220, %dma_wait3A_221] : memref<10000x128xf32, #tpu.memory_space<hbm>> -> memref<128x128xf32, #tpu.memory_space<hbm>>
      tpu.wait_dma2 semaphore(%arg12 : memref<!tpu.dma_semaphore, #tpu.memory_space<semaphore_mem>>) src(%dma_wait3A_222 : memref<128x128xf32, #tpu.memory_space<hbm>>) dst(%dma_wait3A_219 : memref<128x128xf32, #tpu.memory_space<vmem>>)
      %dma_start3A_223 = arith.constant 8 : i32
      %dma_start3A_224 = arith.constant 0 : i32
      %dma_start3A_225 = arith.constant 0 : i32
      %dma_start3A_226 = arith.constant 0 : i32
      %dma_start3A_227 = tpu.memref_slice %arg9[%dma_start3A_224, %dma_start3A_225, %dma_start3A_226] : memref<2x128x128xf32, #tpu.memory_space<vmem>> -> memref<1x128x128xf32, #tpu.memory_space<vmem>>
      %dma_start3A_228 = tpu.memref_squeeze %dma_start3A_227 : memref<1x128x128xf32, #tpu.memory_space<vmem>> -> memref<128x128xf32, #tpu.memory_space<vmem>>
      %dma_start3A_229 = arith.constant 0 : i32
      %dma_start3A_230 = tpu.memref_slice %arg8[%dma_start3A_223, %dma_start3A_229] : memref<16x128xi32, #tpu.memory_space<vmem>> -> memref<1x128xi32, #tpu.memory_space<vmem>>
      %dma_start3A_231 = tpu.memref_squeeze %dma_start3A_230 : memref<1x128xi32, #tpu.memory_space<vmem>> -> memref<128xi32, #tpu.memory_space<vmem>>
      %dma_start3A_232 = arith.constant 0 : i32
      %dma_start3A_233 = arith.constant 0 : i32
      %dma_start3A_234 = tpu.memref_slice %arg2[%dma_start3A_232, %dma_start3A_233] : memref<10000x128xf32, #tpu.memory_space<hbm>> -> memref<10000x128xf32, #tpu.memory_space<hbm>>
      tpu.enqueue_indirect_dma source(%dma_start3A_234 : memref<10000x128xf32, #tpu.memory_space<hbm>>) target(%dma_start3A_228 : memref<128x128xf32, #tpu.memory_space<vmem>>) offsets(%dma_start3A_231 : memref<128xi32, #tpu.memory_space<vmem>>) semaphore(%arg11 : memref<!tpu.dma_semaphore, #tpu.memory_space<semaphore_mem>>)
      %get3A_235 = arith.constant 7 : i32
      %get3A_236 = arith.index_cast %get3A_235 : i32 to index
      %get3A_237 = arith.constant 0 : index
      %get3A_238 = tpu.vector_load %arg8[%get3A_236, %get3A_237] {strides = array<i32>} : memref<16x128xi32, #tpu.memory_space<vmem>>, vector<16xi32>,
      tpu.vector_store_idx %arg13[%get3A_238], %broadcast_in_dim3A_3 {add = true} : memref<10240xf32, #tpu.memory_space<vmem>>[vector<16xi32>], vector<16xf32>,
      %get3A_239 = arith.constant 7 : i32
      %get3A_240 = arith.index_cast %get3A_239 : i32 to index
      %get3A_241 = arith.constant 16 : index
      %get3A_242 = tpu.vector_load %arg8[%get3A_240, %get3A_241] {strides = array<i32>} : memref<16x128xi32, #tpu.memory_space<vmem>>, vector<16xi32>,
      tpu.vector_store_idx %arg13[%get3A_242], %broadcast_in_dim3A_3 {add = true} : memref<10240xf32, #tpu.memory_space<vmem>>[vector<16xi32>], vector<16xf32>,
      %get3A_243 = arith.constant 7 : i32
      %get3A_244 = arith.index_cast %get3A_243 : i32 to index
      %get3A_245 = arith.constant 32 : index
      %get3A_246 = tpu.vector_load %arg8[%get3A_244, %get3A_245] {strides = array<i32>} : memref<16x128xi32, #tpu.memory_space<vmem>>, vector<16xi32>,
      tpu.vector_store_idx %arg13[%get3A_246], %broadcast_in_dim3A_3 {add = true} : memref<10240xf32, #tpu.memory_space<vmem>>[vector<16xi32>], vector<16xf32>,
      %get3A_247 = arith.constant 7 : i32
      %get3A_248 = arith.index_cast %get3A_247 : i32 to index
      %get3A_249 = arith.constant 48 : index
      %get3A_250 = tpu.vector_load %arg8[%get3A_248, %get3A_249] {strides = array<i32>} : memref<16x128xi32, #tpu.memory_space<vmem>>, vector<16xi32>,
      tpu.vector_store_idx %arg13[%get3A_250], %broadcast_in_dim3A_3 {add = true} : memref<10240xf32, #tpu.memory_space<vmem>>[vector<16xi32>], vector<16xf32>,
      %get3A_251 = arith.constant 7 : i32
      %get3A_252 = arith.index_cast %get3A_251 : i32 to index
      %get3A_253 = arith.constant 64 : index
      %get3A_254 = tpu.vector_load %arg8[%get3A_252, %get3A_253] {strides = array<i32>} : memref<16x128xi32, #tpu.memory_space<vmem>>, vector<16xi32>,
      tpu.vector_store_idx %arg13[%get3A_254], %broadcast_in_dim3A_3 {add = true} : memref<10240xf32, #tpu.memory_space<vmem>>[vector<16xi32>], vector<16xf32>,
      %get3A_255 = arith.constant 7 : i32
      %get3A_256 = arith.index_cast %get3A_255 : i32 to index
      %get3A_257 = arith.constant 80 : index
      %get3A_258 = tpu.vector_load %arg8[%get3A_256, %get3A_257] {strides = array<i32>} : memref<16x128xi32, #tpu.memory_space<vmem>>, vector<16xi32>,
      tpu.vector_store_idx %arg13[%get3A_258], %broadcast_in_dim3A_3 {add = true} : memref<10240xf32, #tpu.memory_space<vmem>>[vector<16xi32>], vector<16xf32>,
      %get3A_259 = arith.constant 7 : i32
      %get3A_260 = arith.index_cast %get3A_259 : i32 to index
      %get3A_261 = arith.constant 96 : index
      %get3A_262 = tpu.vector_load %arg8[%get3A_260, %get3A_261] {strides = array<i32>} : memref<16x128xi32, #tpu.memory_space<vmem>>, vector<16xi32>,
      tpu.vector_store_idx %arg13[%get3A_262], %broadcast_in_dim3A_3 {add = true} : memref<10240xf32, #tpu.memory_space<vmem>>[vector<16xi32>], vector<16xf32>,
      %get3A_263 = arith.constant 7 : i32
      %get3A_264 = arith.index_cast %get3A_263 : i32 to index
      %get3A_265 = arith.constant 112 : index
      %get3A_266 = tpu.vector_load %arg8[%get3A_264, %get3A_265] {strides = array<i32>} : memref<16x128xi32, #tpu.memory_space<vmem>>, vector<16xi32>,
      tpu.vector_store_idx %arg13[%get3A_266], %broadcast_in_dim3A_3 {add = true} : memref<10240xf32, #tpu.memory_space<vmem>>[vector<16xi32>], vector<16xf32>,
      %run_scoped3A_267 = arith.constant 1 : i32
      %run_scoped3A_268 = arith.constant 7 : i32
      "tpu.region"() ({
        %run_scoped3A_501 = tpu.sem_alloc : memref<!tpu.dma_semaphore, #tpu.memory_space<semaphore_mem>>
        %dma_start3A_502 = arith.constant 0 : i32
        %dma_start3A_503 = arith.constant 0 : i32
        %dma_start3A_504 = tpu.memref_slice %arg9[%run_scoped3A_267, %dma_start3A_502, %dma_start3A_503] : memref<2x128x128xf32, #tpu.memory_space<vmem>> -> memref<1x128x128xf32, #tpu.memory_space<vmem>>
        %dma_start3A_505 = tpu.memref_squeeze %dma_start3A_504 : memref<1x128x128xf32, #tpu.memory_space<vmem>> -> memref<128x128xf32, #tpu.memory_space<vmem>>
        %dma_start3A_506 = arith.constant 0 : i32
        %dma_start3A_507 = tpu.memref_slice %arg8[%run_scoped3A_268, %dma_start3A_506] : memref<16x128xi32, #tpu.memory_space<vmem>> -> memref<1x128xi32, #tpu.memory_space<vmem>>
        %dma_start3A_508 = tpu.memref_squeeze %dma_start3A_507 : memref<1x128xi32, #tpu.memory_space<vmem>> -> memref<128xi32, #tpu.memory_space<vmem>>
        %dma_start3A_509 = arith.constant 0 : i32
        %dma_start3A_510 = arith.constant 0 : i32
        %dma_start3A_511 = tpu.memref_slice %arg10[%dma_start3A_509, %dma_start3A_510] : memref<10240x128xf32, #tpu.memory_space<vmem_shared>> -> memref<10240x128xf32, #tpu.memory_space<vmem_shared>>
        tpu.enqueue_indirect_dma source(%dma_start3A_505 : memref<128x128xf32, #tpu.memory_space<vmem>>) target(%dma_start3A_511 : memref<10240x128xf32, #tpu.memory_space<vmem_shared>>) offsets(%dma_start3A_508 : memref<128xi32, #tpu.memory_space<vmem>>) semaphore(%run_scoped3A_501 : memref<!tpu.dma_semaphore, #tpu.memory_space<semaphore_mem>>) {add = true}
        %dma_wait3A_512 = arith.constant 0 : i32
        %dma_wait3A_513 = arith.constant 0 : i32
        %dma_wait3A_514 = tpu.memref_slice %arg9[%run_scoped3A_267, %dma_wait3A_512, %dma_wait3A_513] : memref<2x128x128xf32, #tpu.memory_space<vmem>> -> memref<1x128x128xf32, #tpu.memory_space<vmem>>
        %dma_wait3A_515 = tpu.memref_squeeze %dma_wait3A_514 : memref<1x128x128xf32, #tpu.memory_space<vmem>> -> memref<128x128xf32, #tpu.memory_space<vmem>>
        %dma_wait3A_516 = arith.constant 0 : i32
        %dma_wait3A_517 = tpu.memref_slice %arg8[%run_scoped3A_268, %dma_wait3A_516] : memref<16x128xi32, #tpu.memory_space<vmem>> -> memref<1x128xi32, #tpu.memory_space<vmem>>
        %dma_wait3A_518 = tpu.memref_squeeze %dma_wait3A_517 : memref<1x128xi32, #tpu.memory_space<vmem>> -> memref<128xi32, #tpu.memory_space<vmem>>
        %dma_wait3A_519 = arith.constant 0 : i32
        %dma_wait3A_520 = arith.constant 0 : i32
        %dma_wait3A_521 = tpu.memref_slice %arg10[%dma_wait3A_519, %dma_wait3A_520] : memref<10240x128xf32, #tpu.memory_space<vmem_shared>> -> memref<10240x128xf32, #tpu.memory_space<vmem_shared>>
        tpu.wait_indirect_dma semaphore(%run_scoped3A_501 : memref<!tpu.dma_semaphore, #tpu.memory_space<semaphore_mem>>) src(%dma_wait3A_515 : memref<128x128xf32, #tpu.memory_space<vmem>>) dst(%dma_wait3A_521 : memref<10240x128xf32, #tpu.memory_space<vmem_shared>>)
        tpu.yield
      }) : () -> ()
      %dma_wait3A_269 = arith.constant 0 : i32
      %dma_wait3A_270 = arith.constant 0 : i32
      %dma_wait3A_271 = arith.constant 0 : i32
      %dma_wait3A_272 = tpu.memref_slice %arg9[%dma_wait3A_269, %dma_wait3A_270, %dma_wait3A_271] : memref<2x128x128xf32, #tpu.memory_space<vmem>> -> memref<1x128x128xf32, #tpu.memory_space<vmem>>
      %dma_wait3A_273 = tpu.memref_squeeze %dma_wait3A_272 : memref<1x128x128xf32, #tpu.memory_space<vmem>> -> memref<128x128xf32, #tpu.memory_space<vmem>>
      %dma_wait3A_274 = arith.constant 0 : i32
      %dma_wait3A_275 = arith.constant 0 : i32
      %dma_wait3A_276 = tpu.memref_slice %arg2[%dma_wait3A_274, %dma_wait3A_275] : memref<10000x128xf32, #tpu.memory_space<hbm>> -> memref<128x128xf32, #tpu.memory_space<hbm>>
      %dma_wait3A_277 = arith.constant 0 : i32
      %dma_wait3A_278 = arith.constant 0 : i32
      %dma_wait3A_279 = tpu.memref_slice %arg9[%dma_wait3A_269, %dma_wait3A_277, %dma_wait3A_278] : memref<2x128x128xf32, #tpu.memory_space<vmem>> -> memref<1x128x128xf32, #tpu.memory_space<vmem>>
      %dma_wait3A_280 = tpu.memref_squeeze %dma_wait3A_279 : memref<1x128x128xf32, #tpu.memory_space<vmem>> -> memref<128x128xf32, #tpu.memory_space<vmem>>
      %dma_wait3A_281 = arith.constant 0 : i32
      %dma_wait3A_282 = arith.constant 0 : i32
      %dma_wait3A_283 = tpu.memref_slice %arg2[%dma_wait3A_281, %dma_wait3A_282] : memref<10000x128xf32, #tpu.memory_space<hbm>> -> memref<128x128xf32, #tpu.memory_space<hbm>>
      tpu.wait_dma2 semaphore(%arg11 : memref<!tpu.dma_semaphore, #tpu.memory_space<semaphore_mem>>) src(%dma_wait3A_283 : memref<128x128xf32, #tpu.memory_space<hbm>>) dst(%dma_wait3A_280 : memref<128x128xf32, #tpu.memory_space<vmem>>)
      %dma_start3A_284 = arith.constant 10 : i32
      %dma_start3A_285 = arith.constant 1 : i32
      %dma_start3A_286 = arith.constant 0 : i32
      %dma_start3A_287 = arith.constant 0 : i32
      %dma_start3A_288 = tpu.memref_slice %arg9[%dma_start3A_285, %dma_start3A_286, %dma_start3A_287] : memref<2x128x128xf32, #tpu.memory_space<vmem>> -> memref<1x128x128xf32, #tpu.memory_space<vmem>>
      %dma_start3A_289 = tpu.memref_squeeze %dma_start3A_288 : memref<1x128x128xf32, #tpu.memory_space<vmem>> -> memref<128x128xf32, #tpu.memory_space<vmem>>
      %dma_start3A_290 = arith.constant 0 : i32
      %dma_start3A_291 = tpu.memref_slice %arg8[%dma_start3A_284, %dma_start3A_290] : memref<16x128xi32, #tpu.memory_space<vmem>> -> memref<1x128xi32, #tpu.memory_space<vmem>>
      %dma_start3A_292 = tpu.memref_squeeze %dma_start3A_291 : memref<1x128xi32, #tpu.memory_space<vmem>> -> memref<128xi32, #tpu.memory_space<vmem>>
      %dma_start3A_293 = arith.constant 0 : i32
      %dma_start3A_294 = arith.constant 0 : i32
      %dma_start3A_295 = tpu.memref_slice %arg2[%dma_start3A_293, %dma_start3A_294] : memref<10000x128xf32, #tpu.memory_space<hbm>> -> memref<10000x128xf32, #tpu.memory_space<hbm>>
      tpu.enqueue_indirect_dma source(%dma_start3A_295 : memref<10000x128xf32, #tpu.memory_space<hbm>>) target(%dma_start3A_289 : memref<128x128xf32, #tpu.memory_space<vmem>>) offsets(%dma_start3A_292 : memref<128xi32, #tpu.memory_space<vmem>>) semaphore(%arg12 : memref<!tpu.dma_semaphore, #tpu.memory_space<semaphore_mem>>)
      %get3A_296 = arith.constant 9 : i32
      %get3A_297 = arith.index_cast %get3A_296 : i32 to index
      %get3A_298 = arith.constant 0 : index
      %get3A_299 = tpu.vector_load %arg8[%get3A_297, %get3A_298] {strides = array<i32>} : memref<16x128xi32, #tpu.memory_space<vmem>>, vector<16xi32>,
      tpu.vector_store_idx %arg13[%get3A_299], %broadcast_in_dim3A_3 {add = true} : memref<10240xf32, #tpu.memory_space<vmem>>[vector<16xi32>], vector<16xf32>,
      %get3A_300 = arith.constant 9 : i32
      %get3A_301 = arith.index_cast %get3A_300 : i32 to index
      %get3A_302 = arith.constant 16 : index
      %get3A_303 = tpu.vector_load %arg8[%get3A_301, %get3A_302] {strides = array<i32>} : memref<16x128xi32, #tpu.memory_space<vmem>>, vector<16xi32>,
      tpu.vector_store_idx %arg13[%get3A_303], %broadcast_in_dim3A_3 {add = true} : memref<10240xf32, #tpu.memory_space<vmem>>[vector<16xi32>], vector<16xf32>,
      %get3A_304 = arith.constant 9 : i32
      %get3A_305 = arith.index_cast %get3A_304 : i32 to index
      %get3A_306 = arith.constant 32 : index
      %get3A_307 = tpu.vector_load %arg8[%get3A_305, %get3A_306] {strides = array<i32>} : memref<16x128xi32, #tpu.memory_space<vmem>>, vector<16xi32>,
      tpu.vector_store_idx %arg13[%get3A_307], %broadcast_in_dim3A_3 {add = true} : memref<10240xf32, #tpu.memory_space<vmem>>[vector<16xi32>], vector<16xf32>,
      %get3A_308 = arith.constant 9 : i32
      %get3A_309 = arith.index_cast %get3A_308 : i32 to index
      %get3A_310 = arith.constant 48 : index
      %get3A_311 = tpu.vector_load %arg8[%get3A_309, %get3A_310] {strides = array<i32>} : memref<16x128xi32, #tpu.memory_space<vmem>>, vector<16xi32>,
      tpu.vector_store_idx %arg13[%get3A_311], %broadcast_in_dim3A_3 {add = true} : memref<10240xf32, #tpu.memory_space<vmem>>[vector<16xi32>], vector<16xf32>,
      %get3A_312 = arith.constant 9 : i32
      %get3A_313 = arith.index_cast %get3A_312 : i32 to index
      %get3A_314 = arith.constant 64 : index
      %get3A_315 = tpu.vector_load %arg8[%get3A_313, %get3A_314] {strides = array<i32>} : memref<16x128xi32, #tpu.memory_space<vmem>>, vector<16xi32>,
      tpu.vector_store_idx %arg13[%get3A_315], %broadcast_in_dim3A_3 {add = true} : memref<10240xf32, #tpu.memory_space<vmem>>[vector<16xi32>], vector<16xf32>,
      %get3A_316 = arith.constant 9 : i32
      %get3A_317 = arith.index_cast %get3A_316 : i32 to index
      %get3A_318 = arith.constant 80 : index
      %get3A_319 = tpu.vector_load %arg8[%get3A_317, %get3A_318] {strides = array<i32>} : memref<16x128xi32, #tpu.memory_space<vmem>>, vector<16xi32>,
      tpu.vector_store_idx %arg13[%get3A_319], %broadcast_in_dim3A_3 {add = true} : memref<10240xf32, #tpu.memory_space<vmem>>[vector<16xi32>], vector<16xf32>,
      %get3A_320 = arith.constant 9 : i32
      %get3A_321 = arith.index_cast %get3A_320 : i32 to index
      %get3A_322 = arith.constant 96 : index
      %get3A_323 = tpu.vector_load %arg8[%get3A_321, %get3A_322] {strides = array<i32>} : memref<16x128xi32, #tpu.memory_space<vmem>>, vector<16xi32>,
      tpu.vector_store_idx %arg13[%get3A_323], %broadcast_in_dim3A_3 {add = true} : memref<10240xf32, #tpu.memory_space<vmem>>[vector<16xi32>], vector<16xf32>,
      %get3A_324 = arith.constant 9 : i32
      %get3A_325 = arith.index_cast %get3A_324 : i32 to index
      %get3A_326 = arith.constant 112 : index
      %get3A_327 = tpu.vector_load %arg8[%get3A_325, %get3A_326] {strides = array<i32>} : memref<16x128xi32, #tpu.memory_space<vmem>>, vector<16xi32>,
      tpu.vector_store_idx %arg13[%get3A_327], %broadcast_in_dim3A_3 {add = true} : memref<10240xf32, #tpu.memory_space<vmem>>[vector<16xi32>], vector<16xf32>,
      %run_scoped3A_328 = arith.constant 0 : i32
      %run_scoped3A_329 = arith.constant 9 : i32
      "tpu.region"() ({
        %run_scoped3A_501 = tpu.sem_alloc : memref<!tpu.dma_semaphore, #tpu.memory_space<semaphore_mem>>
        %dma_start3A_502 = arith.constant 0 : i32
        %dma_start3A_503 = arith.constant 0 : i32
        %dma_start3A_504 = tpu.memref_slice %arg9[%run_scoped3A_328, %dma_start3A_502, %dma_start3A_503] : memref<2x128x128xf32, #tpu.memory_space<vmem>> -> memref<1x128x128xf32, #tpu.memory_space<vmem>>
        %dma_start3A_505 = tpu.memref_squeeze %dma_start3A_504 : memref<1x128x128xf32, #tpu.memory_space<vmem>> -> memref<128x128xf32, #tpu.memory_space<vmem>>
        %dma_start3A_506 = arith.constant 0 : i32
        %dma_start3A_507 = tpu.memref_slice %arg8[%run_scoped3A_329, %dma_start3A_506] : memref<16x128xi32, #tpu.memory_space<vmem>> -> memref<1x128xi32, #tpu.memory_space<vmem>>
        %dma_start3A_508 = tpu.memref_squeeze %dma_start3A_507 : memref<1x128xi32, #tpu.memory_space<vmem>> -> memref<128xi32, #tpu.memory_space<vmem>>
        %dma_start3A_509 = arith.constant 0 : i32
        %dma_start3A_510 = arith.constant 0 : i32
        %dma_start3A_511 = tpu.memref_slice %arg10[%dma_start3A_509, %dma_start3A_510] : memref<10240x128xf32, #tpu.memory_space<vmem_shared>> -> memref<10240x128xf32, #tpu.memory_space<vmem_shared>>
        tpu.enqueue_indirect_dma source(%dma_start3A_505 : memref<128x128xf32, #tpu.memory_space<vmem>>) target(%dma_start3A_511 : memref<10240x128xf32, #tpu.memory_space<vmem_shared>>) offsets(%dma_start3A_508 : memref<128xi32, #tpu.memory_space<vmem>>) semaphore(%run_scoped3A_501 : memref<!tpu.dma_semaphore, #tpu.memory_space<semaphore_mem>>) {add = true}
        %dma_wait3A_512 = arith.constant 0 : i32
        %dma_wait3A_513 = arith.constant 0 : i32
        %dma_wait3A_514 = tpu.memref_slice %arg9[%run_scoped3A_328, %dma_wait3A_512, %dma_wait3A_513] : memref<2x128x128xf32, #tpu.memory_space<vmem>> -> memref<1x128x128xf32, #tpu.memory_space<vmem>>
        %dma_wait3A_515 = tpu.memref_squeeze %dma_wait3A_514 : memref<1x128x128xf32, #tpu.memory_space<vmem>> -> memref<128x128xf32, #tpu.memory_space<vmem>>
        %dma_wait3A_516 = arith.constant 0 : i32
        %dma_wait3A_517 = tpu.memref_slice %arg8[%run_scoped3A_329, %dma_wait3A_516] : memref<16x128xi32, #tpu.memory_space<vmem>> -> memref<1x128xi32, #tpu.memory_space<vmem>>
        %dma_wait3A_518 = tpu.memref_squeeze %dma_wait3A_517 : memref<1x128xi32, #tpu.memory_space<vmem>> -> memref<128xi32, #tpu.memory_space<vmem>>
        %dma_wait3A_519 = arith.constant 0 : i32
        %dma_wait3A_520 = arith.constant 0 : i32
        %dma_wait3A_521 = tpu.memref_slice %arg10[%dma_wait3A_519, %dma_wait3A_520] : memref<10240x128xf32, #tpu.memory_space<vmem_shared>> -> memref<10240x128xf32, #tpu.memory_space<vmem_shared>>
        tpu.wait_indirect_dma semaphore(%run_scoped3A_501 : memref<!tpu.dma_semaphore, #tpu.memory_space<semaphore_mem>>) src(%dma_wait3A_515 : memref<128x128xf32, #tpu.memory_space<vmem>>) dst(%dma_wait3A_521 : memref<10240x128xf32, #tpu.memory_space<vmem_shared>>)
        tpu.yield
      }) : () -> ()
      %dma_wait3A_330 = arith.constant 1 : i32
      %dma_wait3A_331 = arith.constant 0 : i32
      %dma_wait3A_332 = arith.constant 0 : i32
      %dma_wait3A_333 = tpu.memref_slice %arg9[%dma_wait3A_330, %dma_wait3A_331, %dma_wait3A_332] : memref<2x128x128xf32, #tpu.memory_space<vmem>> -> memref<1x128x128xf32, #tpu.memory_space<vmem>>
      %dma_wait3A_334 = tpu.memref_squeeze %dma_wait3A_333 : memref<1x128x128xf32, #tpu.memory_space<vmem>> -> memref<128x128xf32, #tpu.memory_space<vmem>>
      %dma_wait3A_335 = arith.constant 0 : i32
      %dma_wait3A_336 = arith.constant 0 : i32
      %dma_wait3A_337 = tpu.memref_slice %arg2[%dma_wait3A_335, %dma_wait3A_336] : memref<10000x128xf32, #tpu.memory_space<hbm>> -> memref<128x128xf32, #tpu.memory_space<hbm>>
      %dma_wait3A_338 = arith.constant 0 : i32
      %dma_wait3A_339 = arith.constant 0 : i32
      %dma_wait3A_340 = tpu.memref_slice %arg9[%dma_wait3A_330, %dma_wait3A_338, %dma_wait3A_339] : memref<2x128x128xf32, #tpu.memory_space<vmem>> -> memref<1x128x128xf32, #tpu.memory_space<vmem>>
      %dma_wait3A_341 = tpu.memref_squeeze %dma_wait3A_340 : memref<1x128x128xf32, #tpu.memory_space<vmem>> -> memref<128x128xf32, #tpu.memory_space<vmem>>
      %dma_wait3A_342 = arith.constant 0 : i32
      %dma_wait3A_343 = arith.constant 0 : i32
      %dma_wait3A_344 = tpu.memref_slice %arg2[%dma_wait3A_342, %dma_wait3A_343] : memref<10000x128xf32, #tpu.memory_space<hbm>> -> memref<128x128xf32, #tpu.memory_space<hbm>>
      tpu.wait_dma2 semaphore(%arg12 : memref<!tpu.dma_semaphore, #tpu.memory_space<semaphore_mem>>) src(%dma_wait3A_344 : memref<128x128xf32, #tpu.memory_space<hbm>>) dst(%dma_wait3A_341 : memref<128x128xf32, #tpu.memory_space<vmem>>)
      %dma_start3A_345 = arith.constant 12 : i32
      %dma_start3A_346 = arith.constant 0 : i32
      %dma_start3A_347 = arith.constant 0 : i32
      %dma_start3A_348 = arith.constant 0 : i32
      %dma_start3A_349 = tpu.memref_slice %arg9[%dma_start3A_346, %dma_start3A_347, %dma_start3A_348] : memref<2x128x128xf32, #tpu.memory_space<vmem>> -> memref<1x128x128xf32, #tpu.memory_space<vmem>>
      %dma_start3A_350 = tpu.memref_squeeze %dma_start3A_349 : memref<1x128x128xf32, #tpu.memory_space<vmem>> -> memref<128x128xf32, #tpu.memory_space<vmem>>
      %dma_start3A_351 = arith.constant 0 : i32
      %dma_start3A_352 = tpu.memref_slice %arg8[%dma_start3A_345, %dma_start3A_351] : memref<16x128xi32, #tpu.memory_space<vmem>> -> memref<1x128xi32, #tpu.memory_space<vmem>>
      %dma_start3A_353 = tpu.memref_squeeze %dma_start3A_352 : memref<1x128xi32, #tpu.memory_space<vmem>> -> memref<128xi32, #tpu.memory_space<vmem>>
      %dma_start3A_354 = arith.constant 0 : i32
      %dma_start3A_355 = arith.constant 0 : i32
      %dma_start3A_356 = tpu.memref_slice %arg2[%dma_start3A_354, %dma_start3A_355] : memref<10000x128xf32, #tpu.memory_space<hbm>> -> memref<10000x128xf32, #tpu.memory_space<hbm>>
      tpu.enqueue_indirect_dma source(%dma_start3A_356 : memref<10000x128xf32, #tpu.memory_space<hbm>>) target(%dma_start3A_350 : memref<128x128xf32, #tpu.memory_space<vmem>>) offsets(%dma_start3A_353 : memref<128xi32, #tpu.memory_space<vmem>>) semaphore(%arg11 : memref<!tpu.dma_semaphore, #tpu.memory_space<semaphore_mem>>)
      %get3A_357 = arith.constant 11 : i32
      %get3A_358 = arith.index_cast %get3A_357 : i32 to index
      %get3A_359 = arith.constant 0 : index
      %get3A_360 = tpu.vector_load %arg8[%get3A_358, %get3A_359] {strides = array<i32>} : memref<16x128xi32, #tpu.memory_space<vmem>>, vector<16xi32>,
      tpu.vector_store_idx %arg13[%get3A_360], %broadcast_in_dim3A_3 {add = true} : memref<10240xf32, #tpu.memory_space<vmem>>[vector<16xi32>], vector<16xf32>,
      %get3A_361 = arith.constant 11 : i32
      %get3A_362 = arith.index_cast %get3A_361 : i32 to index
      %get3A_363 = arith.constant 16 : index
      %get3A_364 = tpu.vector_load %arg8[%get3A_362, %get3A_363] {strides = array<i32>} : memref<16x128xi32, #tpu.memory_space<vmem>>, vector<16xi32>,
      tpu.vector_store_idx %arg13[%get3A_364], %broadcast_in_dim3A_3 {add = true} : memref<10240xf32, #tpu.memory_space<vmem>>[vector<16xi32>], vector<16xf32>,
      %get3A_365 = arith.constant 11 : i32
      %get3A_366 = arith.index_cast %get3A_365 : i32 to index
      %get3A_367 = arith.constant 32 : index
      %get3A_368 = tpu.vector_load %arg8[%get3A_366, %get3A_367] {strides = array<i32>} : memref<16x128xi32, #tpu.memory_space<vmem>>, vector<16xi32>,
      tpu.vector_store_idx %arg13[%get3A_368], %broadcast_in_dim3A_3 {add = true} : memref<10240xf32, #tpu.memory_space<vmem>>[vector<16xi32>], vector<16xf32>,
      %get3A_369 = arith.constant 11 : i32
      %get3A_370 = arith.index_cast %get3A_369 : i32 to index
      %get3A_371 = arith.constant 48 : index
      %get3A_372 = tpu.vector_load %arg8[%get3A_370, %get3A_371] {strides = array<i32>} : memref<16x128xi32, #tpu.memory_space<vmem>>, vector<16xi32>,
      tpu.vector_store_idx %arg13[%get3A_372], %broadcast_in_dim3A_3 {add = true} : memref<10240xf32, #tpu.memory_space<vmem>>[vector<16xi32>], vector<16xf32>,
      %get3A_373 = arith.constant 11 : i32
      %get3A_374 = arith.index_cast %get3A_373 : i32 to index
      %get3A_375 = arith.constant 64 : index
      %get3A_376 = tpu.vector_load %arg8[%get3A_374, %get3A_375] {strides = array<i32>} : memref<16x128xi32, #tpu.memory_space<vmem>>, vector<16xi32>,
      tpu.vector_store_idx %arg13[%get3A_376], %broadcast_in_dim3A_3 {add = true} : memref<10240xf32, #tpu.memory_space<vmem>>[vector<16xi32>], vector<16xf32>,
      %get3A_377 = arith.constant 11 : i32
      %get3A_378 = arith.index_cast %get3A_377 : i32 to index
      %get3A_379 = arith.constant 80 : index
      %get3A_380 = tpu.vector_load %arg8[%get3A_378, %get3A_379] {strides = array<i32>} : memref<16x128xi32, #tpu.memory_space<vmem>>, vector<16xi32>,
      tpu.vector_store_idx %arg13[%get3A_380], %broadcast_in_dim3A_3 {add = true} : memref<10240xf32, #tpu.memory_space<vmem>>[vector<16xi32>], vector<16xf32>,
      %get3A_381 = arith.constant 11 : i32
      %get3A_382 = arith.index_cast %get3A_381 : i32 to index
      %get3A_383 = arith.constant 96 : index
      %get3A_384 = tpu.vector_load %arg8[%get3A_382, %get3A_383] {strides = array<i32>} : memref<16x128xi32, #tpu.memory_space<vmem>>, vector<16xi32>,
      tpu.vector_store_idx %arg13[%get3A_384], %broadcast_in_dim3A_3 {add = true} : memref<10240xf32, #tpu.memory_space<vmem>>[vector<16xi32>], vector<16xf32>,
      %get3A_385 = arith.constant 11 : i32
      %get3A_386 = arith.index_cast %get3A_385 : i32 to index
      %get3A_387 = arith.constant 112 : index
      %get3A_388 = tpu.vector_load %arg8[%get3A_386, %get3A_387] {strides = array<i32>} : memref<16x128xi32, #tpu.memory_space<vmem>>, vector<16xi32>,
      tpu.vector_store_idx %arg13[%get3A_388], %broadcast_in_dim3A_3 {add = true} : memref<10240xf32, #tpu.memory_space<vmem>>[vector<16xi32>], vector<16xf32>,
      %run_scoped3A_389 = arith.constant 1 : i32
      %run_scoped3A_390 = arith.constant 11 : i32
      "tpu.region"() ({
        %run_scoped3A_501 = tpu.sem_alloc : memref<!tpu.dma_semaphore, #tpu.memory_space<semaphore_mem>>
        %dma_start3A_502 = arith.constant 0 : i32
        %dma_start3A_503 = arith.constant 0 : i32
        %dma_start3A_504 = tpu.memref_slice %arg9[%run_scoped3A_389, %dma_start3A_502, %dma_start3A_503] : memref<2x128x128xf32, #tpu.memory_space<vmem>> -> memref<1x128x128xf32, #tpu.memory_space<vmem>>
        %dma_start3A_505 = tpu.memref_squeeze %dma_start3A_504 : memref<1x128x128xf32, #tpu.memory_space<vmem>> -> memref<128x128xf32, #tpu.memory_space<vmem>>
        %dma_start3A_506 = arith.constant 0 : i32
        %dma_start3A_507 = tpu.memref_slice %arg8[%run_scoped3A_390, %dma_start3A_506] : memref<16x128xi32, #tpu.memory_space<vmem>> -> memref<1x128xi32, #tpu.memory_space<vmem>>
        %dma_start3A_508 = tpu.memref_squeeze %dma_start3A_507 : memref<1x128xi32, #tpu.memory_space<vmem>> -> memref<128xi32, #tpu.memory_space<vmem>>
        %dma_start3A_509 = arith.constant 0 : i32
        %dma_start3A_510 = arith.constant 0 : i32
        %dma_start3A_511 = tpu.memref_slice %arg10[%dma_start3A_509, %dma_start3A_510] : memref<10240x128xf32, #tpu.memory_space<vmem_shared>> -> memref<10240x128xf32, #tpu.memory_space<vmem_shared>>
        tpu.enqueue_indirect_dma source(%dma_start3A_505 : memref<128x128xf32, #tpu.memory_space<vmem>>) target(%dma_start3A_511 : memref<10240x128xf32, #tpu.memory_space<vmem_shared>>) offsets(%dma_start3A_508 : memref<128xi32, #tpu.memory_space<vmem>>) semaphore(%run_scoped3A_501 : memref<!tpu.dma_semaphore, #tpu.memory_space<semaphore_mem>>) {add = true}
        %dma_wait3A_512 = arith.constant 0 : i32
        %dma_wait3A_513 = arith.constant 0 : i32
        %dma_wait3A_514 = tpu.memref_slice %arg9[%run_scoped3A_389, %dma_wait3A_512, %dma_wait3A_513] : memref<2x128x128xf32, #tpu.memory_space<vmem>> -> memref<1x128x128xf32, #tpu.memory_space<vmem>>
        %dma_wait3A_515 = tpu.memref_squeeze %dma_wait3A_514 : memref<1x128x128xf32, #tpu.memory_space<vmem>> -> memref<128x128xf32, #tpu.memory_space<vmem>>
        %dma_wait3A_516 = arith.constant 0 : i32
        %dma_wait3A_517 = tpu.memref_slice %arg8[%run_scoped3A_390, %dma_wait3A_516] : memref<16x128xi32, #tpu.memory_space<vmem>> -> memref<1x128xi32, #tpu.memory_space<vmem>>
        %dma_wait3A_518 = tpu.memref_squeeze %dma_wait3A_517 : memref<1x128xi32, #tpu.memory_space<vmem>> -> memref<128xi32, #tpu.memory_space<vmem>>
        %dma_wait3A_519 = arith.constant 0 : i32
        %dma_wait3A_520 = arith.constant 0 : i32
        %dma_wait3A_521 = tpu.memref_slice %arg10[%dma_wait3A_519, %dma_wait3A_520] : memref<10240x128xf32, #tpu.memory_space<vmem_shared>> -> memref<10240x128xf32, #tpu.memory_space<vmem_shared>>
        tpu.wait_indirect_dma semaphore(%run_scoped3A_501 : memref<!tpu.dma_semaphore, #tpu.memory_space<semaphore_mem>>) src(%dma_wait3A_515 : memref<128x128xf32, #tpu.memory_space<vmem>>) dst(%dma_wait3A_521 : memref<10240x128xf32, #tpu.memory_space<vmem_shared>>)
        tpu.yield
      }) : () -> ()
      %dma_wait3A_391 = arith.constant 0 : i32
      %dma_wait3A_392 = arith.constant 0 : i32
      %dma_wait3A_393 = arith.constant 0 : i32
      %dma_wait3A_394 = tpu.memref_slice %arg9[%dma_wait3A_391, %dma_wait3A_392, %dma_wait3A_393] : memref<2x128x128xf32, #tpu.memory_space<vmem>> -> memref<1x128x128xf32, #tpu.memory_space<vmem>>
      %dma_wait3A_395 = tpu.memref_squeeze %dma_wait3A_394 : memref<1x128x128xf32, #tpu.memory_space<vmem>> -> memref<128x128xf32, #tpu.memory_space<vmem>>
      %dma_wait3A_396 = arith.constant 0 : i32
      %dma_wait3A_397 = arith.constant 0 : i32
      %dma_wait3A_398 = tpu.memref_slice %arg2[%dma_wait3A_396, %dma_wait3A_397] : memref<10000x128xf32, #tpu.memory_space<hbm>> -> memref<128x128xf32, #tpu.memory_space<hbm>>
      %dma_wait3A_399 = arith.constant 0 : i32
      %dma_wait3A_400 = arith.constant 0 : i32
      %dma_wait3A_401 = tpu.memref_slice %arg9[%dma_wait3A_391, %dma_wait3A_399, %dma_wait3A_400] : memref<2x128x128xf32, #tpu.memory_space<vmem>> -> memref<1x128x128xf32, #tpu.memory_space<vmem>>
      %dma_wait3A_402 = tpu.memref_squeeze %dma_wait3A_401 : memref<1x128x128xf32, #tpu.memory_space<vmem>> -> memref<128x128xf32, #tpu.memory_space<vmem>>
      %dma_wait3A_403 = arith.constant 0 : i32
      %dma_wait3A_404 = arith.constant 0 : i32
      %dma_wait3A_405 = tpu.memref_slice %arg2[%dma_wait3A_403, %dma_wait3A_404] : memref<10000x128xf32, #tpu.memory_space<hbm>> -> memref<128x128xf32, #tpu.memory_space<hbm>>
      tpu.wait_dma2 semaphore(%arg11 : memref<!tpu.dma_semaphore, #tpu.memory_space<semaphore_mem>>) src(%dma_wait3A_405 : memref<128x128xf32, #tpu.memory_space<hbm>>) dst(%dma_wait3A_402 : memref<128x128xf32, #tpu.memory_space<vmem>>)
      %dma_start3A_406 = arith.constant 14 : i32
      %dma_start3A_407 = arith.constant 1 : i32
      %dma_start3A_408 = arith.constant 0 : i32
      %dma_start3A_409 = arith.constant 0 : i32
      %dma_start3A_410 = tpu.memref_slice %arg9[%dma_start3A_407, %dma_start3A_408, %dma_start3A_409] : memref<2x128x128xf32, #tpu.memory_space<vmem>> -> memref<1x128x128xf32, #tpu.memory_space<vmem>>
      %dma_start3A_411 = tpu.memref_squeeze %dma_start3A_410 : memref<1x128x128xf32, #tpu.memory_space<vmem>> -> memref<128x128xf32, #tpu.memory_space<vmem>>
      %dma_start3A_412 = arith.constant 0 : i32
      %dma_start3A_413 = tpu.memref_slice %arg8[%dma_start3A_406, %dma_start3A_412] : memref<16x128xi32, #tpu.memory_space<vmem>> -> memref<1x128xi32, #tpu.memory_space<vmem>>
      %dma_start3A_414 = tpu.memref_squeeze %dma_start3A_413 : memref<1x128xi32, #tpu.memory_space<vmem>> -> memref<128xi32, #tpu.memory_space<vmem>>
      %dma_start3A_415 = arith.constant 0 : i32
      %dma_start3A_416 = arith.constant 0 : i32
      %dma_start3A_417 = tpu.memref_slice %arg2[%dma_start3A_415, %dma_start3A_416] : memref<10000x128xf32, #tpu.memory_space<hbm>> -> memref<10000x128xf32, #tpu.memory_space<hbm>>
      tpu.enqueue_indirect_dma source(%dma_start3A_417 : memref<10000x128xf32, #tpu.memory_space<hbm>>) target(%dma_start3A_411 : memref<128x128xf32, #tpu.memory_space<vmem>>) offsets(%dma_start3A_414 : memref<128xi32, #tpu.memory_space<vmem>>) semaphore(%arg12 : memref<!tpu.dma_semaphore, #tpu.memory_space<semaphore_mem>>)
      %get3A_418 = arith.constant 13 : i32
      %get3A_419 = arith.index_cast %get3A_418 : i32 to index
      %get3A_420 = arith.constant 0 : index
      %get3A_421 = tpu.vector_load %arg8[%get3A_419, %get3A_420] {strides = array<i32>} : memref<16x128xi32, #tpu.memory_space<vmem>>, vector<16xi32>,
      tpu.vector_store_idx %arg13[%get3A_421], %broadcast_in_dim3A_3 {add = true} : memref<10240xf32, #tpu.memory_space<vmem>>[vector<16xi32>], vector<16xf32>,
      %get3A_422 = arith.constant 13 : i32
      %get3A_423 = arith.index_cast %get3A_422 : i32 to index
      %get3A_424 = arith.constant 16 : index
      %get3A_425 = tpu.vector_load %arg8[%get3A_423, %get3A_424] {strides = array<i32>} : memref<16x128xi32, #tpu.memory_space<vmem>>, vector<16xi32>,
      tpu.vector_store_idx %arg13[%get3A_425], %broadcast_in_dim3A_3 {add = true} : memref<10240xf32, #tpu.memory_space<vmem>>[vector<16xi32>], vector<16xf32>,
      %get3A_426 = arith.constant 13 : i32
      %get3A_427 = arith.index_cast %get3A_426 : i32 to index
      %get3A_428 = arith.constant 32 : index
      %get3A_429 = tpu.vector_load %arg8[%get3A_427, %get3A_428] {strides = array<i32>} : memref<16x128xi32, #tpu.memory_space<vmem>>, vector<16xi32>,
      tpu.vector_store_idx %arg13[%get3A_429], %broadcast_in_dim3A_3 {add = true} : memref<10240xf32, #tpu.memory_space<vmem>>[vector<16xi32>], vector<16xf32>,
      %get3A_430 = arith.constant 13 : i32
      %get3A_431 = arith.index_cast %get3A_430 : i32 to index
      %get3A_432 = arith.constant 48 : index
      %get3A_433 = tpu.vector_load %arg8[%get3A_431, %get3A_432] {strides = array<i32>} : memref<16x128xi32, #tpu.memory_space<vmem>>, vector<16xi32>,
      tpu.vector_store_idx %arg13[%get3A_433], %broadcast_in_dim3A_3 {add = true} : memref<10240xf32, #tpu.memory_space<vmem>>[vector<16xi32>], vector<16xf32>,
      %get3A_434 = arith.constant 13 : i32
      %get3A_435 = arith.index_cast %get3A_434 : i32 to index
      %get3A_436 = arith.constant 64 : index
      %get3A_437 = tpu.vector_load %arg8[%get3A_435, %get3A_436] {strides = array<i32>} : memref<16x128xi32, #tpu.memory_space<vmem>>, vector<16xi32>,
      tpu.vector_store_idx %arg13[%get3A_437], %broadcast_in_dim3A_3 {add = true} : memref<10240xf32, #tpu.memory_space<vmem>>[vector<16xi32>], vector<16xf32>,
      %get3A_438 = arith.constant 13 : i32
      %get3A_439 = arith.index_cast %get3A_438 : i32 to index
      %get3A_440 = arith.constant 80 : index
      %get3A_441 = tpu.vector_load %arg8[%get3A_439, %get3A_440] {strides = array<i32>} : memref<16x128xi32, #tpu.memory_space<vmem>>, vector<16xi32>,
      tpu.vector_store_idx %arg13[%get3A_441], %broadcast_in_dim3A_3 {add = true} : memref<10240xf32, #tpu.memory_space<vmem>>[vector<16xi32>], vector<16xf32>,
      %get3A_442 = arith.constant 13 : i32
      %get3A_443 = arith.index_cast %get3A_442 : i32 to index
      %get3A_444 = arith.constant 96 : index
      %get3A_445 = tpu.vector_load %arg8[%get3A_443, %get3A_444] {strides = array<i32>} : memref<16x128xi32, #tpu.memory_space<vmem>>, vector<16xi32>,
      tpu.vector_store_idx %arg13[%get3A_445], %broadcast_in_dim3A_3 {add = true} : memref<10240xf32, #tpu.memory_space<vmem>>[vector<16xi32>], vector<16xf32>,
      %get3A_446 = arith.constant 13 : i32
      %get3A_447 = arith.index_cast %get3A_446 : i32 to index
      %get3A_448 = arith.constant 112 : index
      %get3A_449 = tpu.vector_load %arg8[%get3A_447, %get3A_448] {strides = array<i32>} : memref<16x128xi32, #tpu.memory_space<vmem>>, vector<16xi32>,
      tpu.vector_store_idx %arg13[%get3A_449], %broadcast_in_dim3A_3 {add = true} : memref<10240xf32, #tpu.memory_space<vmem>>[vector<16xi32>], vector<16xf32>,
      %run_scoped3A_450 = arith.constant 0 : i32
      %run_scoped3A_451 = arith.constant 13 : i32
      "tpu.region"() ({
        %run_scoped3A_501 = tpu.sem_alloc : memref<!tpu.dma_semaphore, #tpu.memory_space<semaphore_mem>>
        %dma_start3A_502 = arith.constant 0 : i32
        %dma_start3A_503 = arith.constant 0 : i32
        %dma_start3A_504 = tpu.memref_slice %arg9[%run_scoped3A_450, %dma_start3A_502, %dma_start3A_503] : memref<2x128x128xf32, #tpu.memory_space<vmem>> -> memref<1x128x128xf32, #tpu.memory_space<vmem>>
        %dma_start3A_505 = tpu.memref_squeeze %dma_start3A_504 : memref<1x128x128xf32, #tpu.memory_space<vmem>> -> memref<128x128xf32, #tpu.memory_space<vmem>>
        %dma_start3A_506 = arith.constant 0 : i32
        %dma_start3A_507 = tpu.memref_slice %arg8[%run_scoped3A_451, %dma_start3A_506] : memref<16x128xi32, #tpu.memory_space<vmem>> -> memref<1x128xi32, #tpu.memory_space<vmem>>
        %dma_start3A_508 = tpu.memref_squeeze %dma_start3A_507 : memref<1x128xi32, #tpu.memory_space<vmem>> -> memref<128xi32, #tpu.memory_space<vmem>>
        %dma_start3A_509 = arith.constant 0 : i32
        %dma_start3A_510 = arith.constant 0 : i32
        %dma_start3A_511 = tpu.memref_slice %arg10[%dma_start3A_509, %dma_start3A_510] : memref<10240x128xf32, #tpu.memory_space<vmem_shared>> -> memref<10240x128xf32, #tpu.memory_space<vmem_shared>>
        tpu.enqueue_indirect_dma source(%dma_start3A_505 : memref<128x128xf32, #tpu.memory_space<vmem>>) target(%dma_start3A_511 : memref<10240x128xf32, #tpu.memory_space<vmem_shared>>) offsets(%dma_start3A_508 : memref<128xi32, #tpu.memory_space<vmem>>) semaphore(%run_scoped3A_501 : memref<!tpu.dma_semaphore, #tpu.memory_space<semaphore_mem>>) {add = true}
        %dma_wait3A_512 = arith.constant 0 : i32
        %dma_wait3A_513 = arith.constant 0 : i32
        %dma_wait3A_514 = tpu.memref_slice %arg9[%run_scoped3A_450, %dma_wait3A_512, %dma_wait3A_513] : memref<2x128x128xf32, #tpu.memory_space<vmem>> -> memref<1x128x128xf32, #tpu.memory_space<vmem>>
        %dma_wait3A_515 = tpu.memref_squeeze %dma_wait3A_514 : memref<1x128x128xf32, #tpu.memory_space<vmem>> -> memref<128x128xf32, #tpu.memory_space<vmem>>
        %dma_wait3A_516 = arith.constant 0 : i32
        %dma_wait3A_517 = tpu.memref_slice %arg8[%run_scoped3A_451, %dma_wait3A_516] : memref<16x128xi32, #tpu.memory_space<vmem>> -> memref<1x128xi32, #tpu.memory_space<vmem>>
        %dma_wait3A_518 = tpu.memref_squeeze %dma_wait3A_517 : memref<1x128xi32, #tpu.memory_space<vmem>> -> memref<128xi32, #tpu.memory_space<vmem>>
        %dma_wait3A_519 = arith.constant 0 : i32
        %dma_wait3A_520 = arith.constant 0 : i32
        %dma_wait3A_521 = tpu.memref_slice %arg10[%dma_wait3A_519, %dma_wait3A_520] : memref<10240x128xf32, #tpu.memory_space<vmem_shared>> -> memref<10240x128xf32, #tpu.memory_space<vmem_shared>>
        tpu.wait_indirect_dma semaphore(%run_scoped3A_501 : memref<!tpu.dma_semaphore, #tpu.memory_space<semaphore_mem>>) src(%dma_wait3A_515 : memref<128x128xf32, #tpu.memory_space<vmem>>) dst(%dma_wait3A_521 : memref<10240x128xf32, #tpu.memory_space<vmem_shared>>)
        tpu.yield
      }) : () -> ()
      %dma_wait3A_452 = arith.constant 1 : i32
      %dma_wait3A_453 = arith.constant 0 : i32
      %dma_wait3A_454 = arith.constant 0 : i32
      %dma_wait3A_455 = tpu.memref_slice %arg9[%dma_wait3A_452, %dma_wait3A_453, %dma_wait3A_454] : memref<2x128x128xf32, #tpu.memory_space<vmem>> -> memref<1x128x128xf32, #tpu.memory_space<vmem>>
      %dma_wait3A_456 = tpu.memref_squeeze %dma_wait3A_455 : memref<1x128x128xf32, #tpu.memory_space<vmem>> -> memref<128x128xf32, #tpu.memory_space<vmem>>
      %dma_wait3A_457 = arith.constant 0 : i32
      %dma_wait3A_458 = arith.constant 0 : i32
      %dma_wait3A_459 = tpu.memref_slice %arg2[%dma_wait3A_457, %dma_wait3A_458] : memref<10000x128xf32, #tpu.memory_space<hbm>> -> memref<128x128xf32, #tpu.memory_space<hbm>>
      %dma_wait3A_460 = arith.constant 0 : i32
      %dma_wait3A_461 = arith.constant 0 : i32
      %dma_wait3A_462 = tpu.memref_slice %arg9[%dma_wait3A_452, %dma_wait3A_460, %dma_wait3A_461] : memref<2x128x128xf32, #tpu.memory_space<vmem>> -> memref<1x128x128xf32, #tpu.memory_space<vmem>>
      %dma_wait3A_463 = tpu.memref_squeeze %dma_wait3A_462 : memref<1x128x128xf32, #tpu.memory_space<vmem>> -> memref<128x128xf32, #tpu.memory_space<vmem>>
      %dma_wait3A_464 = arith.constant 0 : i32
      %dma_wait3A_465 = arith.constant 0 : i32
      %dma_wait3A_466 = tpu.memref_slice %arg2[%dma_wait3A_464, %dma_wait3A_465] : memref<10000x128xf32, #tpu.memory_space<hbm>> -> memref<128x128xf32, #tpu.memory_space<hbm>>
      tpu.wait_dma2 semaphore(%arg12 : memref<!tpu.dma_semaphore, #tpu.memory_space<semaphore_mem>>) src(%dma_wait3A_466 : memref<128x128xf32, #tpu.memory_space<hbm>>) dst(%dma_wait3A_463 : memref<128x128xf32, #tpu.memory_space<vmem>>)
      %get3A_467 = arith.constant 15 : i32
      %get3A_468 = arith.index_cast %get3A_467 : i32 to index
      %get3A_469 = arith.constant 0 : index
      %get3A_470 = tpu.vector_load %arg8[%get3A_468, %get3A_469] {strides = array<i32>} : memref<16x128xi32, #tpu.memory_space<vmem>>, vector<16xi32>,
      tpu.vector_store_idx %arg13[%get3A_470], %broadcast_in_dim3A_3 {add = true} : memref<10240xf32, #tpu.memory_space<vmem>>[vector<16xi32>], vector<16xf32>,
      %get3A_471 = arith.constant 15 : i32
      %get3A_472 = arith.index_cast %get3A_471 : i32 to index
      %get3A_473 = arith.constant 16 : index
      %get3A_474 = tpu.vector_load %arg8[%get3A_472, %get3A_473] {strides = array<i32>} : memref<16x128xi32, #tpu.memory_space<vmem>>, vector<16xi32>,
      tpu.vector_store_idx %arg13[%get3A_474], %broadcast_in_dim3A_3 {add = true} : memref<10240xf32, #tpu.memory_space<vmem>>[vector<16xi32>], vector<16xf32>,
      %get3A_475 = arith.constant 15 : i32
      %get3A_476 = arith.index_cast %get3A_475 : i32 to index
      %get3A_477 = arith.constant 32 : index
      %get3A_478 = tpu.vector_load %arg8[%get3A_476, %get3A_477] {strides = array<i32>} : memref<16x128xi32, #tpu.memory_space<vmem>>, vector<16xi32>,
      tpu.vector_store_idx %arg13[%get3A_478], %broadcast_in_dim3A_3 {add = true} : memref<10240xf32, #tpu.memory_space<vmem>>[vector<16xi32>], vector<16xf32>,
      %get3A_479 = arith.constant 15 : i32
      %get3A_480 = arith.index_cast %get3A_479 : i32 to index
      %get3A_481 = arith.constant 48 : index
      %get3A_482 = tpu.vector_load %arg8[%get3A_480, %get3A_481] {strides = array<i32>} : memref<16x128xi32, #tpu.memory_space<vmem>>, vector<16xi32>,
      tpu.vector_store_idx %arg13[%get3A_482], %broadcast_in_dim3A_3 {add = true} : memref<10240xf32, #tpu.memory_space<vmem>>[vector<16xi32>], vector<16xf32>,
      %get3A_483 = arith.constant 15 : i32
      %get3A_484 = arith.index_cast %get3A_483 : i32 to index
      %get3A_485 = arith.constant 64 : index
      %get3A_486 = tpu.vector_load %arg8[%get3A_484, %get3A_485] {strides = array<i32>} : memref<16x128xi32, #tpu.memory_space<vmem>>, vector<16xi32>,
      tpu.vector_store_idx %arg13[%get3A_486], %broadcast_in_dim3A_3 {add = true} : memref<10240xf32, #tpu.memory_space<vmem>>[vector<16xi32>], vector<16xf32>,
      %get3A_487 = arith.constant 15 : i32
      %get3A_488 = arith.index_cast %get3A_487 : i32 to index
      %get3A_489 = arith.constant 80 : index
      %get3A_490 = tpu.vector_load %arg8[%get3A_488, %get3A_489] {strides = array<i32>} : memref<16x128xi32, #tpu.memory_space<vmem>>, vector<16xi32>,
      tpu.vector_store_idx %arg13[%get3A_490], %broadcast_in_dim3A_3 {add = true} : memref<10240xf32, #tpu.memory_space<vmem>>[vector<16xi32>], vector<16xf32>,
      %get3A_491 = arith.constant 15 : i32
      %get3A_492 = arith.index_cast %get3A_491 : i32 to index
      %get3A_493 = arith.constant 96 : index
      %get3A_494 = tpu.vector_load %arg8[%get3A_492, %get3A_493] {strides = array<i32>} : memref<16x128xi32, #tpu.memory_space<vmem>>, vector<16xi32>,
      tpu.vector_store_idx %arg13[%get3A_494], %broadcast_in_dim3A_3 {add = true} : memref<10240xf32, #tpu.memory_space<vmem>>[vector<16xi32>], vector<16xf32>,
      %get3A_495 = arith.constant 15 : i32
      %get3A_496 = arith.index_cast %get3A_495 : i32 to index
      %get3A_497 = arith.constant 112 : index
      %get3A_498 = tpu.vector_load %arg8[%get3A_496, %get3A_497] {strides = array<i32>} : memref<16x128xi32, #tpu.memory_space<vmem>>, vector<16xi32>,
      tpu.vector_store_idx %arg13[%get3A_498], %broadcast_in_dim3A_3 {add = true} : memref<10240xf32, #tpu.memory_space<vmem>>[vector<16xi32>], vector<16xf32>,
      %run_scoped3A_499 = arith.constant 1 : i32
      %run_scoped3A_500 = arith.constant 15 : i32
      "tpu.region"() ({
        %run_scoped3A_501 = tpu.sem_alloc : memref<!tpu.dma_semaphore, #tpu.memory_space<semaphore_mem>>
        %dma_start3A_502 = arith.constant 0 : i32
        %dma_start3A_503 = arith.constant 0 : i32
        %dma_start3A_504 = tpu.memref_slice %arg9[%run_scoped3A_499, %dma_start3A_502, %dma_start3A_503] : memref<2x128x128xf32, #tpu.memory_space<vmem>> -> memref<1x128x128xf32, #tpu.memory_space<vmem>>
        %dma_start3A_505 = tpu.memref_squeeze %dma_start3A_504 : memref<1x128x128xf32, #tpu.memory_space<vmem>> -> memref<128x128xf32, #tpu.memory_space<vmem>>
        %dma_start3A_506 = arith.constant 0 : i32
        %dma_start3A_507 = tpu.memref_slice %arg8[%run_scoped3A_500, %dma_start3A_506] : memref<16x128xi32, #tpu.memory_space<vmem>> -> memref<1x128xi32, #tpu.memory_space<vmem>>
        %dma_start3A_508 = tpu.memref_squeeze %dma_start3A_507 : memref<1x128xi32, #tpu.memory_space<vmem>> -> memref<128xi32, #tpu.memory_space<vmem>>
        %dma_start3A_509 = arith.constant 0 : i32
        %dma_start3A_510 = arith.constant 0 : i32
        %dma_start3A_511 = tpu.memref_slice %arg10[%dma_start3A_509, %dma_start3A_510] : memref<10240x128xf32, #tpu.memory_space<vmem_shared>> -> memref<10240x128xf32, #tpu.memory_space<vmem_shared>>
        tpu.enqueue_indirect_dma source(%dma_start3A_505 : memref<128x128xf32, #tpu.memory_space<vmem>>) target(%dma_start3A_511 : memref<10240x128xf32, #tpu.memory_space<vmem_shared>>) offsets(%dma_start3A_508 : memref<128xi32, #tpu.memory_space<vmem>>) semaphore(%run_scoped3A_501 : memref<!tpu.dma_semaphore, #tpu.memory_space<semaphore_mem>>) {add = true}
        %dma_wait3A_512 = arith.constant 0 : i32
        %dma_wait3A_513 = arith.constant 0 : i32
        %dma_wait3A_514 = tpu.memref_slice %arg9[%run_scoped3A_499, %dma_wait3A_512, %dma_wait3A_513] : memref<2x128x128xf32, #tpu.memory_space<vmem>> -> memref<1x128x128xf32, #tpu.memory_space<vmem>>
        %dma_wait3A_515 = tpu.memref_squeeze %dma_wait3A_514 : memref<1x128x128xf32, #tpu.memory_space<vmem>> -> memref<128x128xf32, #tpu.memory_space<vmem>>
        %dma_wait3A_516 = arith.constant 0 : i32
        %dma_wait3A_517 = tpu.memref_slice %arg8[%run_scoped3A_500, %dma_wait3A_516] : memref<16x128xi32, #tpu.memory_space<vmem>> -> memref<1x128xi32, #tpu.memory_space<vmem>>
        %dma_wait3A_518 = tpu.memref_squeeze %dma_wait3A_517 : memref<1x128xi32, #tpu.memory_space<vmem>> -> memref<128xi32, #tpu.memory_space<vmem>>
        %dma_wait3A_519 = arith.constant 0 : i32
        %dma_wait3A_520 = arith.constant 0 : i32
        %dma_wait3A_521 = tpu.memref_slice %arg10[%dma_wait3A_519, %dma_wait3A_520] : memref<10240x128xf32, #tpu.memory_space<vmem_shared>> -> memref<10240x128xf32, #tpu.memory_space<vmem_shared>>
        tpu.wait_indirect_dma semaphore(%run_scoped3A_501 : memref<!tpu.dma_semaphore, #tpu.memory_space<semaphore_mem>>) src(%dma_wait3A_515 : memref<128x128xf32, #tpu.memory_space<vmem>>) dst(%dma_wait3A_521 : memref<10240x128xf32, #tpu.memory_space<vmem_shared>>)
        tpu.yield
      }) : () -> ()
    }
    %scan3A_8 = arith.constant 10 : i32
    "tpu.region"() ({
      %run_scoped3A = tpu.sem_alloc : memref<!tpu.dma_semaphore, #tpu.memory_space<semaphore_mem>>
      %dma_start3A = arith.constant 0 : i32
      %dma_start3A_12 = tpu.memref_slice %arg7[%add3A, %dma_start3A] : memref<32x10240xf32, #tpu.memory_space<hbm>> -> memref<1x10240xf32, #tpu.memory_space<hbm>>
      %dma_start3A_13 = tpu.memref_squeeze %dma_start3A_12 : memref<1x10240xf32, #tpu.memory_space<hbm>> -> memref<10240xf32, #tpu.memory_space<hbm>>
      %dma_start3A_14 = arith.constant 0 : i32
      %dma_start3A_15 = tpu.memref_slice %arg7[%add3A, %dma_start3A_14] : memref<32x10240xf32, #tpu.memory_space<hbm>> -> memref<1x10240xf32, #tpu.memory_space<hbm>>
      %dma_start3A_16 = tpu.memref_squeeze %dma_start3A_15 : memref<1x10240xf32, #tpu.memory_space<hbm>> -> memref<10240xf32, #tpu.memory_space<hbm>>
      tpu.enqueue_dma source(%arg13 : memref<10240xf32, #tpu.memory_space<vmem>>) target(%dma_start3A_16 : memref<10240xf32, #tpu.memory_space<hbm>>) target_semaphore(%run_scoped3A : memref<!tpu.dma_semaphore, #tpu.memory_space<semaphore_mem>>)
      %dma_wait3A = arith.constant 0 : i32
      %dma_wait3A_17 = tpu.memref_slice %arg7[%add3A, %dma_wait3A] : memref<32x10240xf32, #tpu.memory_space<hbm>> -> memref<1x10240xf32, #tpu.memory_space<hbm>>
      %dma_wait3A_18 = tpu.memref_squeeze %dma_wait3A_17 : memref<1x10240xf32, #tpu.memory_space<hbm>> -> memref<10240xf32, #tpu.memory_space<hbm>>
      %dma_wait3A_19 = arith.constant 0 : i32
      %dma_wait3A_20 = tpu.memref_slice %arg7[%add3A, %dma_wait3A_19] : memref<32x10240xf32, #tpu.memory_space<hbm>> -> memref<1x10240xf32, #tpu.memory_space<hbm>>
      %dma_wait3A_21 = tpu.memref_squeeze %dma_wait3A_20 : memref<1x10240xf32, #tpu.memory_space<hbm>> -> memref<10240xf32, #tpu.memory_space<hbm>>
      tpu.wait_dma2 semaphore(%run_scoped3A : memref<!tpu.dma_semaphore, #tpu.memory_space<semaphore_mem>>) src(%arg13 : memref<10240xf32, #tpu.memory_space<vmem>>) dst(%dma_wait3A_21 : memref<10240xf32, #tpu.memory_space<hbm>>)
      tpu.yield
    }) : () -> ()
    %barrier3A_9 = arith.constant 0 : index
    tpu.barrier barrier_id(%barrier3A_9)
    %mul3A_10 = arith.constant 640 : i32
    %mul3A_11 = arith.muli %arg1, %mul3A_10 : i32
    "tpu.region"() ({
      %run_scoped3A = tpu.sem_alloc : memref<!tpu.dma_semaphore, #tpu.memory_space<semaphore_mem>>
      %dma_start3A = arith.constant 0 : i32
      %dma_start3A_12 = tpu.memref_slice %arg6[%arg0, %mul3A_11, %dma_start3A] : memref<2x10240x128xf32, #tpu.memory_space<hbm>> -> memref<1x640x128xf32, #tpu.memory_space<hbm>>
      %dma_start3A_13 = tpu.memref_squeeze %dma_start3A_12 : memref<1x640x128xf32, #tpu.memory_space<hbm>> -> memref<640x128xf32, #tpu.memory_space<hbm>>
      %dma_start3A_14 = arith.constant 0 : i32
      %dma_start3A_15 = tpu.memref_slice %arg10[%mul3A_11, %dma_start3A_14] : memref<10240x128xf32, #tpu.memory_space<vmem_shared>> -> memref<640x128xf32, #tpu.memory_space<vmem_shared>>
      tpu.enqueue_dma source(%dma_start3A_15 : memref<640x128xf32, #tpu.memory_space<vmem_shared>>) target(%dma_start3A_13 : memref<640x128xf32, #tpu.memory_space<hbm>>) target_semaphore(%run_scoped3A : memref<!tpu.dma_semaphore, #tpu.memory_space<semaphore_mem>>)
      %dma_wait3A = arith.constant 0 : i32
      %dma_wait3A_16 = tpu.memref_slice %arg6[%arg0, %mul3A_11, %dma_wait3A] : memref<2x10240x128xf32, #tpu.memory_space<hbm>> -> memref<1x640x128xf32, #tpu.memory_space<hbm>>
      %dma_wait3A_17 = tpu.memref_squeeze %dma_wait3A_16 : memref<1x640x128xf32, #tpu.memory_space<hbm>> -> memref<640x128xf32, #tpu.memory_space<hbm>>
      %dma_wait3A_18 = arith.constant 0 : i32
      %dma_wait3A_19 = tpu.memref_slice %arg10[%mul3A_11, %dma_wait3A_18] : memref<10240x128xf32, #tpu.memory_space<vmem_shared>> -> memref<640x128xf32, #tpu.memory_space<vmem_shared>>
      tpu.wait_dma2 semaphore(%run_scoped3A : memref<!tpu.dma_semaphore, #tpu.memory_space<semaphore_mem>>) src(%dma_wait3A_19 : memref<640x128xf32, #tpu.memory_space<vmem_shared>>) dst(%dma_wait3A_17 : memref<640x128xf32, #tpu.memory_space<hbm>>)
      tpu.yield
    }) : () -> ()
    return
  }
}

#map = affine_map<(d0, d1) -> (0, 0)>
#map1 = affine_map<(d0, d1) -> (0, 0, 0)>
module attributes {stable_mosaic.version = 14 : i64} {
  func.func @body(%arg0: i32, %arg1: i32, %arg2: memref<10240x128xf32, #tpu.memory_space<hbm>>, %arg3: memref<32x176x128xi32, #tpu.memory_space<hbm>>, %arg4: memref<640x128xf32, #tpu.memory_space<hbm>>, %arg5: memref<2x10240x128xf32, #tpu.memory_space<hbm>>, %arg6: memref<16x128xi32, #tpu.memory_space<vmem>>, %arg7: memref<2x128x128xf32, #tpu.memory_space<vmem>>, %arg8: memref<10240x128xf32, #tpu.memory_space<vmem_shared>>, %arg9: memref<!tpu.dma_semaphore, #tpu.memory_space<semaphore_mem>>, %arg10: memref<!tpu.dma_semaphore, #tpu.memory_space<semaphore_mem>>) attributes {dimension_semantics = [#tpu.dimension_semantics<core_parallel>, #tpu.dimension_semantics<subcore_parallel>], iteration_bounds = array<i64: 2, 16>, scalar_prefetch = 0 : i64, scratch_operands = 5 : i64, tpu.core_type = #tpu.core_type<sc_vector_subcore>, window_params = [{transform_indices = #map}, {transform_indices = #map1}, {transform_indices = #map}, {transform_indices = #map1}]} {
    %mul3A = arith.constant 16 : i32
    %mul3A_0 = arith.muli %arg0, %mul3A : i32
    %add3A = arith.addi %mul3A_0, %arg1 : i32
    %mul3A_1 = arith.constant 640 : i32
    %mul3A_2 = arith.muli %arg1, %mul3A_1 : i32
    "tpu.region"() ({
      %run_scoped3A = tpu.sem_alloc : memref<!tpu.dma_semaphore, #tpu.memory_space<semaphore_mem>>
      %dma_start3A = arith.constant 0 : i32
      %dma_start3A_12 = tpu.memref_slice %arg8[%mul3A_2, %dma_start3A] : memref<10240x128xf32, #tpu.memory_space<vmem_shared>> -> memref<640x128xf32, #tpu.memory_space<vmem_shared>>
      tpu.enqueue_dma source(%arg4 : memref<640x128xf32, #tpu.memory_space<hbm>>) target(%dma_start3A_12 : memref<640x128xf32, #tpu.memory_space<vmem_shared>>) target_semaphore(%run_scoped3A : memref<!tpu.dma_semaphore, #tpu.memory_space<semaphore_mem>>)
      %dma_wait3A = arith.constant 0 : i32
      %dma_wait3A_13 = tpu.memref_slice %arg8[%mul3A_2, %dma_wait3A] : memref<10240x128xf32, #tpu.memory_space<vmem_shared>> -> memref<640x128xf32, #tpu.memory_space<vmem_shared>>
      tpu.wait_dma2 semaphore(%run_scoped3A : memref<!tpu.dma_semaphore, #tpu.memory_space<semaphore_mem>>) src(%arg4 : memref<640x128xf32, #tpu.memory_space<hbm>>) dst(%dma_wait3A_13 : memref<640x128xf32, #tpu.memory_space<vmem_shared>>)
      tpu.yield
    }) : () -> ()
    %barrier3A = arith.constant 0 : index
    tpu.barrier barrier_id(%barrier3A)
    %broadcast_in_dim3A = arith.constant 1.000000e+00 : f32
    %broadcast_in_dim3A_3 = vector.broadcast %broadcast_in_dim3A : f32 to vector<16xf32>
    %scan3A = arith.constant 0 : i32
    %scan3A_4 = arith.constant 0 : i32
    %scan3A_5 = arith.constant 10 : i32
    %scan3A_6 = arith.addi %scan3A_4, %scan3A_5 : i32
    %scan3A_7 = arith.constant 1 : i32
    scf.for %scan3A_12 = %scan3A_4 to %scan3A_6 step %scan3A_7  : i32 {
      %mul3A_13 = arith.constant 2 : i32
      %mul3A_14 = arith.muli %scan3A_12, %mul3A_13 : i32
      %mul3A_15 = arith.constant 8 : i32
      %mul3A_16 = arith.muli %mul3A_14, %mul3A_15 : i32
      "tpu.region"() ({
        %run_scoped3A_246 = tpu.sem_alloc : memref<!tpu.dma_semaphore, #tpu.memory_space<semaphore_mem>>
        %dma_start3A_247 = arith.constant 0 : i32
        %dma_start3A_248 = tpu.memref_slice %arg3[%add3A, %mul3A_16, %dma_start3A_247] : memref<32x176x128xi32, #tpu.memory_space<hbm>> -> memref<1x16x128xi32, #tpu.memory_space<hbm>>
        %dma_start3A_249 = tpu.memref_squeeze %dma_start3A_248 : memref<1x16x128xi32, #tpu.memory_space<hbm>> -> memref<16x128xi32, #tpu.memory_space<hbm>>
        %dma_start3A_250 = arith.constant 0 : i32
        %dma_start3A_251 = tpu.memref_slice %arg3[%add3A, %mul3A_16, %dma_start3A_250] : memref<32x176x128xi32, #tpu.memory_space<hbm>> -> memref<1x16x128xi32, #tpu.memory_space<hbm>>
        %dma_start3A_252 = tpu.memref_squeeze %dma_start3A_251 : memref<1x16x128xi32, #tpu.memory_space<hbm>> -> memref<16x128xi32, #tpu.memory_space<hbm>>
        tpu.enqueue_dma source(%dma_start3A_252 : memref<16x128xi32, #tpu.memory_space<hbm>>) target(%arg6 : memref<16x128xi32, #tpu.memory_space<vmem>>) target_semaphore(%run_scoped3A_246 : memref<!tpu.dma_semaphore, #tpu.memory_space<semaphore_mem>>)
        %dma_wait3A_253 = arith.constant 0 : i32
        %dma_wait3A_254 = tpu.memref_slice %arg3[%add3A, %mul3A_16, %dma_wait3A_253] : memref<32x176x128xi32, #tpu.memory_space<hbm>> -> memref<1x16x128xi32, #tpu.memory_space<hbm>>
        %dma_wait3A_255 = tpu.memref_squeeze %dma_wait3A_254 : memref<1x16x128xi32, #tpu.memory_space<hbm>> -> memref<16x128xi32, #tpu.memory_space<hbm>>
        %dma_wait3A_256 = arith.constant 0 : i32
        %dma_wait3A_257 = tpu.memref_slice %arg3[%add3A, %mul3A_16, %dma_wait3A_256] : memref<32x176x128xi32, #tpu.memory_space<hbm>> -> memref<1x16x128xi32, #tpu.memory_space<hbm>>
        %dma_wait3A_258 = tpu.memref_squeeze %dma_wait3A_257 : memref<1x16x128xi32, #tpu.memory_space<hbm>> -> memref<16x128xi32, #tpu.memory_space<hbm>>
        tpu.wait_dma2 semaphore(%run_scoped3A_246 : memref<!tpu.dma_semaphore, #tpu.memory_space<semaphore_mem>>) src(%dma_wait3A_258 : memref<16x128xi32, #tpu.memory_space<hbm>>) dst(%arg6 : memref<16x128xi32, #tpu.memory_space<vmem>>)
        tpu.yield
      }) : () -> ()
      %dma_start3A = arith.constant 0 : i32
      %dma_start3A_17 = arith.constant 0 : i32
      %dma_start3A_18 = arith.constant 0 : i32
      %dma_start3A_19 = arith.constant 0 : i32
      %dma_start3A_20 = tpu.memref_slice %arg7[%dma_start3A_17, %dma_start3A_18, %dma_start3A_19] : memref<2x128x128xf32, #tpu.memory_space<vmem>> -> memref<1x128x128xf32, #tpu.memory_space<vmem>>
      %dma_start3A_21 = tpu.memref_squeeze %dma_start3A_20 : memref<1x128x128xf32, #tpu.memory_space<vmem>> -> memref<128x128xf32, #tpu.memory_space<vmem>>
      %dma_start3A_22 = arith.constant 0 : i32
      %dma_start3A_23 = tpu.memref_slice %arg6[%dma_start3A, %dma_start3A_22] : memref<16x128xi32, #tpu.memory_space<vmem>> -> memref<1x128xi32, #tpu.memory_space<vmem>>
      %dma_start3A_24 = tpu.memref_squeeze %dma_start3A_23 : memref<1x128xi32, #tpu.memory_space<vmem>> -> memref<128xi32, #tpu.memory_space<vmem>>
      %dma_start3A_25 = arith.constant 0 : i32
      %dma_start3A_26 = arith.constant 0 : i32
      %dma_start3A_27 = tpu.memref_slice %arg2[%dma_start3A_25, %dma_start3A_26] : memref<10240x128xf32, #tpu.memory_space<hbm>> -> memref<10240x128xf32, #tpu.memory_space<hbm>>
      tpu.enqueue_indirect_dma source(%dma_start3A_27 : memref<10240x128xf32, #tpu.memory_space<hbm>>) target(%dma_start3A_21 : memref<128x128xf32, #tpu.memory_space<vmem>>) offsets(%dma_start3A_24 : memref<128xi32, #tpu.memory_space<vmem>>) semaphore(%arg9 : memref<!tpu.dma_semaphore, #tpu.memory_space<semaphore_mem>>)
      %dma_wait3A = arith.constant 0 : i32
      %dma_wait3A_28 = arith.constant 0 : i32
      %dma_wait3A_29 = arith.constant 0 : i32
      %dma_wait3A_30 = tpu.memref_slice %arg7[%dma_wait3A, %dma_wait3A_28, %dma_wait3A_29] : memref<2x128x128xf32, #tpu.memory_space<vmem>> -> memref<1x128x128xf32, #tpu.memory_space<vmem>>
      %dma_wait3A_31 = tpu.memref_squeeze %dma_wait3A_30 : memref<1x128x128xf32, #tpu.memory_space<vmem>> -> memref<128x128xf32, #tpu.memory_space<vmem>>
      %dma_wait3A_32 = arith.constant 0 : i32
      %dma_wait3A_33 = arith.constant 0 : i32
      %dma_wait3A_34 = tpu.memref_slice %arg2[%dma_wait3A_32, %dma_wait3A_33] : memref<10240x128xf32, #tpu.memory_space<hbm>> -> memref<128x128xf32, #tpu.memory_space<hbm>>
      %dma_wait3A_35 = arith.constant 0 : i32
      %dma_wait3A_36 = arith.constant 0 : i32
      %dma_wait3A_37 = tpu.memref_slice %arg7[%dma_wait3A, %dma_wait3A_35, %dma_wait3A_36] : memref<2x128x128xf32, #tpu.memory_space<vmem>> -> memref<1x128x128xf32, #tpu.memory_space<vmem>>
      %dma_wait3A_38 = tpu.memref_squeeze %dma_wait3A_37 : memref<1x128x128xf32, #tpu.memory_space<vmem>> -> memref<128x128xf32, #tpu.memory_space<vmem>>
      %dma_wait3A_39 = arith.constant 0 : i32
      %dma_wait3A_40 = arith.constant 0 : i32
      %dma_wait3A_41 = tpu.memref_slice %arg2[%dma_wait3A_39, %dma_wait3A_40] : memref<10240x128xf32, #tpu.memory_space<hbm>> -> memref<128x128xf32, #tpu.memory_space<hbm>>
      tpu.wait_dma2 semaphore(%arg9 : memref<!tpu.dma_semaphore, #tpu.memory_space<semaphore_mem>>) src(%dma_wait3A_41 : memref<128x128xf32, #tpu.memory_space<hbm>>) dst(%dma_wait3A_38 : memref<128x128xf32, #tpu.memory_space<vmem>>)
      %dma_start3A_42 = arith.constant 2 : i32
      %dma_start3A_43 = arith.constant 1 : i32
      %dma_start3A_44 = arith.constant 0 : i32
      %dma_start3A_45 = arith.constant 0 : i32
      %dma_start3A_46 = tpu.memref_slice %arg7[%dma_start3A_43, %dma_start3A_44, %dma_start3A_45] : memref<2x128x128xf32, #tpu.memory_space<vmem>> -> memref<1x128x128xf32, #tpu.memory_space<vmem>>
      %dma_start3A_47 = tpu.memref_squeeze %dma_start3A_46 : memref<1x128x128xf32, #tpu.memory_space<vmem>> -> memref<128x128xf32, #tpu.memory_space<vmem>>
      %dma_start3A_48 = arith.constant 0 : i32
      %dma_start3A_49 = tpu.memref_slice %arg6[%dma_start3A_42, %dma_start3A_48] : memref<16x128xi32, #tpu.memory_space<vmem>> -> memref<1x128xi32, #tpu.memory_space<vmem>>
      %dma_start3A_50 = tpu.memref_squeeze %dma_start3A_49 : memref<1x128xi32, #tpu.memory_space<vmem>> -> memref<128xi32, #tpu.memory_space<vmem>>
      %dma_start3A_51 = arith.constant 0 : i32
      %dma_start3A_52 = arith.constant 0 : i32
      %dma_start3A_53 = tpu.memref_slice %arg2[%dma_start3A_51, %dma_start3A_52] : memref<10240x128xf32, #tpu.memory_space<hbm>> -> memref<10240x128xf32, #tpu.memory_space<hbm>>
      tpu.enqueue_indirect_dma source(%dma_start3A_53 : memref<10240x128xf32, #tpu.memory_space<hbm>>) target(%dma_start3A_47 : memref<128x128xf32, #tpu.memory_space<vmem>>) offsets(%dma_start3A_50 : memref<128xi32, #tpu.memory_space<vmem>>) semaphore(%arg10 : memref<!tpu.dma_semaphore, #tpu.memory_space<semaphore_mem>>)
      %run_scoped3A = arith.constant 0 : i32
      %run_scoped3A_54 = arith.constant 1 : i32
      "tpu.region"() ({
        %run_scoped3A_246 = tpu.sem_alloc : memref<!tpu.dma_semaphore, #tpu.memory_space<semaphore_mem>>
        %dma_start3A_247 = arith.constant 0 : i32
        %dma_start3A_248 = arith.constant 0 : i32
        %dma_start3A_249 = tpu.memref_slice %arg7[%run_scoped3A, %dma_start3A_247, %dma_start3A_248] : memref<2x128x128xf32, #tpu.memory_space<vmem>> -> memref<1x128x128xf32, #tpu.memory_space<vmem>>
        %dma_start3A_250 = tpu.memref_squeeze %dma_start3A_249 : memref<1x128x128xf32, #tpu.memory_space<vmem>> -> memref<128x128xf32, #tpu.memory_space<vmem>>
        %dma_start3A_251 = arith.constant 0 : i32
        %dma_start3A_252 = tpu.memref_slice %arg6[%run_scoped3A_54, %dma_start3A_251] : memref<16x128xi32, #tpu.memory_space<vmem>> -> memref<1x128xi32, #tpu.memory_space<vmem>>
        %dma_start3A_253 = tpu.memref_squeeze %dma_start3A_252 : memref<1x128xi32, #tpu.memory_space<vmem>> -> memref<128xi32, #tpu.memory_space<vmem>>
        %dma_start3A_254 = arith.constant 0 : i32
        %dma_start3A_255 = arith.constant 0 : i32
        %dma_start3A_256 = tpu.memref_slice %arg8[%dma_start3A_254, %dma_start3A_255] : memref<10240x128xf32, #tpu.memory_space<vmem_shared>> -> memref<10240x128xf32, #tpu.memory_space<vmem_shared>>
        tpu.enqueue_indirect_dma source(%dma_start3A_250 : memref<128x128xf32, #tpu.memory_space<vmem>>) target(%dma_start3A_256 : memref<10240x128xf32, #tpu.memory_space<vmem_shared>>) offsets(%dma_start3A_253 : memref<128xi32, #tpu.memory_space<vmem>>) semaphore(%run_scoped3A_246 : memref<!tpu.dma_semaphore, #tpu.memory_space<semaphore_mem>>) {add = true}
        %dma_wait3A_257 = arith.constant 0 : i32
        %dma_wait3A_258 = arith.constant 0 : i32
        %dma_wait3A_259 = tpu.memref_slice %arg7[%run_scoped3A, %dma_wait3A_257, %dma_wait3A_258] : memref<2x128x128xf32, #tpu.memory_space<vmem>> -> memref<1x128x128xf32, #tpu.memory_space<vmem>>
        %dma_wait3A_260 = tpu.memref_squeeze %dma_wait3A_259 : memref<1x128x128xf32, #tpu.memory_space<vmem>> -> memref<128x128xf32, #tpu.memory_space<vmem>>
        %dma_wait3A_261 = arith.constant 0 : i32
        %dma_wait3A_262 = tpu.memref_slice %arg6[%run_scoped3A_54, %dma_wait3A_261] : memref<16x128xi32, #tpu.memory_space<vmem>> -> memref<1x128xi32, #tpu.memory_space<vmem>>
        %dma_wait3A_263 = tpu.memref_squeeze %dma_wait3A_262 : memref<1x128xi32, #tpu.memory_space<vmem>> -> memref<128xi32, #tpu.memory_space<vmem>>
        %dma_wait3A_264 = arith.constant 0 : i32
        %dma_wait3A_265 = arith.constant 0 : i32
        %dma_wait3A_266 = tpu.memref_slice %arg8[%dma_wait3A_264, %dma_wait3A_265] : memref<10240x128xf32, #tpu.memory_space<vmem_shared>> -> memref<10240x128xf32, #tpu.memory_space<vmem_shared>>
        tpu.wait_indirect_dma semaphore(%run_scoped3A_246 : memref<!tpu.dma_semaphore, #tpu.memory_space<semaphore_mem>>) src(%dma_wait3A_260 : memref<128x128xf32, #tpu.memory_space<vmem>>) dst(%dma_wait3A_266 : memref<10240x128xf32, #tpu.memory_space<vmem_shared>>)
        tpu.yield
      }) : () -> ()
      %dma_wait3A_55 = arith.constant 1 : i32
      %dma_wait3A_56 = arith.constant 0 : i32
      %dma_wait3A_57 = arith.constant 0 : i32
      %dma_wait3A_58 = tpu.memref_slice %arg7[%dma_wait3A_55, %dma_wait3A_56, %dma_wait3A_57] : memref<2x128x128xf32, #tpu.memory_space<vmem>> -> memref<1x128x128xf32, #tpu.memory_space<vmem>>
      %dma_wait3A_59 = tpu.memref_squeeze %dma_wait3A_58 : memref<1x128x128xf32, #tpu.memory_space<vmem>> -> memref<128x128xf32, #tpu.memory_space<vmem>>
      %dma_wait3A_60 = arith.constant 0 : i32
      %dma_wait3A_61 = arith.constant 0 : i32
      %dma_wait3A_62 = tpu.memref_slice %arg2[%dma_wait3A_60, %dma_wait3A_61] : memref<10240x128xf32, #tpu.memory_space<hbm>> -> memref<128x128xf32, #tpu.memory_space<hbm>>
      %dma_wait3A_63 = arith.constant 0 : i32
      %dma_wait3A_64 = arith.constant 0 : i32
      %dma_wait3A_65 = tpu.memref_slice %arg7[%dma_wait3A_55, %dma_wait3A_63, %dma_wait3A_64] : memref<2x128x128xf32, #tpu.memory_space<vmem>> -> memref<1x128x128xf32, #tpu.memory_space<vmem>>
      %dma_wait3A_66 = tpu.memref_squeeze %dma_wait3A_65 : memref<1x128x128xf32, #tpu.memory_space<vmem>> -> memref<128x128xf32, #tpu.memory_space<vmem>>
      %dma_wait3A_67 = arith.constant 0 : i32
      %dma_wait3A_68 = arith.constant 0 : i32
      %dma_wait3A_69 = tpu.memref_slice %arg2[%dma_wait3A_67, %dma_wait3A_68] : memref<10240x128xf32, #tpu.memory_space<hbm>> -> memref<128x128xf32, #tpu.memory_space<hbm>>
      tpu.wait_dma2 semaphore(%arg10 : memref<!tpu.dma_semaphore, #tpu.memory_space<semaphore_mem>>) src(%dma_wait3A_69 : memref<128x128xf32, #tpu.memory_space<hbm>>) dst(%dma_wait3A_66 : memref<128x128xf32, #tpu.memory_space<vmem>>)
      %dma_start3A_70 = arith.constant 4 : i32
      %dma_start3A_71 = arith.constant 0 : i32
      %dma_start3A_72 = arith.constant 0 : i32
      %dma_start3A_73 = arith.constant 0 : i32
      %dma_start3A_74 = tpu.memref_slice %arg7[%dma_start3A_71, %dma_start3A_72, %dma_start3A_73] : memref<2x128x128xf32, #tpu.memory_space<vmem>> -> memref<1x128x128xf32, #tpu.memory_space<vmem>>
      %dma_start3A_75 = tpu.memref_squeeze %dma_start3A_74 : memref<1x128x128xf32, #tpu.memory_space<vmem>> -> memref<128x128xf32, #tpu.memory_space<vmem>>
      %dma_start3A_76 = arith.constant 0 : i32
      %dma_start3A_77 = tpu.memref_slice %arg6[%dma_start3A_70, %dma_start3A_76] : memref<16x128xi32, #tpu.memory_space<vmem>> -> memref<1x128xi32, #tpu.memory_space<vmem>>
      %dma_start3A_78 = tpu.memref_squeeze %dma_start3A_77 : memref<1x128xi32, #tpu.memory_space<vmem>> -> memref<128xi32, #tpu.memory_space<vmem>>
      %dma_start3A_79 = arith.constant 0 : i32
      %dma_start3A_80 = arith.constant 0 : i32
      %dma_start3A_81 = tpu.memref_slice %arg2[%dma_start3A_79, %dma_start3A_80] : memref<10240x128xf32, #tpu.memory_space<hbm>> -> memref<10240x128xf32, #tpu.memory_space<hbm>>
      tpu.enqueue_indirect_dma source(%dma_start3A_81 : memref<10240x128xf32, #tpu.memory_space<hbm>>) target(%dma_start3A_75 : memref<128x128xf32, #tpu.memory_space<vmem>>) offsets(%dma_start3A_78 : memref<128xi32, #tpu.memory_space<vmem>>) semaphore(%arg9 : memref<!tpu.dma_semaphore, #tpu.memory_space<semaphore_mem>>)
      %run_scoped3A_82 = arith.constant 1 : i32
      %run_scoped3A_83 = arith.constant 3 : i32
      "tpu.region"() ({
        %run_scoped3A_246 = tpu.sem_alloc : memref<!tpu.dma_semaphore, #tpu.memory_space<semaphore_mem>>
        %dma_start3A_247 = arith.constant 0 : i32
        %dma_start3A_248 = arith.constant 0 : i32
        %dma_start3A_249 = tpu.memref_slice %arg7[%run_scoped3A_82, %dma_start3A_247, %dma_start3A_248] : memref<2x128x128xf32, #tpu.memory_space<vmem>> -> memref<1x128x128xf32, #tpu.memory_space<vmem>>
        %dma_start3A_250 = tpu.memref_squeeze %dma_start3A_249 : memref<1x128x128xf32, #tpu.memory_space<vmem>> -> memref<128x128xf32, #tpu.memory_space<vmem>>
        %dma_start3A_251 = arith.constant 0 : i32
        %dma_start3A_252 = tpu.memref_slice %arg6[%run_scoped3A_83, %dma_start3A_251] : memref<16x128xi32, #tpu.memory_space<vmem>> -> memref<1x128xi32, #tpu.memory_space<vmem>>
        %dma_start3A_253 = tpu.memref_squeeze %dma_start3A_252 : memref<1x128xi32, #tpu.memory_space<vmem>> -> memref<128xi32, #tpu.memory_space<vmem>>
        %dma_start3A_254 = arith.constant 0 : i32
        %dma_start3A_255 = arith.constant 0 : i32
        %dma_start3A_256 = tpu.memref_slice %arg8[%dma_start3A_254, %dma_start3A_255] : memref<10240x128xf32, #tpu.memory_space<vmem_shared>> -> memref<10240x128xf32, #tpu.memory_space<vmem_shared>>
        tpu.enqueue_indirect_dma source(%dma_start3A_250 : memref<128x128xf32, #tpu.memory_space<vmem>>) target(%dma_start3A_256 : memref<10240x128xf32, #tpu.memory_space<vmem_shared>>) offsets(%dma_start3A_253 : memref<128xi32, #tpu.memory_space<vmem>>) semaphore(%run_scoped3A_246 : memref<!tpu.dma_semaphore, #tpu.memory_space<semaphore_mem>>) {add = true}
        %dma_wait3A_257 = arith.constant 0 : i32
        %dma_wait3A_258 = arith.constant 0 : i32
        %dma_wait3A_259 = tpu.memref_slice %arg7[%run_scoped3A_82, %dma_wait3A_257, %dma_wait3A_258] : memref<2x128x128xf32, #tpu.memory_space<vmem>> -> memref<1x128x128xf32, #tpu.memory_space<vmem>>
        %dma_wait3A_260 = tpu.memref_squeeze %dma_wait3A_259 : memref<1x128x128xf32, #tpu.memory_space<vmem>> -> memref<128x128xf32, #tpu.memory_space<vmem>>
        %dma_wait3A_261 = arith.constant 0 : i32
        %dma_wait3A_262 = tpu.memref_slice %arg6[%run_scoped3A_83, %dma_wait3A_261] : memref<16x128xi32, #tpu.memory_space<vmem>> -> memref<1x128xi32, #tpu.memory_space<vmem>>
        %dma_wait3A_263 = tpu.memref_squeeze %dma_wait3A_262 : memref<1x128xi32, #tpu.memory_space<vmem>> -> memref<128xi32, #tpu.memory_space<vmem>>
        %dma_wait3A_264 = arith.constant 0 : i32
        %dma_wait3A_265 = arith.constant 0 : i32
        %dma_wait3A_266 = tpu.memref_slice %arg8[%dma_wait3A_264, %dma_wait3A_265] : memref<10240x128xf32, #tpu.memory_space<vmem_shared>> -> memref<10240x128xf32, #tpu.memory_space<vmem_shared>>
        tpu.wait_indirect_dma semaphore(%run_scoped3A_246 : memref<!tpu.dma_semaphore, #tpu.memory_space<semaphore_mem>>) src(%dma_wait3A_260 : memref<128x128xf32, #tpu.memory_space<vmem>>) dst(%dma_wait3A_266 : memref<10240x128xf32, #tpu.memory_space<vmem_shared>>)
        tpu.yield
      }) : () -> ()
      %dma_wait3A_84 = arith.constant 0 : i32
      %dma_wait3A_85 = arith.constant 0 : i32
      %dma_wait3A_86 = arith.constant 0 : i32
      %dma_wait3A_87 = tpu.memref_slice %arg7[%dma_wait3A_84, %dma_wait3A_85, %dma_wait3A_86] : memref<2x128x128xf32, #tpu.memory_space<vmem>> -> memref<1x128x128xf32, #tpu.memory_space<vmem>>
      %dma_wait3A_88 = tpu.memref_squeeze %dma_wait3A_87 : memref<1x128x128xf32, #tpu.memory_space<vmem>> -> memref<128x128xf32, #tpu.memory_space<vmem>>
      %dma_wait3A_89 = arith.constant 0 : i32
      %dma_wait3A_90 = arith.constant 0 : i32
      %dma_wait3A_91 = tpu.memref_slice %arg2[%dma_wait3A_89, %dma_wait3A_90] : memref<10240x128xf32, #tpu.memory_space<hbm>> -> memref<128x128xf32, #tpu.memory_space<hbm>>
      %dma_wait3A_92 = arith.constant 0 : i32
      %dma_wait3A_93 = arith.constant 0 : i32
      %dma_wait3A_94 = tpu.memref_slice %arg7[%dma_wait3A_84, %dma_wait3A_92, %dma_wait3A_93] : memref<2x128x128xf32, #tpu.memory_space<vmem>> -> memref<1x128x128xf32, #tpu.memory_space<vmem>>
      %dma_wait3A_95 = tpu.memref_squeeze %dma_wait3A_94 : memref<1x128x128xf32, #tpu.memory_space<vmem>> -> memref<128x128xf32, #tpu.memory_space<vmem>>
      %dma_wait3A_96 = arith.constant 0 : i32
      %dma_wait3A_97 = arith.constant 0 : i32
      %dma_wait3A_98 = tpu.memref_slice %arg2[%dma_wait3A_96, %dma_wait3A_97] : memref<10240x128xf32, #tpu.memory_space<hbm>> -> memref<128x128xf32, #tpu.memory_space<hbm>>
      tpu.wait_dma2 semaphore(%arg9 : memref<!tpu.dma_semaphore, #tpu.memory_space<semaphore_mem>>) src(%dma_wait3A_98 : memref<128x128xf32, #tpu.memory_space<hbm>>) dst(%dma_wait3A_95 : memref<128x128xf32, #tpu.memory_space<vmem>>)
      %dma_start3A_99 = arith.constant 6 : i32
      %dma_start3A_100 = arith.constant 1 : i32
      %dma_start3A_101 = arith.constant 0 : i32
      %dma_start3A_102 = arith.constant 0 : i32
      %dma_start3A_103 = tpu.memref_slice %arg7[%dma_start3A_100, %dma_start3A_101, %dma_start3A_102] : memref<2x128x128xf32, #tpu.memory_space<vmem>> -> memref<1x128x128xf32, #tpu.memory_space<vmem>>
      %dma_start3A_104 = tpu.memref_squeeze %dma_start3A_103 : memref<1x128x128xf32, #tpu.memory_space<vmem>> -> memref<128x128xf32, #tpu.memory_space<vmem>>
      %dma_start3A_105 = arith.constant 0 : i32
      %dma_start3A_106 = tpu.memref_slice %arg6[%dma_start3A_99, %dma_start3A_105] : memref<16x128xi32, #tpu.memory_space<vmem>> -> memref<1x128xi32, #tpu.memory_space<vmem>>
      %dma_start3A_107 = tpu.memref_squeeze %dma_start3A_106 : memref<1x128xi32, #tpu.memory_space<vmem>> -> memref<128xi32, #tpu.memory_space<vmem>>
      %dma_start3A_108 = arith.constant 0 : i32
      %dma_start3A_109 = arith.constant 0 : i32
      %dma_start3A_110 = tpu.memref_slice %arg2[%dma_start3A_108, %dma_start3A_109] : memref<10240x128xf32, #tpu.memory_space<hbm>> -> memref<10240x128xf32, #tpu.memory_space<hbm>>
      tpu.enqueue_indirect_dma source(%dma_start3A_110 : memref<10240x128xf32, #tpu.memory_space<hbm>>) target(%dma_start3A_104 : memref<128x128xf32, #tpu.memory_space<vmem>>) offsets(%dma_start3A_107 : memref<128xi32, #tpu.memory_space<vmem>>) semaphore(%arg10 : memref<!tpu.dma_semaphore, #tpu.memory_space<semaphore_mem>>)
      %run_scoped3A_111 = arith.constant 0 : i32
      %run_scoped3A_112 = arith.constant 5 : i32
      "tpu.region"() ({
        %run_scoped3A_246 = tpu.sem_alloc : memref<!tpu.dma_semaphore, #tpu.memory_space<semaphore_mem>>
        %dma_start3A_247 = arith.constant 0 : i32
        %dma_start3A_248 = arith.constant 0 : i32
        %dma_start3A_249 = tpu.memref_slice %arg7[%run_scoped3A_111, %dma_start3A_247, %dma_start3A_248] : memref<2x128x128xf32, #tpu.memory_space<vmem>> -> memref<1x128x128xf32, #tpu.memory_space<vmem>>
        %dma_start3A_250 = tpu.memref_squeeze %dma_start3A_249 : memref<1x128x128xf32, #tpu.memory_space<vmem>> -> memref<128x128xf32, #tpu.memory_space<vmem>>
        %dma_start3A_251 = arith.constant 0 : i32
        %dma_start3A_252 = tpu.memref_slice %arg6[%run_scoped3A_112, %dma_start3A_251] : memref<16x128xi32, #tpu.memory_space<vmem>> -> memref<1x128xi32, #tpu.memory_space<vmem>>
        %dma_start3A_253 = tpu.memref_squeeze %dma_start3A_252 : memref<1x128xi32, #tpu.memory_space<vmem>> -> memref<128xi32, #tpu.memory_space<vmem>>
        %dma_start3A_254 = arith.constant 0 : i32
        %dma_start3A_255 = arith.constant 0 : i32
        %dma_start3A_256 = tpu.memref_slice %arg8[%dma_start3A_254, %dma_start3A_255] : memref<10240x128xf32, #tpu.memory_space<vmem_shared>> -> memref<10240x128xf32, #tpu.memory_space<vmem_shared>>
        tpu.enqueue_indirect_dma source(%dma_start3A_250 : memref<128x128xf32, #tpu.memory_space<vmem>>) target(%dma_start3A_256 : memref<10240x128xf32, #tpu.memory_space<vmem_shared>>) offsets(%dma_start3A_253 : memref<128xi32, #tpu.memory_space<vmem>>) semaphore(%run_scoped3A_246 : memref<!tpu.dma_semaphore, #tpu.memory_space<semaphore_mem>>) {add = true}
        %dma_wait3A_257 = arith.constant 0 : i32
        %dma_wait3A_258 = arith.constant 0 : i32
        %dma_wait3A_259 = tpu.memref_slice %arg7[%run_scoped3A_111, %dma_wait3A_257, %dma_wait3A_258] : memref<2x128x128xf32, #tpu.memory_space<vmem>> -> memref<1x128x128xf32, #tpu.memory_space<vmem>>
        %dma_wait3A_260 = tpu.memref_squeeze %dma_wait3A_259 : memref<1x128x128xf32, #tpu.memory_space<vmem>> -> memref<128x128xf32, #tpu.memory_space<vmem>>
        %dma_wait3A_261 = arith.constant 0 : i32
        %dma_wait3A_262 = tpu.memref_slice %arg6[%run_scoped3A_112, %dma_wait3A_261] : memref<16x128xi32, #tpu.memory_space<vmem>> -> memref<1x128xi32, #tpu.memory_space<vmem>>
        %dma_wait3A_263 = tpu.memref_squeeze %dma_wait3A_262 : memref<1x128xi32, #tpu.memory_space<vmem>> -> memref<128xi32, #tpu.memory_space<vmem>>
        %dma_wait3A_264 = arith.constant 0 : i32
        %dma_wait3A_265 = arith.constant 0 : i32
        %dma_wait3A_266 = tpu.memref_slice %arg8[%dma_wait3A_264, %dma_wait3A_265] : memref<10240x128xf32, #tpu.memory_space<vmem_shared>> -> memref<10240x128xf32, #tpu.memory_space<vmem_shared>>
        tpu.wait_indirect_dma semaphore(%run_scoped3A_246 : memref<!tpu.dma_semaphore, #tpu.memory_space<semaphore_mem>>) src(%dma_wait3A_260 : memref<128x128xf32, #tpu.memory_space<vmem>>) dst(%dma_wait3A_266 : memref<10240x128xf32, #tpu.memory_space<vmem_shared>>)
        tpu.yield
      }) : () -> ()
      %dma_wait3A_113 = arith.constant 1 : i32
      %dma_wait3A_114 = arith.constant 0 : i32
      %dma_wait3A_115 = arith.constant 0 : i32
      %dma_wait3A_116 = tpu.memref_slice %arg7[%dma_wait3A_113, %dma_wait3A_114, %dma_wait3A_115] : memref<2x128x128xf32, #tpu.memory_space<vmem>> -> memref<1x128x128xf32, #tpu.memory_space<vmem>>
      %dma_wait3A_117 = tpu.memref_squeeze %dma_wait3A_116 : memref<1x128x128xf32, #tpu.memory_space<vmem>> -> memref<128x128xf32, #tpu.memory_space<vmem>>
      %dma_wait3A_118 = arith.constant 0 : i32
      %dma_wait3A_119 = arith.constant 0 : i32
      %dma_wait3A_120 = tpu.memref_slice %arg2[%dma_wait3A_118, %dma_wait3A_119] : memref<10240x128xf32, #tpu.memory_space<hbm>> -> memref<128x128xf32, #tpu.memory_space<hbm>>
      %dma_wait3A_121 = arith.constant 0 : i32
      %dma_wait3A_122 = arith.constant 0 : i32
      %dma_wait3A_123 = tpu.memref_slice %arg7[%dma_wait3A_113, %dma_wait3A_121, %dma_wait3A_122] : memref<2x128x128xf32, #tpu.memory_space<vmem>> -> memref<1x128x128xf32, #tpu.memory_space<vmem>>
      %dma_wait3A_124 = tpu.memref_squeeze %dma_wait3A_123 : memref<1x128x128xf32, #tpu.memory_space<vmem>> -> memref<128x128xf32, #tpu.memory_space<vmem>>
      %dma_wait3A_125 = arith.constant 0 : i32
      %dma_wait3A_126 = arith.constant 0 : i32
      %dma_wait3A_127 = tpu.memref_slice %arg2[%dma_wait3A_125, %dma_wait3A_126] : memref<10240x128xf32, #tpu.memory_space<hbm>> -> memref<128x128xf32, #tpu.memory_space<hbm>>
      tpu.wait_dma2 semaphore(%arg10 : memref<!tpu.dma_semaphore, #tpu.memory_space<semaphore_mem>>) src(%dma_wait3A_127 : memref<128x128xf32, #tpu.memory_space<hbm>>) dst(%dma_wait3A_124 : memref<128x128xf32, #tpu.memory_space<vmem>>)
      %dma_start3A_128 = arith.constant 8 : i32
      %dma_start3A_129 = arith.constant 0 : i32
      %dma_start3A_130 = arith.constant 0 : i32
      %dma_start3A_131 = arith.constant 0 : i32
      %dma_start3A_132 = tpu.memref_slice %arg7[%dma_start3A_129, %dma_start3A_130, %dma_start3A_131] : memref<2x128x128xf32, #tpu.memory_space<vmem>> -> memref<1x128x128xf32, #tpu.memory_space<vmem>>
      %dma_start3A_133 = tpu.memref_squeeze %dma_start3A_132 : memref<1x128x128xf32, #tpu.memory_space<vmem>> -> memref<128x128xf32, #tpu.memory_space<vmem>>
      %dma_start3A_134 = arith.constant 0 : i32
      %dma_start3A_135 = tpu.memref_slice %arg6[%dma_start3A_128, %dma_start3A_134] : memref<16x128xi32, #tpu.memory_space<vmem>> -> memref<1x128xi32, #tpu.memory_space<vmem>>
      %dma_start3A_136 = tpu.memref_squeeze %dma_start3A_135 : memref<1x128xi32, #tpu.memory_space<vmem>> -> memref<128xi32, #tpu.memory_space<vmem>>
      %dma_start3A_137 = arith.constant 0 : i32
      %dma_start3A_138 = arith.constant 0 : i32
      %dma_start3A_139 = tpu.memref_slice %arg2[%dma_start3A_137, %dma_start3A_138] : memref<10240x128xf32, #tpu.memory_space<hbm>> -> memref<10240x128xf32, #tpu.memory_space<hbm>>
      tpu.enqueue_indirect_dma source(%dma_start3A_139 : memref<10240x128xf32, #tpu.memory_space<hbm>>) target(%dma_start3A_133 : memref<128x128xf32, #tpu.memory_space<vmem>>) offsets(%dma_start3A_136 : memref<128xi32, #tpu.memory_space<vmem>>) semaphore(%arg9 : memref<!tpu.dma_semaphore, #tpu.memory_space<semaphore_mem>>)
      %run_scoped3A_140 = arith.constant 1 : i32
      %run_scoped3A_141 = arith.constant 7 : i32
      "tpu.region"() ({
        %run_scoped3A_246 = tpu.sem_alloc : memref<!tpu.dma_semaphore, #tpu.memory_space<semaphore_mem>>
        %dma_start3A_247 = arith.constant 0 : i32
        %dma_start3A_248 = arith.constant 0 : i32
        %dma_start3A_249 = tpu.memref_slice %arg7[%run_scoped3A_140, %dma_start3A_247, %dma_start3A_248] : memref<2x128x128xf32, #tpu.memory_space<vmem>> -> memref<1x128x128xf32, #tpu.memory_space<vmem>>
        %dma_start3A_250 = tpu.memref_squeeze %dma_start3A_249 : memref<1x128x128xf32, #tpu.memory_space<vmem>> -> memref<128x128xf32, #tpu.memory_space<vmem>>
        %dma_start3A_251 = arith.constant 0 : i32
        %dma_start3A_252 = tpu.memref_slice %arg6[%run_scoped3A_141, %dma_start3A_251] : memref<16x128xi32, #tpu.memory_space<vmem>> -> memref<1x128xi32, #tpu.memory_space<vmem>>
        %dma_start3A_253 = tpu.memref_squeeze %dma_start3A_252 : memref<1x128xi32, #tpu.memory_space<vmem>> -> memref<128xi32, #tpu.memory_space<vmem>>
        %dma_start3A_254 = arith.constant 0 : i32
        %dma_start3A_255 = arith.constant 0 : i32
        %dma_start3A_256 = tpu.memref_slice %arg8[%dma_start3A_254, %dma_start3A_255] : memref<10240x128xf32, #tpu.memory_space<vmem_shared>> -> memref<10240x128xf32, #tpu.memory_space<vmem_shared>>
        tpu.enqueue_indirect_dma source(%dma_start3A_250 : memref<128x128xf32, #tpu.memory_space<vmem>>) target(%dma_start3A_256 : memref<10240x128xf32, #tpu.memory_space<vmem_shared>>) offsets(%dma_start3A_253 : memref<128xi32, #tpu.memory_space<vmem>>) semaphore(%run_scoped3A_246 : memref<!tpu.dma_semaphore, #tpu.memory_space<semaphore_mem>>) {add = true}
        %dma_wait3A_257 = arith.constant 0 : i32
        %dma_wait3A_258 = arith.constant 0 : i32
        %dma_wait3A_259 = tpu.memref_slice %arg7[%run_scoped3A_140, %dma_wait3A_257, %dma_wait3A_258] : memref<2x128x128xf32, #tpu.memory_space<vmem>> -> memref<1x128x128xf32, #tpu.memory_space<vmem>>
        %dma_wait3A_260 = tpu.memref_squeeze %dma_wait3A_259 : memref<1x128x128xf32, #tpu.memory_space<vmem>> -> memref<128x128xf32, #tpu.memory_space<vmem>>
        %dma_wait3A_261 = arith.constant 0 : i32
        %dma_wait3A_262 = tpu.memref_slice %arg6[%run_scoped3A_141, %dma_wait3A_261] : memref<16x128xi32, #tpu.memory_space<vmem>> -> memref<1x128xi32, #tpu.memory_space<vmem>>
        %dma_wait3A_263 = tpu.memref_squeeze %dma_wait3A_262 : memref<1x128xi32, #tpu.memory_space<vmem>> -> memref<128xi32, #tpu.memory_space<vmem>>
        %dma_wait3A_264 = arith.constant 0 : i32
        %dma_wait3A_265 = arith.constant 0 : i32
        %dma_wait3A_266 = tpu.memref_slice %arg8[%dma_wait3A_264, %dma_wait3A_265] : memref<10240x128xf32, #tpu.memory_space<vmem_shared>> -> memref<10240x128xf32, #tpu.memory_space<vmem_shared>>
        tpu.wait_indirect_dma semaphore(%run_scoped3A_246 : memref<!tpu.dma_semaphore, #tpu.memory_space<semaphore_mem>>) src(%dma_wait3A_260 : memref<128x128xf32, #tpu.memory_space<vmem>>) dst(%dma_wait3A_266 : memref<10240x128xf32, #tpu.memory_space<vmem_shared>>)
        tpu.yield
      }) : () -> ()
      %dma_wait3A_142 = arith.constant 0 : i32
      %dma_wait3A_143 = arith.constant 0 : i32
      %dma_wait3A_144 = arith.constant 0 : i32
      %dma_wait3A_145 = tpu.memref_slice %arg7[%dma_wait3A_142, %dma_wait3A_143, %dma_wait3A_144] : memref<2x128x128xf32, #tpu.memory_space<vmem>> -> memref<1x128x128xf32, #tpu.memory_space<vmem>>
      %dma_wait3A_146 = tpu.memref_squeeze %dma_wait3A_145 : memref<1x128x128xf32, #tpu.memory_space<vmem>> -> memref<128x128xf32, #tpu.memory_space<vmem>>
      %dma_wait3A_147 = arith.constant 0 : i32
      %dma_wait3A_148 = arith.constant 0 : i32
      %dma_wait3A_149 = tpu.memref_slice %arg2[%dma_wait3A_147, %dma_wait3A_148] : memref<10240x128xf32, #tpu.memory_space<hbm>> -> memref<128x128xf32, #tpu.memory_space<hbm>>
      %dma_wait3A_150 = arith.constant 0 : i32
      %dma_wait3A_151 = arith.constant 0 : i32
      %dma_wait3A_152 = tpu.memref_slice %arg7[%dma_wait3A_142, %dma_wait3A_150, %dma_wait3A_151] : memref<2x128x128xf32, #tpu.memory_space<vmem>> -> memref<1x128x128xf32, #tpu.memory_space<vmem>>
      %dma_wait3A_153 = tpu.memref_squeeze %dma_wait3A_152 : memref<1x128x128xf32, #tpu.memory_space<vmem>> -> memref<128x128xf32, #tpu.memory_space<vmem>>
      %dma_wait3A_154 = arith.constant 0 : i32
      %dma_wait3A_155 = arith.constant 0 : i32
      %dma_wait3A_156 = tpu.memref_slice %arg2[%dma_wait3A_154, %dma_wait3A_155] : memref<10240x128xf32, #tpu.memory_space<hbm>> -> memref<128x128xf32, #tpu.memory_space<hbm>>
      tpu.wait_dma2 semaphore(%arg9 : memref<!tpu.dma_semaphore, #tpu.memory_space<semaphore_mem>>) src(%dma_wait3A_156 : memref<128x128xf32, #tpu.memory_space<hbm>>) dst(%dma_wait3A_153 : memref<128x128xf32, #tpu.memory_space<vmem>>)
      %dma_start3A_157 = arith.constant 10 : i32
      %dma_start3A_158 = arith.constant 1 : i32
      %dma_start3A_159 = arith.constant 0 : i32
      %dma_start3A_160 = arith.constant 0 : i32
      %dma_start3A_161 = tpu.memref_slice %arg7[%dma_start3A_158, %dma_start3A_159, %dma_start3A_160] : memref<2x128x128xf32, #tpu.memory_space<vmem>> -> memref<1x128x128xf32, #tpu.memory_space<vmem>>
      %dma_start3A_162 = tpu.memref_squeeze %dma_start3A_161 : memref<1x128x128xf32, #tpu.memory_space<vmem>> -> memref<128x128xf32, #tpu.memory_space<vmem>>
      %dma_start3A_163 = arith.constant 0 : i32
      %dma_start3A_164 = tpu.memref_slice %arg6[%dma_start3A_157, %dma_start3A_163] : memref<16x128xi32, #tpu.memory_space<vmem>> -> memref<1x128xi32, #tpu.memory_space<vmem>>
      %dma_start3A_165 = tpu.memref_squeeze %dma_start3A_164 : memref<1x128xi32, #tpu.memory_space<vmem>> -> memref<128xi32, #tpu.memory_space<vmem>>
      %dma_start3A_166 = arith.constant 0 : i32
      %dma_start3A_167 = arith.constant 0 : i32
      %dma_start3A_168 = tpu.memref_slice %arg2[%dma_start3A_166, %dma_start3A_167] : memref<10240x128xf32, #tpu.memory_space<hbm>> -> memref<10240x128xf32, #tpu.memory_space<hbm>>
      tpu.enqueue_indirect_dma source(%dma_start3A_168 : memref<10240x128xf32, #tpu.memory_space<hbm>>) target(%dma_start3A_162 : memref<128x128xf32, #tpu.memory_space<vmem>>) offsets(%dma_start3A_165 : memref<128xi32, #tpu.memory_space<vmem>>) semaphore(%arg10 : memref<!tpu.dma_semaphore, #tpu.memory_space<semaphore_mem>>)
      %run_scoped3A_169 = arith.constant 0 : i32
      %run_scoped3A_170 = arith.constant 9 : i32
      "tpu.region"() ({
        %run_scoped3A_246 = tpu.sem_alloc : memref<!tpu.dma_semaphore, #tpu.memory_space<semaphore_mem>>
        %dma_start3A_247 = arith.constant 0 : i32
        %dma_start3A_248 = arith.constant 0 : i32
        %dma_start3A_249 = tpu.memref_slice %arg7[%run_scoped3A_169, %dma_start3A_247, %dma_start3A_248] : memref<2x128x128xf32, #tpu.memory_space<vmem>> -> memref<1x128x128xf32, #tpu.memory_space<vmem>>
        %dma_start3A_250 = tpu.memref_squeeze %dma_start3A_249 : memref<1x128x128xf32, #tpu.memory_space<vmem>> -> memref<128x128xf32, #tpu.memory_space<vmem>>
        %dma_start3A_251 = arith.constant 0 : i32
        %dma_start3A_252 = tpu.memref_slice %arg6[%run_scoped3A_170, %dma_start3A_251] : memref<16x128xi32, #tpu.memory_space<vmem>> -> memref<1x128xi32, #tpu.memory_space<vmem>>
        %dma_start3A_253 = tpu.memref_squeeze %dma_start3A_252 : memref<1x128xi32, #tpu.memory_space<vmem>> -> memref<128xi32, #tpu.memory_space<vmem>>
        %dma_start3A_254 = arith.constant 0 : i32
        %dma_start3A_255 = arith.constant 0 : i32
        %dma_start3A_256 = tpu.memref_slice %arg8[%dma_start3A_254, %dma_start3A_255] : memref<10240x128xf32, #tpu.memory_space<vmem_shared>> -> memref<10240x128xf32, #tpu.memory_space<vmem_shared>>
        tpu.enqueue_indirect_dma source(%dma_start3A_250 : memref<128x128xf32, #tpu.memory_space<vmem>>) target(%dma_start3A_256 : memref<10240x128xf32, #tpu.memory_space<vmem_shared>>) offsets(%dma_start3A_253 : memref<128xi32, #tpu.memory_space<vmem>>) semaphore(%run_scoped3A_246 : memref<!tpu.dma_semaphore, #tpu.memory_space<semaphore_mem>>) {add = true}
        %dma_wait3A_257 = arith.constant 0 : i32
        %dma_wait3A_258 = arith.constant 0 : i32
        %dma_wait3A_259 = tpu.memref_slice %arg7[%run_scoped3A_169, %dma_wait3A_257, %dma_wait3A_258] : memref<2x128x128xf32, #tpu.memory_space<vmem>> -> memref<1x128x128xf32, #tpu.memory_space<vmem>>
        %dma_wait3A_260 = tpu.memref_squeeze %dma_wait3A_259 : memref<1x128x128xf32, #tpu.memory_space<vmem>> -> memref<128x128xf32, #tpu.memory_space<vmem>>
        %dma_wait3A_261 = arith.constant 0 : i32
        %dma_wait3A_262 = tpu.memref_slice %arg6[%run_scoped3A_170, %dma_wait3A_261] : memref<16x128xi32, #tpu.memory_space<vmem>> -> memref<1x128xi32, #tpu.memory_space<vmem>>
        %dma_wait3A_263 = tpu.memref_squeeze %dma_wait3A_262 : memref<1x128xi32, #tpu.memory_space<vmem>> -> memref<128xi32, #tpu.memory_space<vmem>>
        %dma_wait3A_264 = arith.constant 0 : i32
        %dma_wait3A_265 = arith.constant 0 : i32
        %dma_wait3A_266 = tpu.memref_slice %arg8[%dma_wait3A_264, %dma_wait3A_265] : memref<10240x128xf32, #tpu.memory_space<vmem_shared>> -> memref<10240x128xf32, #tpu.memory_space<vmem_shared>>
        tpu.wait_indirect_dma semaphore(%run_scoped3A_246 : memref<!tpu.dma_semaphore, #tpu.memory_space<semaphore_mem>>) src(%dma_wait3A_260 : memref<128x128xf32, #tpu.memory_space<vmem>>) dst(%dma_wait3A_266 : memref<10240x128xf32, #tpu.memory_space<vmem_shared>>)
        tpu.yield
      }) : () -> ()
      %dma_wait3A_171 = arith.constant 1 : i32
      %dma_wait3A_172 = arith.constant 0 : i32
      %dma_wait3A_173 = arith.constant 0 : i32
      %dma_wait3A_174 = tpu.memref_slice %arg7[%dma_wait3A_171, %dma_wait3A_172, %dma_wait3A_173] : memref<2x128x128xf32, #tpu.memory_space<vmem>> -> memref<1x128x128xf32, #tpu.memory_space<vmem>>
      %dma_wait3A_175 = tpu.memref_squeeze %dma_wait3A_174 : memref<1x128x128xf32, #tpu.memory_space<vmem>> -> memref<128x128xf32, #tpu.memory_space<vmem>>
      %dma_wait3A_176 = arith.constant 0 : i32
      %dma_wait3A_177 = arith.constant 0 : i32
      %dma_wait3A_178 = tpu.memref_slice %arg2[%dma_wait3A_176, %dma_wait3A_177] : memref<10240x128xf32, #tpu.memory_space<hbm>> -> memref<128x128xf32, #tpu.memory_space<hbm>>
      %dma_wait3A_179 = arith.constant 0 : i32
      %dma_wait3A_180 = arith.constant 0 : i32
      %dma_wait3A_181 = tpu.memref_slice %arg7[%dma_wait3A_171, %dma_wait3A_179, %dma_wait3A_180] : memref<2x128x128xf32, #tpu.memory_space<vmem>> -> memref<1x128x128xf32, #tpu.memory_space<vmem>>
      %dma_wait3A_182 = tpu.memref_squeeze %dma_wait3A_181 : memref<1x128x128xf32, #tpu.memory_space<vmem>> -> memref<128x128xf32, #tpu.memory_space<vmem>>
      %dma_wait3A_183 = arith.constant 0 : i32
      %dma_wait3A_184 = arith.constant 0 : i32
      %dma_wait3A_185 = tpu.memref_slice %arg2[%dma_wait3A_183, %dma_wait3A_184] : memref<10240x128xf32, #tpu.memory_space<hbm>> -> memref<128x128xf32, #tpu.memory_space<hbm>>
      tpu.wait_dma2 semaphore(%arg10 : memref<!tpu.dma_semaphore, #tpu.memory_space<semaphore_mem>>) src(%dma_wait3A_185 : memref<128x128xf32, #tpu.memory_space<hbm>>) dst(%dma_wait3A_182 : memref<128x128xf32, #tpu.memory_space<vmem>>)
      %dma_start3A_186 = arith.constant 12 : i32
      %dma_start3A_187 = arith.constant 0 : i32
      %dma_start3A_188 = arith.constant 0 : i32
      %dma_start3A_189 = arith.constant 0 : i32
      %dma_start3A_190 = tpu.memref_slice %arg7[%dma_start3A_187, %dma_start3A_188, %dma_start3A_189] : memref<2x128x128xf32, #tpu.memory_space<vmem>> -> memref<1x128x128xf32, #tpu.memory_space<vmem>>
      %dma_start3A_191 = tpu.memref_squeeze %dma_start3A_190 : memref<1x128x128xf32, #tpu.memory_space<vmem>> -> memref<128x128xf32, #tpu.memory_space<vmem>>
      %dma_start3A_192 = arith.constant 0 : i32
      %dma_start3A_193 = tpu.memref_slice %arg6[%dma_start3A_186, %dma_start3A_192] : memref<16x128xi32, #tpu.memory_space<vmem>> -> memref<1x128xi32, #tpu.memory_space<vmem>>
      %dma_start3A_194 = tpu.memref_squeeze %dma_start3A_193 : memref<1x128xi32, #tpu.memory_space<vmem>> -> memref<128xi32, #tpu.memory_space<vmem>>
      %dma_start3A_195 = arith.constant 0 : i32
      %dma_start3A_196 = arith.constant 0 : i32
      %dma_start3A_197 = tpu.memref_slice %arg2[%dma_start3A_195, %dma_start3A_196] : memref<10240x128xf32, #tpu.memory_space<hbm>> -> memref<10240x128xf32, #tpu.memory_space<hbm>>
      tpu.enqueue_indirect_dma source(%dma_start3A_197 : memref<10240x128xf32, #tpu.memory_space<hbm>>) target(%dma_start3A_191 : memref<128x128xf32, #tpu.memory_space<vmem>>) offsets(%dma_start3A_194 : memref<128xi32, #tpu.memory_space<vmem>>) semaphore(%arg9 : memref<!tpu.dma_semaphore, #tpu.memory_space<semaphore_mem>>)
      %run_scoped3A_198 = arith.constant 1 : i32
      %run_scoped3A_199 = arith.constant 11 : i32
      "tpu.region"() ({
        %run_scoped3A_246 = tpu.sem_alloc : memref<!tpu.dma_semaphore, #tpu.memory_space<semaphore_mem>>
        %dma_start3A_247 = arith.constant 0 : i32
        %dma_start3A_248 = arith.constant 0 : i32
        %dma_start3A_249 = tpu.memref_slice %arg7[%run_scoped3A_198, %dma_start3A_247, %dma_start3A_248] : memref<2x128x128xf32, #tpu.memory_space<vmem>> -> memref<1x128x128xf32, #tpu.memory_space<vmem>>
        %dma_start3A_250 = tpu.memref_squeeze %dma_start3A_249 : memref<1x128x128xf32, #tpu.memory_space<vmem>> -> memref<128x128xf32, #tpu.memory_space<vmem>>
        %dma_start3A_251 = arith.constant 0 : i32
        %dma_start3A_252 = tpu.memref_slice %arg6[%run_scoped3A_199, %dma_start3A_251] : memref<16x128xi32, #tpu.memory_space<vmem>> -> memref<1x128xi32, #tpu.memory_space<vmem>>
        %dma_start3A_253 = tpu.memref_squeeze %dma_start3A_252 : memref<1x128xi32, #tpu.memory_space<vmem>> -> memref<128xi32, #tpu.memory_space<vmem>>
        %dma_start3A_254 = arith.constant 0 : i32
        %dma_start3A_255 = arith.constant 0 : i32
        %dma_start3A_256 = tpu.memref_slice %arg8[%dma_start3A_254, %dma_start3A_255] : memref<10240x128xf32, #tpu.memory_space<vmem_shared>> -> memref<10240x128xf32, #tpu.memory_space<vmem_shared>>
        tpu.enqueue_indirect_dma source(%dma_start3A_250 : memref<128x128xf32, #tpu.memory_space<vmem>>) target(%dma_start3A_256 : memref<10240x128xf32, #tpu.memory_space<vmem_shared>>) offsets(%dma_start3A_253 : memref<128xi32, #tpu.memory_space<vmem>>) semaphore(%run_scoped3A_246 : memref<!tpu.dma_semaphore, #tpu.memory_space<semaphore_mem>>) {add = true}
        %dma_wait3A_257 = arith.constant 0 : i32
        %dma_wait3A_258 = arith.constant 0 : i32
        %dma_wait3A_259 = tpu.memref_slice %arg7[%run_scoped3A_198, %dma_wait3A_257, %dma_wait3A_258] : memref<2x128x128xf32, #tpu.memory_space<vmem>> -> memref<1x128x128xf32, #tpu.memory_space<vmem>>
        %dma_wait3A_260 = tpu.memref_squeeze %dma_wait3A_259 : memref<1x128x128xf32, #tpu.memory_space<vmem>> -> memref<128x128xf32, #tpu.memory_space<vmem>>
        %dma_wait3A_261 = arith.constant 0 : i32
        %dma_wait3A_262 = tpu.memref_slice %arg6[%run_scoped3A_199, %dma_wait3A_261] : memref<16x128xi32, #tpu.memory_space<vmem>> -> memref<1x128xi32, #tpu.memory_space<vmem>>
        %dma_wait3A_263 = tpu.memref_squeeze %dma_wait3A_262 : memref<1x128xi32, #tpu.memory_space<vmem>> -> memref<128xi32, #tpu.memory_space<vmem>>
        %dma_wait3A_264 = arith.constant 0 : i32
        %dma_wait3A_265 = arith.constant 0 : i32
        %dma_wait3A_266 = tpu.memref_slice %arg8[%dma_wait3A_264, %dma_wait3A_265] : memref<10240x128xf32, #tpu.memory_space<vmem_shared>> -> memref<10240x128xf32, #tpu.memory_space<vmem_shared>>
        tpu.wait_indirect_dma semaphore(%run_scoped3A_246 : memref<!tpu.dma_semaphore, #tpu.memory_space<semaphore_mem>>) src(%dma_wait3A_260 : memref<128x128xf32, #tpu.memory_space<vmem>>) dst(%dma_wait3A_266 : memref<10240x128xf32, #tpu.memory_space<vmem_shared>>)
        tpu.yield
      }) : () -> ()
      %dma_wait3A_200 = arith.constant 0 : i32
      %dma_wait3A_201 = arith.constant 0 : i32
      %dma_wait3A_202 = arith.constant 0 : i32
      %dma_wait3A_203 = tpu.memref_slice %arg7[%dma_wait3A_200, %dma_wait3A_201, %dma_wait3A_202] : memref<2x128x128xf32, #tpu.memory_space<vmem>> -> memref<1x128x128xf32, #tpu.memory_space<vmem>>
      %dma_wait3A_204 = tpu.memref_squeeze %dma_wait3A_203 : memref<1x128x128xf32, #tpu.memory_space<vmem>> -> memref<128x128xf32, #tpu.memory_space<vmem>>
      %dma_wait3A_205 = arith.constant 0 : i32
      %dma_wait3A_206 = arith.constant 0 : i32
      %dma_wait3A_207 = tpu.memref_slice %arg2[%dma_wait3A_205, %dma_wait3A_206] : memref<10240x128xf32, #tpu.memory_space<hbm>> -> memref<128x128xf32, #tpu.memory_space<hbm>>
      %dma_wait3A_208 = arith.constant 0 : i32
      %dma_wait3A_209 = arith.constant 0 : i32
      %dma_wait3A_210 = tpu.memref_slice %arg7[%dma_wait3A_200, %dma_wait3A_208, %dma_wait3A_209] : memref<2x128x128xf32, #tpu.memory_space<vmem>> -> memref<1x128x128xf32, #tpu.memory_space<vmem>>
      %dma_wait3A_211 = tpu.memref_squeeze %dma_wait3A_210 : memref<1x128x128xf32, #tpu.memory_space<vmem>> -> memref<128x128xf32, #tpu.memory_space<vmem>>
      %dma_wait3A_212 = arith.constant 0 : i32
      %dma_wait3A_213 = arith.constant 0 : i32
      %dma_wait3A_214 = tpu.memref_slice %arg2[%dma_wait3A_212, %dma_wait3A_213] : memref<10240x128xf32, #tpu.memory_space<hbm>> -> memref<128x128xf32, #tpu.memory_space<hbm>>
      tpu.wait_dma2 semaphore(%arg9 : memref<!tpu.dma_semaphore, #tpu.memory_space<semaphore_mem>>) src(%dma_wait3A_214 : memref<128x128xf32, #tpu.memory_space<hbm>>) dst(%dma_wait3A_211 : memref<128x128xf32, #tpu.memory_space<vmem>>)
      %dma_start3A_215 = arith.constant 14 : i32
      %dma_start3A_216 = arith.constant 1 : i32
      %dma_start3A_217 = arith.constant 0 : i32
      %dma_start3A_218 = arith.constant 0 : i32
      %dma_start3A_219 = tpu.memref_slice %arg7[%dma_start3A_216, %dma_start3A_217, %dma_start3A_218] : memref<2x128x128xf32, #tpu.memory_space<vmem>> -> memref<1x128x128xf32, #tpu.memory_space<vmem>>
      %dma_start3A_220 = tpu.memref_squeeze %dma_start3A_219 : memref<1x128x128xf32, #tpu.memory_space<vmem>> -> memref<128x128xf32, #tpu.memory_space<vmem>>
      %dma_start3A_221 = arith.constant 0 : i32
      %dma_start3A_222 = tpu.memref_slice %arg6[%dma_start3A_215, %dma_start3A_221] : memref<16x128xi32, #tpu.memory_space<vmem>> -> memref<1x128xi32, #tpu.memory_space<vmem>>
      %dma_start3A_223 = tpu.memref_squeeze %dma_start3A_222 : memref<1x128xi32, #tpu.memory_space<vmem>> -> memref<128xi32, #tpu.memory_space<vmem>>
      %dma_start3A_224 = arith.constant 0 : i32
      %dma_start3A_225 = arith.constant 0 : i32
      %dma_start3A_226 = tpu.memref_slice %arg2[%dma_start3A_224, %dma_start3A_225] : memref<10240x128xf32, #tpu.memory_space<hbm>> -> memref<10240x128xf32, #tpu.memory_space<hbm>>
      tpu.enqueue_indirect_dma source(%dma_start3A_226 : memref<10240x128xf32, #tpu.memory_space<hbm>>) target(%dma_start3A_220 : memref<128x128xf32, #tpu.memory_space<vmem>>) offsets(%dma_start3A_223 : memref<128xi32, #tpu.memory_space<vmem>>) semaphore(%arg10 : memref<!tpu.dma_semaphore, #tpu.memory_space<semaphore_mem>>)
      %run_scoped3A_227 = arith.constant 0 : i32
      %run_scoped3A_228 = arith.constant 13 : i32
      "tpu.region"() ({
        %run_scoped3A_246 = tpu.sem_alloc : memref<!tpu.dma_semaphore, #tpu.memory_space<semaphore_mem>>
        %dma_start3A_247 = arith.constant 0 : i32
        %dma_start3A_248 = arith.constant 0 : i32
        %dma_start3A_249 = tpu.memref_slice %arg7[%run_scoped3A_227, %dma_start3A_247, %dma_start3A_248] : memref<2x128x128xf32, #tpu.memory_space<vmem>> -> memref<1x128x128xf32, #tpu.memory_space<vmem>>
        %dma_start3A_250 = tpu.memref_squeeze %dma_start3A_249 : memref<1x128x128xf32, #tpu.memory_space<vmem>> -> memref<128x128xf32, #tpu.memory_space<vmem>>
        %dma_start3A_251 = arith.constant 0 : i32
        %dma_start3A_252 = tpu.memref_slice %arg6[%run_scoped3A_228, %dma_start3A_251] : memref<16x128xi32, #tpu.memory_space<vmem>> -> memref<1x128xi32, #tpu.memory_space<vmem>>
        %dma_start3A_253 = tpu.memref_squeeze %dma_start3A_252 : memref<1x128xi32, #tpu.memory_space<vmem>> -> memref<128xi32, #tpu.memory_space<vmem>>
        %dma_start3A_254 = arith.constant 0 : i32
        %dma_start3A_255 = arith.constant 0 : i32
        %dma_start3A_256 = tpu.memref_slice %arg8[%dma_start3A_254, %dma_start3A_255] : memref<10240x128xf32, #tpu.memory_space<vmem_shared>> -> memref<10240x128xf32, #tpu.memory_space<vmem_shared>>
        tpu.enqueue_indirect_dma source(%dma_start3A_250 : memref<128x128xf32, #tpu.memory_space<vmem>>) target(%dma_start3A_256 : memref<10240x128xf32, #tpu.memory_space<vmem_shared>>) offsets(%dma_start3A_253 : memref<128xi32, #tpu.memory_space<vmem>>) semaphore(%run_scoped3A_246 : memref<!tpu.dma_semaphore, #tpu.memory_space<semaphore_mem>>) {add = true}
        %dma_wait3A_257 = arith.constant 0 : i32
        %dma_wait3A_258 = arith.constant 0 : i32
        %dma_wait3A_259 = tpu.memref_slice %arg7[%run_scoped3A_227, %dma_wait3A_257, %dma_wait3A_258] : memref<2x128x128xf32, #tpu.memory_space<vmem>> -> memref<1x128x128xf32, #tpu.memory_space<vmem>>
        %dma_wait3A_260 = tpu.memref_squeeze %dma_wait3A_259 : memref<1x128x128xf32, #tpu.memory_space<vmem>> -> memref<128x128xf32, #tpu.memory_space<vmem>>
        %dma_wait3A_261 = arith.constant 0 : i32
        %dma_wait3A_262 = tpu.memref_slice %arg6[%run_scoped3A_228, %dma_wait3A_261] : memref<16x128xi32, #tpu.memory_space<vmem>> -> memref<1x128xi32, #tpu.memory_space<vmem>>
        %dma_wait3A_263 = tpu.memref_squeeze %dma_wait3A_262 : memref<1x128xi32, #tpu.memory_space<vmem>> -> memref<128xi32, #tpu.memory_space<vmem>>
        %dma_wait3A_264 = arith.constant 0 : i32
        %dma_wait3A_265 = arith.constant 0 : i32
        %dma_wait3A_266 = tpu.memref_slice %arg8[%dma_wait3A_264, %dma_wait3A_265] : memref<10240x128xf32, #tpu.memory_space<vmem_shared>> -> memref<10240x128xf32, #tpu.memory_space<vmem_shared>>
        tpu.wait_indirect_dma semaphore(%run_scoped3A_246 : memref<!tpu.dma_semaphore, #tpu.memory_space<semaphore_mem>>) src(%dma_wait3A_260 : memref<128x128xf32, #tpu.memory_space<vmem>>) dst(%dma_wait3A_266 : memref<10240x128xf32, #tpu.memory_space<vmem_shared>>)
        tpu.yield
      }) : () -> ()
      %dma_wait3A_229 = arith.constant 1 : i32
      %dma_wait3A_230 = arith.constant 0 : i32
      %dma_wait3A_231 = arith.constant 0 : i32
      %dma_wait3A_232 = tpu.memref_slice %arg7[%dma_wait3A_229, %dma_wait3A_230, %dma_wait3A_231] : memref<2x128x128xf32, #tpu.memory_space<vmem>> -> memref<1x128x128xf32, #tpu.memory_space<vmem>>
      %dma_wait3A_233 = tpu.memref_squeeze %dma_wait3A_232 : memref<1x128x128xf32, #tpu.memory_space<vmem>> -> memref<128x128xf32, #tpu.memory_space<vmem>>
      %dma_wait3A_234 = arith.constant 0 : i32
      %dma_wait3A_235 = arith.constant 0 : i32
      %dma_wait3A_236 = tpu.memref_slice %arg2[%dma_wait3A_234, %dma_wait3A_235] : memref<10240x128xf32, #tpu.memory_space<hbm>> -> memref<128x128xf32, #tpu.memory_space<hbm>>
      %dma_wait3A_237 = arith.constant 0 : i32
      %dma_wait3A_238 = arith.constant 0 : i32
      %dma_wait3A_239 = tpu.memref_slice %arg7[%dma_wait3A_229, %dma_wait3A_237, %dma_wait3A_238] : memref<2x128x128xf32, #tpu.memory_space<vmem>> -> memref<1x128x128xf32, #tpu.memory_space<vmem>>
      %dma_wait3A_240 = tpu.memref_squeeze %dma_wait3A_239 : memref<1x128x128xf32, #tpu.memory_space<vmem>> -> memref<128x128xf32, #tpu.memory_space<vmem>>
      %dma_wait3A_241 = arith.constant 0 : i32
      %dma_wait3A_242 = arith.constant 0 : i32
      %dma_wait3A_243 = tpu.memref_slice %arg2[%dma_wait3A_241, %dma_wait3A_242] : memref<10240x128xf32, #tpu.memory_space<hbm>> -> memref<128x128xf32, #tpu.memory_space<hbm>>
      tpu.wait_dma2 semaphore(%arg10 : memref<!tpu.dma_semaphore, #tpu.memory_space<semaphore_mem>>) src(%dma_wait3A_243 : memref<128x128xf32, #tpu.memory_space<hbm>>) dst(%dma_wait3A_240 : memref<128x128xf32, #tpu.memory_space<vmem>>)
      %run_scoped3A_244 = arith.constant 1 : i32
      %run_scoped3A_245 = arith.constant 15 : i32
      "tpu.region"() ({
        %run_scoped3A_246 = tpu.sem_alloc : memref<!tpu.dma_semaphore, #tpu.memory_space<semaphore_mem>>
        %dma_start3A_247 = arith.constant 0 : i32
        %dma_start3A_248 = arith.constant 0 : i32
        %dma_start3A_249 = tpu.memref_slice %arg7[%run_scoped3A_244, %dma_start3A_247, %dma_start3A_248] : memref<2x128x128xf32, #tpu.memory_space<vmem>> -> memref<1x128x128xf32, #tpu.memory_space<vmem>>
        %dma_start3A_250 = tpu.memref_squeeze %dma_start3A_249 : memref<1x128x128xf32, #tpu.memory_space<vmem>> -> memref<128x128xf32, #tpu.memory_space<vmem>>
        %dma_start3A_251 = arith.constant 0 : i32
        %dma_start3A_252 = tpu.memref_slice %arg6[%run_scoped3A_245, %dma_start3A_251] : memref<16x128xi32, #tpu.memory_space<vmem>> -> memref<1x128xi32, #tpu.memory_space<vmem>>
        %dma_start3A_253 = tpu.memref_squeeze %dma_start3A_252 : memref<1x128xi32, #tpu.memory_space<vmem>> -> memref<128xi32, #tpu.memory_space<vmem>>
        %dma_start3A_254 = arith.constant 0 : i32
        %dma_start3A_255 = arith.constant 0 : i32
        %dma_start3A_256 = tpu.memref_slice %arg8[%dma_start3A_254, %dma_start3A_255] : memref<10240x128xf32, #tpu.memory_space<vmem_shared>> -> memref<10240x128xf32, #tpu.memory_space<vmem_shared>>
        tpu.enqueue_indirect_dma source(%dma_start3A_250 : memref<128x128xf32, #tpu.memory_space<vmem>>) target(%dma_start3A_256 : memref<10240x128xf32, #tpu.memory_space<vmem_shared>>) offsets(%dma_start3A_253 : memref<128xi32, #tpu.memory_space<vmem>>) semaphore(%run_scoped3A_246 : memref<!tpu.dma_semaphore, #tpu.memory_space<semaphore_mem>>) {add = true}
        %dma_wait3A_257 = arith.constant 0 : i32
        %dma_wait3A_258 = arith.constant 0 : i32
        %dma_wait3A_259 = tpu.memref_slice %arg7[%run_scoped3A_244, %dma_wait3A_257, %dma_wait3A_258] : memref<2x128x128xf32, #tpu.memory_space<vmem>> -> memref<1x128x128xf32, #tpu.memory_space<vmem>>
        %dma_wait3A_260 = tpu.memref_squeeze %dma_wait3A_259 : memref<1x128x128xf32, #tpu.memory_space<vmem>> -> memref<128x128xf32, #tpu.memory_space<vmem>>
        %dma_wait3A_261 = arith.constant 0 : i32
        %dma_wait3A_262 = tpu.memref_slice %arg6[%run_scoped3A_245, %dma_wait3A_261] : memref<16x128xi32, #tpu.memory_space<vmem>> -> memref<1x128xi32, #tpu.memory_space<vmem>>
        %dma_wait3A_263 = tpu.memref_squeeze %dma_wait3A_262 : memref<1x128xi32, #tpu.memory_space<vmem>> -> memref<128xi32, #tpu.memory_space<vmem>>
        %dma_wait3A_264 = arith.constant 0 : i32
        %dma_wait3A_265 = arith.constant 0 : i32
        %dma_wait3A_266 = tpu.memref_slice %arg8[%dma_wait3A_264, %dma_wait3A_265] : memref<10240x128xf32, #tpu.memory_space<vmem_shared>> -> memref<10240x128xf32, #tpu.memory_space<vmem_shared>>
        tpu.wait_indirect_dma semaphore(%run_scoped3A_246 : memref<!tpu.dma_semaphore, #tpu.memory_space<semaphore_mem>>) src(%dma_wait3A_260 : memref<128x128xf32, #tpu.memory_space<vmem>>) dst(%dma_wait3A_266 : memref<10240x128xf32, #tpu.memory_space<vmem_shared>>)
        tpu.yield
      }) : () -> ()
    }
    %scan3A_8 = arith.constant 10 : i32
    %barrier3A_9 = arith.constant 0 : index
    tpu.barrier barrier_id(%barrier3A_9)
    %mul3A_10 = arith.constant 640 : i32
    %mul3A_11 = arith.muli %arg1, %mul3A_10 : i32
    "tpu.region"() ({
      %run_scoped3A = tpu.sem_alloc : memref<!tpu.dma_semaphore, #tpu.memory_space<semaphore_mem>>
      %dma_start3A = arith.constant 0 : i32
      %dma_start3A_12 = tpu.memref_slice %arg5[%arg0, %mul3A_11, %dma_start3A] : memref<2x10240x128xf32, #tpu.memory_space<hbm>> -> memref<1x640x128xf32, #tpu.memory_space<hbm>>
      %dma_start3A_13 = tpu.memref_squeeze %dma_start3A_12 : memref<1x640x128xf32, #tpu.memory_space<hbm>> -> memref<640x128xf32, #tpu.memory_space<hbm>>
      %dma_start3A_14 = arith.constant 0 : i32
      %dma_start3A_15 = tpu.memref_slice %arg8[%mul3A_11, %dma_start3A_14] : memref<10240x128xf32, #tpu.memory_space<vmem_shared>> -> memref<640x128xf32, #tpu.memory_space<vmem_shared>>
      tpu.enqueue_dma source(%dma_start3A_15 : memref<640x128xf32, #tpu.memory_space<vmem_shared>>) target(%dma_start3A_13 : memref<640x128xf32, #tpu.memory_space<hbm>>) target_semaphore(%run_scoped3A : memref<!tpu.dma_semaphore, #tpu.memory_space<semaphore_mem>>)
      %dma_wait3A = arith.constant 0 : i32
      %dma_wait3A_16 = tpu.memref_slice %arg5[%arg0, %mul3A_11, %dma_wait3A] : memref<2x10240x128xf32, #tpu.memory_space<hbm>> -> memref<1x640x128xf32, #tpu.memory_space<hbm>>
      %dma_wait3A_17 = tpu.memref_squeeze %dma_wait3A_16 : memref<1x640x128xf32, #tpu.memory_space<hbm>> -> memref<640x128xf32, #tpu.memory_space<hbm>>
      %dma_wait3A_18 = arith.constant 0 : i32
      %dma_wait3A_19 = tpu.memref_slice %arg8[%mul3A_11, %dma_wait3A_18] : memref<10240x128xf32, #tpu.memory_space<vmem_shared>> -> memref<640x128xf32, #tpu.memory_space<vmem_shared>>
      tpu.wait_dma2 semaphore(%run_scoped3A : memref<!tpu.dma_semaphore, #tpu.memory_space<semaphore_mem>>) src(%dma_wait3A_19 : memref<640x128xf32, #tpu.memory_space<vmem_shared>>) dst(%dma_wait3A_17 : memref<640x128xf32, #tpu.memory_space<hbm>>)
      tpu.yield
    }) : () -> ()
    return
  }
}

module attributes {stable_mosaic.version = 14 : i64} {
  func.func @_tc_layer1_body(%arg0: i32, %arg1: memref<2x1024x128xf32, #tpu.memory_space<vmem>>, %arg2: memref<1024x32xf32, #tpu.memory_space<vmem>>, %arg3: memref<1024x128xf32, #tpu.memory_space<vmem>>, %arg4: memref<128x128xf32, #tpu.memory_space<vmem>>, %arg5: memref<128x128xf32, #tpu.memory_space<vmem>>, %arg6: memref<1x128xf32, #tpu.memory_space<vmem>>, %arg7: memref<1024x128xf32, #tpu.memory_space<vmem>>) attributes {dimension_semantics = [#tpu.dimension_semantics<arbitrary>], iteration_bounds = array<i64: 10>, scalar_prefetch = 0 : i64, scratch_operands = 0 : i64, tpu.core_type = #tpu.core_type<tc>, window_params = [{transform_indices = @transform_0, window_bounds = array<i64: 2, 1024, 128>}, {transform_indices = @transform_1, window_bounds = array<i64: 1024, 32>}, {transform_indices = @transform_2, window_bounds = array<i64: 1024, 128>}, {pipeline_mode = #tpu.pipeline_mode<synchronous>, transform_indices = @transform_3, window_bounds = array<i64: 128, 128>}, {pipeline_mode = #tpu.pipeline_mode<synchronous>, transform_indices = @transform_4, window_bounds = array<i64: 128, 128>}, {pipeline_mode = #tpu.pipeline_mode<synchronous>, transform_indices = @transform_5, window_bounds = array<i64: 1, 128>}, {transform_indices = @transform_6, window_bounds = array<i64: 1024, 128>}]} {
    %get3A = arith.constant 0 : index
    %get3A_0 = arith.constant 0 : index
    %get3A_1 = arith.constant 0 : index
    %get3A_2 = vector.load %arg1[%get3A, %get3A_0, %get3A_1] : memref<2x1024x128xf32, #tpu.memory_space<vmem>>, vector<1x1024x128xf32>
    %get3A_3 = vector.shape_cast %get3A_2 : vector<1x1024x128xf32> to vector<1024x128xf32>
    %get3A_4 = arith.constant 1 : index
    %get3A_5 = arith.constant 0 : index
    %get3A_6 = arith.constant 0 : index
    %get3A_7 = vector.load %arg1[%get3A_4, %get3A_5, %get3A_6] : memref<2x1024x128xf32, #tpu.memory_space<vmem>>, vector<1x1024x128xf32>
    %get3A_8 = vector.shape_cast %get3A_7 : vector<1x1024x128xf32> to vector<1024x128xf32>
    %add3A = arith.addf %get3A_3, %get3A_8 : vector<1024x128xf32>
    %get3A_9 = arith.constant 0 : index
    %get3A_10 = arith.constant 0 : index
    %get3A_11 = vector.load %arg2[%get3A_9, %get3A_10] : memref<1024x32xf32, #tpu.memory_space<vmem>>, vector<1024x32xf32>
    %broadcast_in_dim3A = arith.constant 1.000000e+00 : f32
    %broadcast_in_dim3A_12 = vector.broadcast %broadcast_in_dim3A : f32 to vector<32x1xf32>
    %dot_general3A = arith.constant dense<0.000000e+00> : vector<1024x1xf32>
    %dot_general3A_13 = tpu.matmul %get3A_11, %broadcast_in_dim3A_12, %dot_general3A {dimension_numbers = #tpu.dot_dimension_numbers<[1], [0], [0], [1], [0, 0, 1, 1], [], []>, transpose_lhs_hint = false} : vector<1024x32xf32>, vector<32x1xf32>, vector<1024x1xf32> -> vector<1024x1xf32>
    %max3A = arith.constant 1.000000e+00 : f32
    %max3A_14 = vector.broadcast %max3A : f32 to vector<1024x1xf32>
    %max3A_15 = arith.maximumf %dot_general3A_13, %max3A_14 : vector<1024x1xf32>
    %div3A = vector.broadcast %max3A_15 : vector<1024x1xf32> to vector<1024x128xf32>
    %div3A_16 = arith.divf %add3A, %div3A : vector<1024x128xf32>
    %get3A_17 = arith.constant 0 : index
    %get3A_18 = arith.constant 0 : index
    %get3A_19 = vector.load %arg4[%get3A_17, %get3A_18] : memref<128x128xf32, #tpu.memory_space<vmem>>, vector<128x128xf32>
    %dot_general3A_20 = arith.constant dense<0.000000e+00> : vector<1024x128xf32>
    %dot_general3A_21 = tpu.matmul %div3A_16, %get3A_19, %dot_general3A_20 {dimension_numbers = #tpu.dot_dimension_numbers<[1], [0], [0], [1], [0, 0, 1, 1], [], []>, transpose_lhs_hint = false} : vector<1024x128xf32>, vector<128x128xf32>, vector<1024x128xf32> -> vector<1024x128xf32>
    %get3A_22 = arith.constant 0 : index
    %get3A_23 = arith.constant 0 : index
    %get3A_24 = vector.load %arg3[%get3A_22, %get3A_23] : memref<1024x128xf32, #tpu.memory_space<vmem>>, vector<1024x128xf32>
    %get3A_25 = arith.constant 0 : index
    %get3A_26 = arith.constant 0 : index
    %get3A_27 = vector.load %arg5[%get3A_25, %get3A_26] : memref<128x128xf32, #tpu.memory_space<vmem>>, vector<128x128xf32>
    %dot_general3A_28 = arith.constant dense<0.000000e+00> : vector<1024x128xf32>
    %dot_general3A_29 = tpu.matmul %get3A_24, %get3A_27, %dot_general3A_28 {dimension_numbers = #tpu.dot_dimension_numbers<[1], [0], [0], [1], [0, 0, 1, 1], [], []>, transpose_lhs_hint = false} : vector<1024x128xf32>, vector<128x128xf32>, vector<1024x128xf32> -> vector<1024x128xf32>
    %add3A_30 = arith.addf %dot_general3A_21, %dot_general3A_29 : vector<1024x128xf32>
    %get3A_31 = arith.constant 0 : index
    %get3A_32 = arith.constant 0 : index
    %get3A_33 = vector.load %arg6[%get3A_31, %get3A_32] : memref<1x128xf32, #tpu.memory_space<vmem>>, vector<1x128xf32>
    %add3A_34 = vector.broadcast %get3A_33 : vector<1x128xf32> to vector<1024x128xf32>
    %add3A_35 = arith.addf %add3A_30, %add3A_34 : vector<1024x128xf32>
    %max3A_36 = arith.constant 0.000000e+00 : f32
    %max3A_37 = vector.broadcast %max3A_36 : f32 to vector<1024x128xf32>
    %max3A_38 = arith.maximumf %add3A_35, %max3A_37 : vector<1024x128xf32>
    %swap3A = arith.constant 0 : index
    %swap3A_39 = arith.constant 0 : index
    %swap3A_40 = vector.load %arg7[%swap3A, %swap3A_39] : memref<1024x128xf32, #tpu.memory_space<vmem>>, vector<1024x128xf32>
    tpu.vector_store %arg7[%swap3A, %swap3A_39], %max3A_38 {strides = array<i32>} : memref<1024x128xf32, #tpu.memory_space<vmem>>, vector<1024x128xf32>,
    return
  }
  func.func @transform_0(%arg0: i32) -> (i32, i32, i32) {
    %c0_i32 = arith.constant 0 : i32
    %c0_i32_0 = arith.constant 0 : i32
    %c0_i32_1 = arith.constant 0 : i32
    return %c0_i32, %arg0, %c0_i32_0 : i32, i32, i32
  }
  func.func @transform_1(%arg0: i32) -> (i32, i32) {
    %c0_i32 = arith.constant 0 : i32
    %c0_i32_0 = arith.constant 0 : i32
    return %arg0, %c0_i32 : i32, i32
  }
  func.func @transform_2(%arg0: i32) -> (i32, i32) {
    %c0_i32 = arith.constant 0 : i32
    %c0_i32_0 = arith.constant 0 : i32
    return %arg0, %c0_i32 : i32, i32
  }
  func.func @transform_3(%arg0: i32) -> (i32, i32) {
    %c0_i32 = arith.constant 0 : i32
    %c0_i32_0 = arith.constant 0 : i32
    %c0_i32_1 = arith.constant 0 : i32
    return %c0_i32, %c0_i32_0 : i32, i32
  }
  func.func @transform_4(%arg0: i32) -> (i32, i32) {
    %c0_i32 = arith.constant 0 : i32
    %c0_i32_0 = arith.constant 0 : i32
    %c0_i32_1 = arith.constant 0 : i32
    return %c0_i32, %c0_i32_0 : i32, i32
  }
  func.func @transform_5(%arg0: i32) -> (i32, i32) {
    %c0_i32 = arith.constant 0 : i32
    %c0_i32_0 = arith.constant 0 : i32
    %c0_i32_1 = arith.constant 0 : i32
    return %c0_i32, %c0_i32_0 : i32, i32
  }
  func.func @transform_6(%arg0: i32) -> (i32, i32) {
    %c0_i32 = arith.constant 0 : i32
    %c0_i32_0 = arith.constant 0 : i32
    return %arg0, %c0_i32 : i32, i32
  }
}

module attributes {stable_mosaic.version = 14 : i64} {
  func.func @_tc_layer2_body(%arg0: i32, %arg1: memref<2x1024x128xf32, #tpu.memory_space<vmem>>, %arg2: memref<1024x32xf32, #tpu.memory_space<vmem>>, %arg3: memref<1024x128xf32, #tpu.memory_space<vmem>>, %arg4: memref<1x1x1024xi32, #tpu.memory_space<vmem>>, %arg5: memref<128x128xf32, #tpu.memory_space<vmem>>, %arg6: memref<128x128xf32, #tpu.memory_space<vmem>>, %arg7: memref<1x128xf32, #tpu.memory_space<vmem>>, %arg8: memref<128x64xf32, #tpu.memory_space<vmem>>, %arg9: memref<1x64xf32, #tpu.memory_space<vmem>>, %arg10: memref<64x64xf32, #tpu.memory_space<vmem>>, %arg11: memref<64x128xf32, #tpu.memory_space<vmem>>, %arg12: memref<64x128xf32, #tpu.memory_space<vmem>>) attributes {dimension_semantics = [#tpu.dimension_semantics<arbitrary>], iteration_bounds = array<i64: 10>, scalar_prefetch = 0 : i64, scratch_operands = 2 : i64, tpu.core_type = #tpu.core_type<tc>, window_params = [{transform_indices = @transform_0, window_bounds = array<i64: 2, 1024, 128>}, {transform_indices = @transform_1, window_bounds = array<i64: 1024, 32>}, {transform_indices = @transform_2, window_bounds = array<i64: 1024, 128>}, {transform_indices = @transform_3, window_bounds = array<i64: 1, 1, 1024>}, {pipeline_mode = #tpu.pipeline_mode<synchronous>, transform_indices = @transform_4, window_bounds = array<i64: 128, 128>}, {pipeline_mode = #tpu.pipeline_mode<synchronous>, transform_indices = @transform_5, window_bounds = array<i64: 128, 128>}, {pipeline_mode = #tpu.pipeline_mode<synchronous>, transform_indices = @transform_6, window_bounds = array<i64: 1, 128>}, {pipeline_mode = #tpu.pipeline_mode<synchronous>, transform_indices = @transform_7, window_bounds = array<i64: 128, 64>}, {pipeline_mode = #tpu.pipeline_mode<synchronous>, transform_indices = @transform_8, window_bounds = array<i64: 1, 64>}, {pipeline_mode = #tpu.pipeline_mode<synchronous>, transform_indices = @transform_9, window_bounds = array<i64: 64, 64>}]} {
    %eq3A = arith.constant 0 : i32
    %eq3A_0 = arith.cmpi eq, %arg0, %eq3A : i32
    %convert_element_type3A = arith.extui %eq3A_0 : i1 to i32
    %cond3A = arith.constant 0 : i32
    %cond3A_1 = arith.cmpi ne, %convert_element_type3A, %cond3A : i32
    scf.if %cond3A_1 {
      %broadcast_in_dim3A_72 = arith.constant 0.000000e+00 : f32
      %broadcast_in_dim3A_73 = vector.broadcast %broadcast_in_dim3A_72 : f32 to vector<64x128xf32>
      %swap3A_74 = arith.constant 0 : index
      %swap3A_75 = arith.constant 0 : index
      %swap3A_76 = vector.load %arg11[%swap3A_74, %swap3A_75] : memref<64x128xf32, #tpu.memory_space<vmem>>, vector<64x128xf32>
      tpu.vector_store %arg11[%swap3A_74, %swap3A_75], %broadcast_in_dim3A_73 {strides = array<i32>} : memref<64x128xf32, #tpu.memory_space<vmem>>, vector<64x128xf32>,
      %broadcast_in_dim3A_77 = arith.constant 0.000000e+00 : f32
      %broadcast_in_dim3A_78 = vector.broadcast %broadcast_in_dim3A_77 : f32 to vector<64x128xf32>
      %swap3A_79 = arith.constant 0 : index
      %swap3A_80 = arith.constant 0 : index
      %swap3A_81 = vector.load %arg12[%swap3A_79, %swap3A_80] : memref<64x128xf32, #tpu.memory_space<vmem>>, vector<64x128xf32>
      tpu.vector_store %arg12[%swap3A_79, %swap3A_80], %broadcast_in_dim3A_78 {strides = array<i32>} : memref<64x128xf32, #tpu.memory_space<vmem>>, vector<64x128xf32>,
    } else {
    }
    %get3A = arith.constant 0 : index
    %get3A_2 = arith.constant 0 : index
    %get3A_3 = arith.constant 0 : index
    %get3A_4 = vector.load %arg1[%get3A, %get3A_2, %get3A_3] : memref<2x1024x128xf32, #tpu.memory_space<vmem>>, vector<1x1024x128xf32>
    %get3A_5 = vector.shape_cast %get3A_4 : vector<1x1024x128xf32> to vector<1024x128xf32>
    %get3A_6 = arith.constant 1 : index
    %get3A_7 = arith.constant 0 : index
    %get3A_8 = arith.constant 0 : index
    %get3A_9 = vector.load %arg1[%get3A_6, %get3A_7, %get3A_8] : memref<2x1024x128xf32, #tpu.memory_space<vmem>>, vector<1x1024x128xf32>
    %get3A_10 = vector.shape_cast %get3A_9 : vector<1x1024x128xf32> to vector<1024x128xf32>
    %add3A = arith.addf %get3A_5, %get3A_10 : vector<1024x128xf32>
    %get3A_11 = arith.constant 0 : index
    %get3A_12 = arith.constant 0 : index
    %get3A_13 = vector.load %arg2[%get3A_11, %get3A_12] : memref<1024x32xf32, #tpu.memory_space<vmem>>, vector<1024x32xf32>
    %broadcast_in_dim3A = arith.constant 1.000000e+00 : f32
    %broadcast_in_dim3A_14 = vector.broadcast %broadcast_in_dim3A : f32 to vector<32x1xf32>
    %dot_general3A = arith.constant dense<0.000000e+00> : vector<1024x1xf32>
    %dot_general3A_15 = tpu.matmul %get3A_13, %broadcast_in_dim3A_14, %dot_general3A {dimension_numbers = #tpu.dot_dimension_numbers<[1], [0], [0], [1], [0, 0, 1, 1], [], []>, transpose_lhs_hint = false} : vector<1024x32xf32>, vector<32x1xf32>, vector<1024x1xf32> -> vector<1024x1xf32>
    %max3A = arith.constant 1.000000e+00 : f32
    %max3A_16 = vector.broadcast %max3A : f32 to vector<1024x1xf32>
    %max3A_17 = arith.maximumf %dot_general3A_15, %max3A_16 : vector<1024x1xf32>
    %div3A = vector.broadcast %max3A_17 : vector<1024x1xf32> to vector<1024x128xf32>
    %div3A_18 = arith.divf %add3A, %div3A : vector<1024x128xf32>
    %get3A_19 = arith.constant 0 : index
    %get3A_20 = arith.constant 0 : index
    %get3A_21 = vector.load %arg5[%get3A_19, %get3A_20] : memref<128x128xf32, #tpu.memory_space<vmem>>, vector<128x128xf32>
    %dot_general3A_22 = arith.constant dense<0.000000e+00> : vector<1024x128xf32>
    %dot_general3A_23 = tpu.matmul %div3A_18, %get3A_21, %dot_general3A_22 {dimension_numbers = #tpu.dot_dimension_numbers<[1], [0], [0], [1], [0, 0, 1, 1], [], []>, transpose_lhs_hint = false} : vector<1024x128xf32>, vector<128x128xf32>, vector<1024x128xf32> -> vector<1024x128xf32>
    %get3A_24 = arith.constant 0 : index
    %get3A_25 = arith.constant 0 : index
    %get3A_26 = vector.load %arg3[%get3A_24, %get3A_25] : memref<1024x128xf32, #tpu.memory_space<vmem>>, vector<1024x128xf32>
    %get3A_27 = arith.constant 0 : index
    %get3A_28 = arith.constant 0 : index
    %get3A_29 = vector.load %arg6[%get3A_27, %get3A_28] : memref<128x128xf32, #tpu.memory_space<vmem>>, vector<128x128xf32>
    %dot_general3A_30 = arith.constant dense<0.000000e+00> : vector<1024x128xf32>
    %dot_general3A_31 = tpu.matmul %get3A_26, %get3A_29, %dot_general3A_30 {dimension_numbers = #tpu.dot_dimension_numbers<[1], [0], [0], [1], [0, 0, 1, 1], [], []>, transpose_lhs_hint = false} : vector<1024x128xf32>, vector<128x128xf32>, vector<1024x128xf32> -> vector<1024x128xf32>
    %add3A_32 = arith.addf %dot_general3A_23, %dot_general3A_31 : vector<1024x128xf32>
    %get3A_33 = arith.constant 0 : index
    %get3A_34 = arith.constant 0 : index
    %get3A_35 = vector.load %arg7[%get3A_33, %get3A_34] : memref<1x128xf32, #tpu.memory_space<vmem>>, vector<1x128xf32>
    %add3A_36 = vector.broadcast %get3A_35 : vector<1x128xf32> to vector<1024x128xf32>
    %add3A_37 = arith.addf %add3A_32, %add3A_36 : vector<1024x128xf32>
    %get3A_38 = arith.constant 0 : index
    %get3A_39 = arith.constant 0 : index
    %get3A_40 = arith.constant 0 : index
    %get3A_41 = vector.load %arg4[%get3A_38, %get3A_39, %get3A_40] : memref<1x1x1024xi32, #tpu.memory_space<vmem>>, vector<1x1x1024xi32>
    %get3A_42 = vector.shape_cast %get3A_41 : vector<1x1x1024xi32> to vector<1024xi32>
    %iota3A = tpu.iota {dimensions = array<i32: 0>} : vector<64x1024xi32>
    %broadcast_in_dim3A_43 = vector.shape_cast %get3A_42 : vector<1024xi32> to vector<1x1024xi32>
    %eq3A_44 = vector.broadcast %broadcast_in_dim3A_43 : vector<1x1024xi32> to vector<64x1024xi32>
    %eq3A_45 = arith.cmpi eq, %iota3A, %eq3A_44 : vector<64x1024xi32>
    %convert_element_type3A_46 = arith.extui %eq3A_45 : vector<64x1024xi1> to vector<64x1024xi32>
    %convert_element_type3A_47 = arith.sitofp %convert_element_type3A_46 : vector<64x1024xi32> to vector<64x1024xf32>
    %get3A_48 = arith.constant 0 : index
    %get3A_49 = arith.constant 0 : index
    %get3A_50 = vector.load %arg11[%get3A_48, %get3A_49] : memref<64x128xf32, #tpu.memory_space<vmem>>, vector<64x128xf32>
    %dot_general3A_51 = arith.constant dense<0.000000e+00> : vector<64x128xf32>
    %dot_general3A_52 = tpu.matmul %convert_element_type3A_47, %add3A_37, %dot_general3A_51 {dimension_numbers = #tpu.dot_dimension_numbers<[1], [0], [0], [1], [0, 0, 1, 1], [], []>, transpose_lhs_hint = false} : vector<64x1024xf32>, vector<1024x128xf32>, vector<64x128xf32> -> vector<64x128xf32>
    %add3A_53 = arith.addf %get3A_50, %dot_general3A_52 : vector<64x128xf32>
    %swap3A = arith.constant 0 : index
    %swap3A_54 = arith.constant 0 : index
    %swap3A_55 = vector.load %arg11[%swap3A, %swap3A_54] : memref<64x128xf32, #tpu.memory_space<vmem>>, vector<64x128xf32>
    tpu.vector_store %arg11[%swap3A, %swap3A_54], %add3A_53 {strides = array<i32>} : memref<64x128xf32, #tpu.memory_space<vmem>>, vector<64x128xf32>,
    %get3A_56 = arith.constant 0 : index
    %get3A_57 = arith.constant 0 : index
    %get3A_58 = vector.load %arg12[%get3A_56, %get3A_57] : memref<64x128xf32, #tpu.memory_space<vmem>>, vector<64x128xf32>
    %reduce_sum3A = arith.constant dense<0.000000e+00> : vector<64xf32>
    %reduce_sum3A_59 = vector.multi_reduction <add>, %convert_element_type3A_47, %reduce_sum3A [1] : vector<64x1024xf32> to vector<64xf32>
    %broadcast_in_dim3A_60 = vector.shape_cast %reduce_sum3A_59 : vector<64xf32> to vector<64x1xf32>
    %broadcast_in_dim3A_61 = vector.shape_cast %broadcast_in_dim3A_60 : vector<64x1xf32> to vector<64x1xf32>
    %broadcast_in_dim3A_62 = vector.broadcast %broadcast_in_dim3A_61 : vector<64x1xf32> to vector<64x128xf32>
    %add3A_63 = arith.addf %get3A_58, %broadcast_in_dim3A_62 : vector<64x128xf32>
    %swap3A_64 = arith.constant 0 : index
    %swap3A_65 = arith.constant 0 : index
    %swap3A_66 = vector.load %arg12[%swap3A_64, %swap3A_65] : memref<64x128xf32, #tpu.memory_space<vmem>>, vector<64x128xf32>
    tpu.vector_store %arg12[%swap3A_64, %swap3A_65], %add3A_63 {strides = array<i32>} : memref<64x128xf32, #tpu.memory_space<vmem>>, vector<64x128xf32>,
    %eq3A_67 = arith.constant 9 : i32
    %eq3A_68 = arith.cmpi eq, %arg0, %eq3A_67 : i32
    %convert_element_type3A_69 = arith.extui %eq3A_68 : i1 to i32
    %cond3A_70 = arith.constant 0 : i32
    %cond3A_71 = arith.cmpi ne, %convert_element_type3A_69, %cond3A_70 : i32
    scf.if %cond3A_71 {
      %get3A_72 = arith.constant 0 : index
      %get3A_73 = arith.constant 0 : index
      %get3A_74 = vector.load %arg11[%get3A_72, %get3A_73] : memref<64x128xf32, #tpu.memory_space<vmem>>, vector<64x128xf32>
      %get3A_75 = arith.constant 0 : index
      %get3A_76 = arith.constant 0 : index
      %get3A_77 = vector.load %arg12[%get3A_75, %get3A_76] : memref<64x128xf32, #tpu.memory_space<vmem>>, vector<64x128xf32>
      %max3A_78 = arith.constant 1.000000e+00 : f32
      %max3A_79 = vector.broadcast %max3A_78 : f32 to vector<64x128xf32>
      %max3A_80 = arith.maximumf %get3A_77, %max3A_79 : vector<64x128xf32>
      %div3A_81 = arith.divf %get3A_74, %max3A_80 : vector<64x128xf32>
      %get3A_82 = arith.constant 0 : index
      %get3A_83 = arith.constant 0 : index
      %get3A_84 = vector.load %arg8[%get3A_82, %get3A_83] : memref<128x64xf32, #tpu.memory_space<vmem>>, vector<128x64xf32>
      %dot_general3A_85 = arith.constant dense<0.000000e+00> : vector<64x64xf32>
      %dot_general3A_86 = tpu.matmul %div3A_81, %get3A_84, %dot_general3A_85 {dimension_numbers = #tpu.dot_dimension_numbers<[1], [0], [0], [1], [0, 0, 1, 1], [], []>, transpose_lhs_hint = false} : vector<64x128xf32>, vector<128x64xf32>, vector<64x64xf32> -> vector<64x64xf32>
      %get3A_87 = arith.constant 0 : index
      %get3A_88 = arith.constant 0 : index
      %get3A_89 = vector.load %arg9[%get3A_87, %get3A_88] : memref<1x64xf32, #tpu.memory_space<vmem>>, vector<1x64xf32>
      %add3A_90 = vector.broadcast %get3A_89 : vector<1x64xf32> to vector<64x64xf32>
      %add3A_91 = arith.addf %dot_general3A_86, %add3A_90 : vector<64x64xf32>
      %swap3A_92 = arith.constant 0 : index
      %swap3A_93 = arith.constant 0 : index
      %swap3A_94 = vector.load %arg10[%swap3A_92, %swap3A_93] : memref<64x64xf32, #tpu.memory_space<vmem>>, vector<64x64xf32>
      tpu.vector_store %arg10[%swap3A_92, %swap3A_93], %add3A_91 {strides = array<i32>} : memref<64x64xf32, #tpu.memory_space<vmem>>, vector<64x64xf32>,
    } else {
    }
    return
  }
  func.func @transform_0(%arg0: i32) -> (i32, i32, i32) {
    %c0_i32 = arith.constant 0 : i32
    %c0_i32_0 = arith.constant 0 : i32
    %c0_i32_1 = arith.constant 0 : i32
    return %c0_i32, %arg0, %c0_i32_0 : i32, i32, i32
  }
  func.func @transform_1(%arg0: i32) -> (i32, i32) {
    %c0_i32 = arith.constant 0 : i32
    %c0_i32_0 = arith.constant 0 : i32
    return %arg0, %c0_i32 : i32, i32
  }
  func.func @transform_2(%arg0: i32) -> (i32, i32) {
    %c0_i32 = arith.constant 0 : i32
    %c0_i32_0 = arith.constant 0 : i32
    return %arg0, %c0_i32 : i32, i32
  }
  func.func @transform_3(%arg0: i32) -> (i32, i32, i32) {
    %c0_i32 = arith.constant 0 : i32
    %c0_i32_0 = arith.constant 0 : i32
    %c0_i32_1 = arith.constant 0 : i32
    return %arg0, %c0_i32, %c0_i32_0 : i32, i32, i32
  }
  func.func @transform_4(%arg0: i32) -> (i32, i32) {
    %c0_i32 = arith.constant 0 : i32
    %c0_i32_0 = arith.constant 0 : i32
    %c0_i32_1 = arith.constant 0 : i32
    return %c0_i32, %c0_i32_0 : i32, i32
  }
  func.func @transform_5(%arg0: i32) -> (i32, i32) {
    %c0_i32 = arith.constant 0 : i32
    %c0_i32_0 = arith.constant 0 : i32
    %c0_i32_1 = arith.constant 0 : i32
    return %c0_i32, %c0_i32_0 : i32, i32
  }
  func.func @transform_6(%arg0: i32) -> (i32, i32) {
    %c0_i32 = arith.constant 0 : i32
    %c0_i32_0 = arith.constant 0 : i32
    %c0_i32_1 = arith.constant 0 : i32
    return %c0_i32, %c0_i32_0 : i32, i32
  }
  func.func @transform_7(%arg0: i32) -> (i32, i32) {
    %c0_i32 = arith.constant 0 : i32
    %c0_i32_0 = arith.constant 0 : i32
    %c0_i32_1 = arith.constant 0 : i32
    return %c0_i32, %c0_i32_0 : i32, i32
  }
  func.func @transform_8(%arg0: i32) -> (i32, i32) {
    %c0_i32 = arith.constant 0 : i32
    %c0_i32_0 = arith.constant 0 : i32
    %c0_i32_1 = arith.constant 0 : i32
    return %c0_i32, %c0_i32_0 : i32, i32
  }
  func.func @transform_9(%arg0: i32) -> (i32, i32) {
    %c0_i32 = arith.constant 0 : i32
    %c0_i32_0 = arith.constant 0 : i32
    %c0_i32_1 = arith.constant 0 : i32
    return %c0_i32, %c0_i32_0 : i32, i32
  }
}

</mosaic_0001>

<sc_bundles>
// kernel: kernel.6.cloned.1.call-start
scs
__scs_entry_jumppad:
0x0: {  	(pc) =	sbr.rel $0x88, $3  }
0x1: {  	(tag) =	ssettag $0x0;
	lr =	simm.s32 $0x1  }
0x2: {  	[smem:$0x3F96] =	sst lr;
	_ =	strace $0xD0000000  }
0x3: {  	_ = 	snop  }
0x4: {  	_ = 	snop  }
0x5: {  	_ = 	snop  }
0x6: {  	_ = 	snop  }
0x7: {  	_ = 	snop  }
__scs_overlays_trampoline_lowered:
0x8: {  	[smem:$0x3FA5] =	sst s0  }
0x9: {  	[smem:$0x3FA6] =	sst s1  }
0xa: {  	[smem:$0x3FA7] =	sst s2  }
0xb: {  	[smem:$0x3FA8] =	sst s3  }
0xc: {  	[smem:$0x3FA9] =	sst s4  }
0xd: {  	[smem:$0x3FAA] =	sst s5  }
0xe: {  	[smem:$0x3FAB] =	sst s6  }
0xf: {  	[smem:$0x3FAC] =	sst s7  }
0x10: {  	[smem:$0x3FAD] =	sst s8  }
0x11: {  	[smem:$0x3FAE] =	sst s9;
	s0 =	simm.s32 @!p0 $0x0  }
0x12: {  	s1 =	sld [smem:$0x3F94];
	s0 =	simm.s32 @p0 $0x1  }
0x13: {  	[smem:$0x3FAF] =	sst s0;
	s0 =	simm.s32 @!p1 $0x0  }
0x14: {  	s2 =	sld [smem:$0x3F93];
	s0 =	simm.s32 @p1 $0x1  }
0x15: {  	[smem:$0x3FB0] =	sst s0;
	s0 =	simm.s32 @!p2 $0x0  }
0x16: {  	s3 =	sld [smem:$0x3FDB];
	s0 =	simm.s32 @p2 $0x1  }
0x17: {  	s4 =	simm.s32 $0x1BF5;
	[smem:$0x3FB2] =	sst s0  }
0x18: {  	s0 =	sld [smem:$0x3F95];
	_ =	swait.ge [sflag:s4], $0x0  }
0x19: {  	s7 =	sld [smem:$0x3F96]  }
0x1a: {  	s8 =	sadd.s32 $0xFFFFE003, lr  }
0x1b: {  	s9 =	sadd.s32 $0xFFFFFEF7, lr;
	s5 =	simm.s32 $0xFFFFFFFF;
	p2 =	slt.u32 s8, $0xFFFFF086  }
0x1c: {  	p1 =	slt.u32 s9, $0xF7A;
	s5 =	simm.s32 @!p2 $0x0  }
0x1d: {  	s5 =	simm.s32 @p1 $0x1;
	p0 =	seq.s32 s7, s2  }
0x1e: {  	s7 =	smul.u32 @!p0 $0xF7A, s2;
	p2 =	seq.s32 @!p0 s5, $0x0  }
0x1f: {  	s9 =	smul.u32 $0xF7A, s1;
	s8 =	simm.s32 @!p0 $0x1BF5;
	p2 =	por !p2, p0  }
0x20: {  	[sflag:s8] =	ssyncset.s32 @!p0 $0xFFFFF086;
	s6 =	sadd.s32 @!p0 s3, s7;
	s7 =	simm.s32 @!p0 $0x108  }
0x21: {  	s3 =	sadd.s32 s3, s9;
	s6 =	sadd.s32 @!p0 $0x88, s6;
	s7 =	simm.s32 @p2 $0x1082  }
0x22: {  	[simem:s7], [sflag:s8] =	dma.local @!p0 [hbm:s6], $0xF7A  }
0x23: {  	s9 =	sor.u32 $0xD0000000, s2;
	s6 =	simm.s32 $0x108;
	_ =	swait.ge @!p0 [sflag:s8], $0x0  }
0x24: {  	s3 =	sadd.s32 $0x88, s3;
	s6 =	simm.s32 @!p1 $0x1082;
	[sflag:s4] =	ssyncset.s32 $0xFFFFF086  }
0x25: {  	[simem:s6], [sflag:s4] =	dma.local [hbm:s3], $0xF7A  }
0x26: {  	[smem:$0x3F96] =	sst s1;
	(tag) =	ssettag s2;
	_ =	strace s9  }
0x27: {  	s1 =	sld [smem:$0x3FA6]  }
0x28: {  	s2 =	sld [smem:$0x3FA7]  }
0x29: {  	s4 =	sld [smem:$0x3FA9]  }
0x2a: {  	p0 =	seq.s32 s5, $0x0;
	s5 =	sld [smem:$0x3FAA]  }
0x2b: {  	s6 =	sld [smem:$0x3FAB]  }
0x2c: {  	s7 =	sld [smem:$0x3FAC]  }
0x2d: {  	s3 =	simm.s32 $0x108;
	s8 =	sld [smem:$0x3FAD]  }
0x2e: {  	s3 =	simm.s32 @!p0 $0x1082;
	s9 =	sld [smem:$0x3FAE]  }
0x2f: {  	lr =	sadd.s32 s0, s3;
	s0 =	sld [smem:$0x3FA5]  }
0x30: {  	s3 =	sld [smem:$0x3FA8]  }
0x31: {  	[smem:$0x3FB1] =	sst s10  }
0x32: {  	s10 =	sld [smem:$0x3FAF];
	_ =	sdelay $0x3  }
0x33: {  	p0 =	seq.s32 s10, $0x1;
	s10 =	sld [smem:$0x3FB1];
	_ =	sdelay $0x3  }
0x34: {  	[smem:$0x3FB1] =	sst s10  }
0x35: {  	s10 =	sld [smem:$0x3FB0];
	_ =	sdelay $0x3  }
0x36: {  	p1 =	seq.s32 s10, $0x1;
	s10 =	sld [smem:$0x3FB1];
	_ =	sdelay $0x3  }
0x37: {  	[smem:$0x3FB1] =	sst s10  }
0x38: {  	s10 =	sld [smem:$0x3FB2]  }
0x39: {  	_ = 	snop;
	(pc) =	sbr.ind lr, $3  }
0x3a: {  	_ = 	snop  }
0x3b: {  	_ = 	snop  }
0x3c: {  	p2 =	seq.s32 s10, $0x1;
	s10 =	sld [smem:$0x3FB1]  }
0x3d: {  	_ =	shalt  }
0x3e: {  	_ =	shalt  }
0x3f: {  	_ =	shalt  }
0x40: {  	_ =	shalt  }
0x41: {  	_ =	shalt  }
0x42: {  	_ =	shalt  }
0x43: {  	_ =	shalt  }
0x44: {  	_ =	shalt  }
0x45: {  	_ =	shalt  }
0x46: {  	_ =	shalt  }
0x47: {  	_ =	shalt  }
0x48: {  	_ =	shalt  }
0x49: {  	_ =	shalt  }
0x4a: {  	_ =	shalt  }
0x4b: {  	_ =	shalt  }
0x4c: {  	_ =	shalt  }
0x4d: {  	_ =	shalt  }
0x4e: {  	_ =	shalt  }
0x4f: {  	_ =	shalt  }
0x50: {  	_ =	shalt  }
0x51: {  	_ =	shalt  }
0x52: {  	_ =	shalt  }
0x53: {  	_ =	shalt  }
0x54: {  	_ =	shalt  }
0x55: {  	_ =	shalt  }
0x56: {  	_ =	shalt  }
0x57: {  	_ =	shalt  }
0x58: {  	_ =	shalt  }
0x59: {  	_ =	shalt  }
0x5a: {  	_ =	shalt  }
0x5b: {  	_ =	shalt  }
0x5c: {  	_ =	shalt  }
0x5d: {  	_ =	shalt  }
0x5e: {  	_ =	shalt  }
0x5f: {  	_ =	shalt  }
0x60: {  	_ =	shalt  }
0x61: {  	_ =	shalt  }
0x62: {  	_ =	shalt  }
0x63: {  	_ =	shalt  }
0x64: {  	_ =	shalt  }
0x65: {  	_ =	shalt  }
0x66: {  	_ =	shalt  }
0x67: {  	_ =	shalt  }
0x68: {  	_ =	shalt  }
0x69: {  	_ =	shalt  }
0x6a: {  	_ =	shalt  }
0x6b: {  	_ =	shalt  }
0x6c: {  	_ =	shalt  }
0x6d: {  	_ =	shalt  }
0x6e: {  	_ =	shalt  }
0x6f: {  	_ =	shalt  }
0x70: {  	_ =	shalt  }
0x71: {  	_ =	shalt  }
0x72: {  	_ =	shalt  }
0x73: {  	_ =	shalt  }
0x74: {  	_ =	shalt  }
0x75: {  	_ =	shalt  }
0x76: {  	_ =	shalt  }
0x77: {  	_ =	shalt  }
0x78: {  	_ =	shalt  }
0x79: {  	_ =	shalt  }
0x7a: {  	_ =	shalt  }
0x7b: {  	_ =	shalt  }
0x7c: {  	_ =	shalt  }
0x7d: {  	_ =	shalt  }
0x7e: {  	_ =	shalt  }
0x7f: {  	_ =	shalt  }
0x80: {  	_ =	shalt  }
0x81: {  	_ =	shalt  }
0x82: {  	_ =	shalt  }
0x83: {  	_ =	shalt  }
0x84: {  	_ =	shalt  }
0x85: {  	_ =	shalt  }
0x86: {  	_ =	shalt  }
0x87: {  	_ =	shalt  }
.Lfunc_end0:
.L_simem_size_0:
called_computation_lowered:
.L_overlay_start_0:
0x88: {  	s2 =	sld [smem:$0x3FD9]  }
0x89: {  	s3 =	sld [smem:$0x3FFE];
	_ =	sdelay $0x1  }
0x8a: {  	s1 =	srdreg.scid  }
0x8b: {  	s0 =	sand.u32 $0x1, s1  }
0x8c: {  	s17 =	sshll.u32 s0, $0xA;
	s2 =	sadd.s32 s3, s2  }
0x8d: {  	s2 =	sadd.s32 s2, s17  }
0x8e: {  	[smem:$0x3FBD] =	sst s2  }
0x8f: {  	_ = 	snop  }
0x90: {  	s2 =	sld [smem:$0x3FC9];
	(tm) =	ssettm $0x1  }
0x91: {  	s18 =	sld [smem:$0x3FFB];
	_ =	sdelay $0x3  }
0x92: {  	_ =	strace s18  }
0x93: {  	s3 =	sld [smem:$0x3FFC];
	_ =	sdelay $0x3  }
0x94: {  	_ =	strace s3  }
0x95: {  	s3 =	sld [smem:$0x3FFD];
	_ =	sdelay $0x3  }
0x96: {  	_ =	strace s3  }
0x97: {  	_ =	strace $0x8FFFFFFF  }
0x98: {  	s19 =	sld [smem:$0x3FDB];
	_ =	sdelay $0x1  }
0x99: {  	s4 =	simm.s32 $_scs_section_size  }
0x9a: {  	s5 =	simm.s32 $_size__tile_overlayer_lowered;
	s6 =	simm.s32 $_tile_overlayer_lowered  }
0x9b: {  	s22 =	simm.s32 $0x1BFF;
	s21 =	sshll.u32 s6, $0x1;
	s3 =	sadd.s32 s4, s19  }
0x9c: {  	s7 =	simm.s32 $0x0;
	s20 =	sshll.u32 s5, $0x1;
	s5 =	sadd.s32 s21, s3  }
0x9d: {  	[timem:s7], [sflag:s22] =	dma.local [hbm:s5], s20  }
0x9e: {  	_ =	swait.ge [sflag:s22], s20  }
0x9f: {  	s4 =	ssub.s32 $0x0, s20;
	[sflag:s22] =	ssyncset.done $0x0  }
0xa0: {  	[sflag:s22] =	ssyncadd.s32 s4;
	_ =	sdelay $0x1  }
0xa1: {  	s23 =	simm.s32 $0x1B8B  }
0xa2: {  	_ =	swait.ge [sflag:s23], $0x1  }
0xa3: {  	[sflag:s23] =	ssyncset.done $0x0  }
0xa4: {  	s25 =	simm.s32 $0x1B8E;
	s24 =	sld [smem:$0x3FFE];
	[sflag:s23] =	ssyncadd.s32 $0xFFFFFFFF  }
0xa5: {  	s26 =	simm.s32 $execute0_lowered;
	[smem:$0x3FD2] =	sst s25  }
0xa6: {  	s5 =	sshll.u32 s26, $0x1;
	_ =	strace $0x80000046;
	[dreg:$0x1] =	wrdreg $0xFFFFFFFF  }
0xa7: {  	s28 =	simm.s32 $_size_execute0_lowered;
	s3 =	sadd.s32 s3, s5;
	[dreg:$0x0] =	wrdreg $0x0  }
0xa8: {  	s5 =	sshll.u32 s28, $0x1;
	[dreg:$0x2] =	wrdreg s3  }
0xa9: {  	[dreg:$0x3] =	wrdreg s5  }
0xaa: {  	[dreg:$0x4] =	wrdreg $0xC0  }
0xab: {  	_ =	task [dreg:s7], $0x5FFFF  }
0xac: {  	[dreg:$0x1] =	wrdreg $0xFFFFFFFF  }
0xad: {  	[dreg:$0x0] =	wrdreg $0x60  }
0xae: {  	[dreg:$0x2] =	wrdreg s2  }
0xaf: {  	[dreg:$0x3] =	wrdreg s24  }
0xb0: {  	[dreg:$0x4] =	wrdreg $0x88000  }
0xb1: {  	[dreg:$0x5] =	wrdreg $0x9  }
0xb2: {  	_ =	task.clear_ibuf [dreg:s7], $0x6FFFF;
	_ =	strace $0x90000046  }
0xb3: {  	s29 =	simm.s32 $0x9;
	_ =	strace $0x80000048  }
0xb4: {  	_ =	swait.ge [sflag:s29], $0x1  }
0xb5: {  	[sflag:s29] =	ssyncadd.s32 $0xFFFFFFFF  }
0xb6: {  	_ =	strace $0x90000048  }
0xb7: {  	_ =	sfence  }
0xb8: {  	s30 =	sld [smem:$0x0];
	_ =	sdelay $0x2  }
0xb9: {  	s31 =	sshll.u32 s1, $0xD;
	s1 =	sshrl.u32 s1, $0x2  }
0xba: {  	s3 =	sand.u32 $0x4000, s31;
	s1 =	sadd.s32 s1, s30  }
0xbb: {  	s0 =	sor.u32 s3, s0;
	s1 =	sshll.u32 s1, $0x11  }
0xbc: {  	s0 =	sor.u32 s1, s0  }
0xbd: {  	s0 =	sadd.s32 $0x8F2B, s0  }
0xbe: {  	[sflag:s0] =	ssyncadd.remote.s32 $0x1  }
0xbf: {  	_ =	sfence.sel $0xFFFF  }
0xc0: {  	[dreg:$0x0] =	wrdreg $0xFFFFFFFF;
	(pc) =	sbr.abs _section_cstart, $3  }
0xc1: {  	[dreg:$0x1] =	wrdreg $0xFFFFFFFF  }
0xc2: {  	_ =	task.clear_ibuf [dreg:s7], $0x2FFFF;
	_ =	strace $0x9FFFFFFF  }
0xc3: {  	(tm) =	ssettm $0x7FFFFFFF  }
tec
execute0_lowered:
.L_overlay_start_1:
0x0: {  	(tag) =	ssettag $0x1  }
0x1: {  	s1 =	rddreg [dreg:$0x0]  }
0x2: {  	s0 =	rddreg [dreg:$0x1]  }
0x3: {  	s2 =	rddreg [dreg:$0x2]  }
0x4: {  	s3 =	srdreg.scid;
	s4 =	simm.s32 $0x0;
	s10 =	stileid.u32  }
0x5: {  	s13 =	simm.s32 $0x3;
	s14 =	simm.s32 $0x1C800;
	s15 =	simm.s32 $0x80  }
0x6: {  	s16 =	simm.s32 $0x800;
	s17 =	simm.s32 $0x1;
	s18 =	simm.s32 $0x100  }
0x7: {  	s19 =	simm.s32 $0x4800;
	s20 =	simm.s32 $0x2;
	s28 =	simm.s32 $0x500  }
0x8: {  	s29 =	simm.s32 $0x480;
	s30 =	simm.s32 $0x600;
	s31 =	simm.s32 $0x580  }
0x9: {  	s3 =	sand.u32 $0x1, s3;
	[smem:$0x7FF] =	sst s4;
	s6 =	smul.u32 $0x5800, s10  }
0xa: {  	s21 =	smul.u32 $0x14000, s10;
	s9 =	sshll.u32 s10, $0x7;
	s11 =	sadd.s32 $0x18400, s0  }
0xb: {  	s22 =	sadd.s32 $0x1AC00, s0;
	s23 =	smul.u32 $0x50000, s10;
	s25 =	sshll.u32 s10, $0x6  }
0xc: {  	s5 =	smul.u32 $0x58000, s3;
	s7 =	sshll.u32 s3, $0x4;
	_ =	strace $0x80000047  }
0xd: {  	s8 =	smul.u32 $0x140000, s3;
	[dreg:$0x4] =	wrdreg s11;
	s9 =	sand.u32 $0x380, s9  }
0xe: {  	[dreg:$0x5] =	wrdreg s22;
	s3 =	ssub.s32 $0x2, s3;
	s22 =	simm.s32 $0x180  }
0xf: {  	s7 =	sor.u32 s10, s7;
	s24 =	sshrl.u32 s3, $0x1;
	s5 =	sadd.s32 s6, s5  }
0x10: {  	s7 =	sshrl.u32 s7, $0x3;
	s6 =	sadd.s32 s21, s8;
	s8 =	sshrl.u32 s23, $0x2  }
0x11: {  	s3 =	ssub.s32 s3, s24;
	s21 =	simm.s32 $0x200;
	s23 =	simm.s32 $0x300  }
0x12: {  	s24 =	simm.s32 $0x280;
	s5 =	sshrl.u32 s5, $0x3;
	s7 =	smul.u32 $0x14000, s7  }
0x13: {  	s6 =	sshrl.u32 s6, $0x3;
	s8 =	sadd.s32 s8, s2;
	s10 =	smax.u32 s3, $0x1  }
0x14: {  	s3 =	simm.s32 $0x680;
	s5 =	sadd.s32 s5, s0;
	s6 =	sadd.s32 s6, s0  }
0x15: {  	s12 =	sshrl.u32 s8, $0x3;
	s7 =	sor.u32 s9, s7;
	s26 =	sadd.s32 $0x25200, s6  }
0x16: {  	s11 =	sadd.s32 $0x2400, s5;
	s5 =	simm.s32 $0x780;
	s7 =	sshrl.u32 s7, $0x3  }
0x17: {  	s6 =	simm.s32 $0x0;
	[dreg:$0x7] =	wrdreg s26;
	s0 =	sadd.s32 s7, s0  }
0x18: {  	s26 =	simm.s32 $0x380;
	s7 =	sor.u32 $0x1C03, s25;
	s0 =	sadd.s32 $0x1B200, s0  }
0x19: {  	v0 =	vimm.f32 $1.000000000e+00;
	s25 =	simm.s32 $0x400;
	[dreg:$0x6] =	wrdreg s0;
	s0 =	simm.s32 $0x700  }
.LBB2_1:
0x1a: {  	s8 =	rddreg [dreg:$0x4]  }
0x1b: {  	[spmem:s12], [sflag:s7] =	dma.local [hbm:s8], $0x2800  }
0x1c: {  	_ =	swait.ge [sflag:s13], $0x2800  }
0x1d: {  	[sflag:s13] =	ssyncset.done $0x0  }
0x1e: {  	s9 =	rddreg [dreg:$0x5];
	[sflag:s13] =	ssyncadd.s32 $0xFFFFD800  }
0x1f: {  	[tilespmem:s14], [sflag:$0x3] =	stream.linear.gather [hbm4b:s9+s4], $0x2800, $0x38;
	[tilespmem:$0x1F000] =	vst v63  }
0x20: {  	_ =	swait.ge [sflag:s13], $0x2800  }
0x21: {  	[sflag:s13] =	ssyncset.done $0x0  }
0x22: {  	[sflag:s13] =	ssyncadd.s32 $0xFFFFD800  }
0x23: {  	s8 =	simm.s32 $0x0;
	[bflag:$0x0] =	sbarrier.arrive $0xFFFF  }
.LBB2_2:
0x24: {  	s9 =	sadd.s32 s8, s11  }
0x25: {  	[tilespmem:s4], [sflag:$0x3] =	stream.linear.gather [hbm4b:s9+s4], $0x800, $0x38;
	[tilespmem:$0x1F000] =	vst v63  }
0x26: {  	_ =	swait.ge [sflag:s13], $0x800  }
0x27: {  	[sflag:s13] =	ssyncset.done $0x0  }
0x28: {  	[sflag:s13] =	ssyncadd.s32 $0xFFFFF800  }
0x29: {  	[tilespmem:s16], [sflag:$0x1] =	stream.indirect.gather [hbm4b:s1+s15], $0x80, s4, s15, $0xb8;
	[tilespmem:$0x1F000] =	vst v63  }
0x2a: {  	_ =	swait.ge [sflag:s17], $0x4000  }
0x2b: {  	[sflag:s17] =	ssyncset.done $0x0  }
0x2c: {  	[sflag:s17] =	ssyncadd.s32 $0xFFFFC000  }
0x2d: {  	[tilespmem:s19], [sflag:$0x2] =	stream.indirect.gather [hbm4b:s1+s15], $0x80, s18, s15, $0xb8;
	[tilespmem:$0x1F000] =	vst v63  }
0x2e: {  	v1 =	vld [tilespmem:$0x80];
	_ =	sdelay $0x7  }
0x2f: {  	[tilespmem:v1+s14+$0x0] =	vst.idx.add.f32.msk $0xffff, v0  }
0x30: {  	v1 =	vld [tilespmem:$0x90];
	_ =	sdelay $0x7  }
0x31: {  	[tilespmem:v1+s14+$0x0] =	vst.idx.add.f32.msk $0xffff, v0  }
0x32: {  	v1 =	vld [tilespmem:$0xA0];
	_ =	sdelay $0x7  }
0x33: {  	[tilespmem:v1+s14+$0x0] =	vst.idx.add.f32.msk $0xffff, v0  }
0x34: {  	v1 =	vld [tilespmem:$0xB0];
	_ =	sdelay $0x7  }
0x35: {  	[tilespmem:v1+s14+$0x0] =	vst.idx.add.f32.msk $0xffff, v0  }
0x36: {  	v1 =	vld [tilespmem:$0xC0];
	_ =	sdelay $0x7  }
0x37: {  	[tilespmem:v1+s14+$0x0] =	vst.idx.add.f32.msk $0xffff, v0  }
0x38: {  	v1 =	vld [tilespmem:$0xD0];
	_ =	sdelay $0x7  }
0x39: {  	[tilespmem:v1+s14+$0x0] =	vst.idx.add.f32.msk $0xffff, v0  }
0x3a: {  	v1 =	vld [tilespmem:$0xE0];
	_ =	sdelay $0x7  }
0x3b: {  	[tilespmem:v1+s14+$0x0] =	vst.idx.add.f32.msk $0xffff, v0  }
0x3c: {  	v1 =	vld [tilespmem:$0xF0];
	_ =	sdelay $0x7  }
0x3d: {  	[tilespmem:v1+s14+$0x0] =	vst.idx.add.f32.msk $0xffff, v0  }
0x3e: {  	[spmem:s2] =	stream.indirect.scatter.add.f32 [tilespmem:s16], [sflag:$0x3], $0x80, s15, s15, $0xb8;
	[tilespmem:$0x1F000] =	vst v63  }
0x3f: {  	_ =	swait.ge [sflag:s13], $0x4000  }
0x40: {  	[sflag:s13] =	ssyncset.done $0x0  }
0x41: {  	[sflag:s13] =	ssyncadd.s32 $0xFFFFC000  }
0x42: {  	_ =	swait.ge [sflag:s20], $0x4000  }
0x43: {  	[sflag:s20] =	ssyncset.done $0x0  }
0x44: {  	[sflag:s20] =	ssyncadd.s32 $0xFFFFC000  }
0x45: {  	[tilespmem:s16], [sflag:$0x1] =	stream.indirect.gather [hbm4b:s1+s15], $0x80, s21, s15, $0xb8;
	[tilespmem:$0x1F000] =	vst v63  }
0x46: {  	v1 =	vld [tilespmem:$0x180];
	_ =	sdelay $0x7  }
0x47: {  	[tilespmem:v1+s14+$0x0] =	vst.idx.add.f32.msk $0xffff, v0  }
0x48: {  	v1 =	vld [tilespmem:$0x190];
	_ =	sdelay $0x7  }
0x49: {  	[tilespmem:v1+s14+$0x0] =	vst.idx.add.f32.msk $0xffff, v0  }
0x4a: {  	v1 =	vld [tilespmem:$0x1A0];
	_ =	sdelay $0x7  }
0x4b: {  	[tilespmem:v1+s14+$0x0] =	vst.idx.add.f32.msk $0xffff, v0  }
0x4c: {  	v1 =	vld [tilespmem:$0x1B0];
	_ =	sdelay $0x7  }
0x4d: {  	[tilespmem:v1+s14+$0x0] =	vst.idx.add.f32.msk $0xffff, v0  }
0x4e: {  	v1 =	vld [tilespmem:$0x1C0];
	_ =	sdelay $0x7  }
0x4f: {  	[tilespmem:v1+s14+$0x0] =	vst.idx.add.f32.msk $0xffff, v0  }
0x50: {  	v1 =	vld [tilespmem:$0x1D0];
	_ =	sdelay $0x7  }
0x51: {  	[tilespmem:v1+s14+$0x0] =	vst.idx.add.f32.msk $0xffff, v0  }
0x52: {  	v1 =	vld [tilespmem:$0x1E0];
	_ =	sdelay $0x7  }
0x53: {  	[tilespmem:v1+s14+$0x0] =	vst.idx.add.f32.msk $0xffff, v0  }
0x54: {  	v1 =	vld [tilespmem:$0x1F0];
	_ =	sdelay $0x7  }
0x55: {  	[tilespmem:v1+s14+$0x0] =	vst.idx.add.f32.msk $0xffff, v0  }
0x56: {  	[spmem:s2] =	stream.indirect.scatter.add.f32 [tilespmem:s19], [sflag:$0x3], $0x80, s22, s15, $0xb8;
	[tilespmem:$0x1F000] =	vst v63  }
0x57: {  	_ =	swait.ge [sflag:s13], $0x4000  }
0x58: {  	[sflag:s13] =	ssyncset.done $0x0  }
0x59: {  	[sflag:s13] =	ssyncadd.s32 $0xFFFFC000  }
0x5a: {  	_ =	swait.ge [sflag:s17], $0x4000  }
0x5b: {  	[sflag:s17] =	ssyncset.done $0x0  }
0x5c: {  	[sflag:s17] =	ssyncadd.s32 $0xFFFFC000  }
0x5d: {  	[tilespmem:s19], [sflag:$0x2] =	stream.indirect.gather [hbm4b:s1+s15], $0x80, s23, s15, $0xb8;
	[tilespmem:$0x1F000] =	vst v63  }
0x5e: {  	v1 =	vld [tilespmem:$0x280];
	_ =	sdelay $0x7  }
0x5f: {  	[tilespmem:v1+s14+$0x0] =	vst.idx.add.f32.msk $0xffff, v0  }
0x60: {  	v1 =	vld [tilespmem:$0x290];
	_ =	sdelay $0x7  }
0x61: {  	[tilespmem:v1+s14+$0x0] =	vst.idx.add.f32.msk $0xffff, v0  }
0x62: {  	v1 =	vld [tilespmem:$0x2A0];
	_ =	sdelay $0x7  }
0x63: {  	[tilespmem:v1+s14+$0x0] =	vst.idx.add.f32.msk $0xffff, v0  }
0x64: {  	v1 =	vld [tilespmem:$0x2B0];
	_ =	sdelay $0x7  }
0x65: {  	[tilespmem:v1+s14+$0x0] =	vst.idx.add.f32.msk $0xffff, v0  }
0x66: {  	v1 =	vld [tilespmem:$0x2C0];
	_ =	sdelay $0x7  }
0x67: {  	[tilespmem:v1+s14+$0x0] =	vst.idx.add.f32.msk $0xffff, v0  }
0x68: {  	v1 =	vld [tilespmem:$0x2D0];
	_ =	sdelay $0x7  }
0x69: {  	[tilespmem:v1+s14+$0x0] =	vst.idx.add.f32.msk $0xffff, v0  }
0x6a: {  	v1 =	vld [tilespmem:$0x2E0];
	_ =	sdelay $0x7  }
0x6b: {  	[tilespmem:v1+s14+$0x0] =	vst.idx.add.f32.msk $0xffff, v0  }
0x6c: {  	v1 =	vld [tilespmem:$0x2F0];
	_ =	sdelay $0x7  }
0x6d: {  	[tilespmem:v1+s14+$0x0] =	vst.idx.add.f32.msk $0xffff, v0  }
0x6e: {  	[spmem:s2] =	stream.indirect.scatter.add.f32 [tilespmem:s16], [sflag:$0x3], $0x80, s24, s15, $0xb8;
	[tilespmem:$0x1F000] =	vst v63  }
0x6f: {  	_ =	swait.ge [sflag:s13], $0x4000  }
0x70: {  	[sflag:s13] =	ssyncset.done $0x0  }
0x71: {  	[sflag:s13] =	ssyncadd.s32 $0xFFFFC000  }
0x72: {  	_ =	swait.ge [sflag:s20], $0x4000  }
0x73: {  	[sflag:s20] =	ssyncset.done $0x0  }
0x74: {  	[sflag:s20] =	ssyncadd.s32 $0xFFFFC000  }
0x75: {  	[tilespmem:s16], [sflag:$0x1] =	stream.indirect.gather [hbm4b:s1+s15], $0x80, s25, s15, $0xb8;
	[tilespmem:$0x1F000] =	vst v63  }
0x76: {  	v1 =	vld [tilespmem:$0x380];
	_ =	sdelay $0x7  }
0x77: {  	[tilespmem:v1+s14+$0x0] =	vst.idx.add.f32.msk $0xffff, v0  }
0x78: {  	v1 =	vld [tilespmem:$0x390];
	_ =	sdelay $0x7  }
0x79: {  	[tilespmem:v1+s14+$0x0] =	vst.idx.add.f32.msk $0xffff, v0  }
0x7a: {  	v1 =	vld [tilespmem:$0x3A0];
	_ =	sdelay $0x7  }
0x7b: {  	[tilespmem:v1+s14+$0x0] =	vst.idx.add.f32.msk $0xffff, v0  }
0x7c: {  	v1 =	vld [tilespmem:$0x3B0];
	_ =	sdelay $0x7  }
0x7d: {  	[tilespmem:v1+s14+$0x0] =	vst.idx.add.f32.msk $0xffff, v0  }
0x7e: {  	v1 =	vld [tilespmem:$0x3C0];
	_ =	sdelay $0x7  }
0x7f: {  	[tilespmem:v1+s14+$0x0] =	vst.idx.add.f32.msk $0xffff, v0  }
0x80: {  	v1 =	vld [tilespmem:$0x3D0];
	_ =	sdelay $0x7  }
0x81: {  	[tilespmem:v1+s14+$0x0] =	vst.idx.add.f32.msk $0xffff, v0  }
0x82: {  	v1 =	vld [tilespmem:$0x3E0];
	_ =	sdelay $0x7  }
0x83: {  	[tilespmem:v1+s14+$0x0] =	vst.idx.add.f32.msk $0xffff, v0  }
0x84: {  	v1 =	vld [tilespmem:$0x3F0];
	_ =	sdelay $0x7  }
0x85: {  	[tilespmem:v1+s14+$0x0] =	vst.idx.add.f32.msk $0xffff, v0  }
0x86: {  	[spmem:s2] =	stream.indirect.scatter.add.f32 [tilespmem:s19], [sflag:$0x3], $0x80, s26, s15, $0xb8;
	[tilespmem:$0x1F000] =	vst v63  }
0x87: {  	_ =	swait.ge [sflag:s13], $0x4000  }
0x88: {  	[sflag:s13] =	ssyncset.done $0x0  }
0x89: {  	[sflag:s13] =	ssyncadd.s32 $0xFFFFC000  }
0x8a: {  	_ =	swait.ge [sflag:s17], $0x4000  }
0x8b: {  	[sflag:s17] =	ssyncset.done $0x0  }
0x8c: {  	[sflag:s17] =	ssyncadd.s32 $0xFFFFC000  }
0x8d: {  	[tilespmem:s19], [sflag:$0x2] =	stream.indirect.gather [hbm4b:s1+s15], $0x80, s28, s15, $0xb8;
	[tilespmem:$0x1F000] =	vst v63  }
0x8e: {  	v1 =	vld [tilespmem:$0x480];
	_ =	sdelay $0x7  }
0x8f: {  	[tilespmem:v1+s14+$0x0] =	vst.idx.add.f32.msk $0xffff, v0  }
0x90: {  	v1 =	vld [tilespmem:$0x490];
	_ =	sdelay $0x7  }
0x91: {  	[tilespmem:v1+s14+$0x0] =	vst.idx.add.f32.msk $0xffff, v0  }
0x92: {  	v1 =	vld [tilespmem:$0x4A0];
	_ =	sdelay $0x7  }
0x93: {  	[tilespmem:v1+s14+$0x0] =	vst.idx.add.f32.msk $0xffff, v0  }
0x94: {  	v1 =	vld [tilespmem:$0x4B0];
	_ =	sdelay $0x7  }
0x95: {  	[tilespmem:v1+s14+$0x0] =	vst.idx.add.f32.msk $0xffff, v0  }
0x96: {  	v1 =	vld [tilespmem:$0x4C0];
	_ =	sdelay $0x7  }
0x97: {  	[tilespmem:v1+s14+$0x0] =	vst.idx.add.f32.msk $0xffff, v0  }
0x98: {  	v1 =	vld [tilespmem:$0x4D0];
	_ =	sdelay $0x7  }
0x99: {  	[tilespmem:v1+s14+$0x0] =	vst.idx.add.f32.msk $0xffff, v0  }
0x9a: {  	v1 =	vld [tilespmem:$0x4E0];
	_ =	sdelay $0x7  }
0x9b: {  	[tilespmem:v1+s14+$0x0] =	vst.idx.add.f32.msk $0xffff, v0  }
0x9c: {  	v1 =	vld [tilespmem:$0x4F0];
	_ =	sdelay $0x7  }
0x9d: {  	[tilespmem:v1+s14+$0x0] =	vst.idx.add.f32.msk $0xffff, v0  }
0x9e: {  	[spmem:s2] =	stream.indirect.scatter.add.f32 [tilespmem:s16], [sflag:$0x3], $0x80, s29, s15, $0xb8;
	[tilespmem:$0x1F000] =	vst v63  }
0x9f: {  	_ =	swait.ge [sflag:s13], $0x4000  }
0xa0: {  	[sflag:s13] =	ssyncset.done $0x0  }
0xa1: {  	[sflag:s13] =	ssyncadd.s32 $0xFFFFC000  }
0xa2: {  	_ =	swait.ge [sflag:s20], $0x4000  }
0xa3: {  	[sflag:s20] =	ssyncset.done $0x0  }
0xa4: {  	[sflag:s20] =	ssyncadd.s32 $0xFFFFC000  }
0xa5: {  	[tilespmem:s16], [sflag:$0x1] =	stream.indirect.gather [hbm4b:s1+s15], $0x80, s30, s15, $0xb8;
	[tilespmem:$0x1F000] =	vst v63  }
0xa6: {  	v1 =	vld [tilespmem:$0x580];
	_ =	sdelay $0x7  }
0xa7: {  	[tilespmem:v1+s14+$0x0] =	vst.idx.add.f32.msk $0xffff, v0  }
0xa8: {  	v1 =	vld [tilespmem:$0x590];
	_ =	sdelay $0x7  }
0xa9: {  	[tilespmem:v1+s14+$0x0] =	vst.idx.add.f32.msk $0xffff, v0  }
0xaa: {  	v1 =	vld [tilespmem:$0x5A0];
	_ =	sdelay $0x7  }
0xab: {  	[tilespmem:v1+s14+$0x0] =	vst.idx.add.f32.msk $0xffff, v0  }
0xac: {  	v1 =	vld [tilespmem:$0x5B0];
	_ =	sdelay $0x7  }
0xad: {  	[tilespmem:v1+s14+$0x0] =	vst.idx.add.f32.msk $0xffff, v0  }
0xae: {  	v1 =	vld [tilespmem:$0x5C0];
	_ =	sdelay $0x7  }
0xaf: {  	[tilespmem:v1+s14+$0x0] =	vst.idx.add.f32.msk $0xffff, v0  }
0xb0: {  	v1 =	vld [tilespmem:$0x5D0];
	_ =	sdelay $0x7  }
0xb1: {  	[tilespmem:v1+s14+$0x0] =	vst.idx.add.f32.msk $0xffff, v0  }
0xb2: {  	v1 =	vld [tilespmem:$0x5E0];
	_ =	sdelay $0x7  }
0xb3: {  	[tilespmem:v1+s14+$0x0] =	vst.idx.add.f32.msk $0xffff, v0  }
0xb4: {  	v1 =	vld [tilespmem:$0x5F0];
	_ =	sdelay $0x7  }
0xb5: {  	[tilespmem:v1+s14+$0x0] =	vst.idx.add.f32.msk $0xffff, v0  }
0xb6: {  	[spmem:s2] =	stream.indirect.scatter.add.f32 [tilespmem:s19], [sflag:$0x3], $0x80, s31, s15, $0xb8;
	[tilespmem:$0x1F000] =	vst v63  }
0xb7: {  	_ =	swait.ge [sflag:s13], $0x4000  }
0xb8: {  	[sflag:s13] =	ssyncset.done $0x0  }
0xb9: {  	[sflag:s13] =	ssyncadd.s32 $0xFFFFC000  }
0xba: {  	_ =	swait.ge [sflag:s17], $0x4000  }
0xbb: {  	[sflag:s17] =	ssyncset.done $0x0  }
0xbc: {  	[sflag:s17] =	ssyncadd.s32 $0xFFFFC000  }
0xbd: {  	[tilespmem:s19], [sflag:$0x2] =	stream.indirect.gather [hbm4b:s1+s15], $0x80, s0, s15, $0xb8;
	[tilespmem:$0x1F000] =	vst v63  }
0xbe: {  	v1 =	vld [tilespmem:$0x680];
	_ =	sdelay $0x7  }
0xbf: {  	[tilespmem:v1+s14+$0x0] =	vst.idx.add.f32.msk $0xffff, v0  }
0xc0: {  	v1 =	vld [tilespmem:$0x690];
	_ =	sdelay $0x7  }
0xc1: {  	[tilespmem:v1+s14+$0x0] =	vst.idx.add.f32.msk $0xffff, v0  }
0xc2: {  	v1 =	vld [tilespmem:$0x6A0];
	_ =	sdelay $0x7  }
0xc3: {  	[tilespmem:v1+s14+$0x0] =	vst.idx.add.f32.msk $0xffff, v0  }
0xc4: {  	v1 =	vld [tilespmem:$0x6B0];
	_ =	sdelay $0x7  }
0xc5: {  	[tilespmem:v1+s14+$0x0] =	vst.idx.add.f32.msk $0xffff, v0  }
0xc6: {  	v1 =	vld [tilespmem:$0x6C0];
	_ =	sdelay $0x7  }
0xc7: {  	[tilespmem:v1+s14+$0x0] =	vst.idx.add.f32.msk $0xffff, v0  }
0xc8: {  	v1 =	vld [tilespmem:$0x6D0];
	_ =	sdelay $0x7  }
0xc9: {  	[tilespmem:v1+s14+$0x0] =	vst.idx.add.f32.msk $0xffff, v0  }
0xca: {  	v1 =	vld [tilespmem:$0x6E0];
	_ =	sdelay $0x7  }
0xcb: {  	[tilespmem:v1+s14+$0x0] =	vst.idx.add.f32.msk $0xffff, v0  }
0xcc: {  	v1 =	vld [tilespmem:$0x6F0];
	_ =	sdelay $0x7  }
0xcd: {  	[tilespmem:v1+s14+$0x0] =	vst.idx.add.f32.msk $0xffff, v0  }
0xce: {  	[spmem:s2] =	stream.indirect.scatter.add.f32 [tilespmem:s16], [sflag:$0x3], $0x80, s3, s15, $0xb8;
	[tilespmem:$0x1F000] =	vst v63  }
0xcf: {  	_ =	swait.ge [sflag:s13], $0x4000  }
0xd0: {  	[sflag:s13] =	ssyncset.done $0x0  }
0xd1: {  	[sflag:s13] =	ssyncadd.s32 $0xFFFFC000  }
0xd2: {  	_ =	swait.ge [sflag:s20], $0x4000  }
0xd3: {  	[sflag:s20] =	ssyncset.done $0x0  }
0xd4: {  	[sflag:s20] =	ssyncadd.s32 $0xFFFFC000  }
0xd5: {  	v1 =	vld [tilespmem:$0x780];
	_ =	sdelay $0x7  }
0xd6: {  	[tilespmem:v1+s14+$0x0] =	vst.idx.add.f32.msk $0xffff, v0  }
0xd7: {  	v1 =	vld [tilespmem:$0x790];
	_ =	sdelay $0x7  }
0xd8: {  	[tilespmem:v1+s14+$0x0] =	vst.idx.add.f32.msk $0xffff, v0  }
0xd9: {  	v1 =	vld [tilespmem:$0x7A0];
	_ =	sdelay $0x7  }
0xda: {  	[tilespmem:v1+s14+$0x0] =	vst.idx.add.f32.msk $0xffff, v0  }
0xdb: {  	v1 =	vld [tilespmem:$0x7B0];
	_ =	sdelay $0x7  }
0xdc: {  	[tilespmem:v1+s14+$0x0] =	vst.idx.add.f32.msk $0xffff, v0  }
0xdd: {  	v1 =	vld [tilespmem:$0x7C0];
	_ =	sdelay $0x7  }
0xde: {  	[tilespmem:v1+s14+$0x0] =	vst.idx.add.f32.msk $0xffff, v0  }
0xdf: {  	v1 =	vld [tilespmem:$0x7D0];
	_ =	sdelay $0x7  }
0xe0: {  	[tilespmem:v1+s14+$0x0] =	vst.idx.add.f32.msk $0xffff, v0  }
0xe1: {  	v1 =	vld [tilespmem:$0x7E0];
	_ =	sdelay $0x7  }
0xe2: {  	[tilespmem:v1+s14+$0x0] =	vst.idx.add.f32.msk $0xffff, v0  }
0xe3: {  	v1 =	vld [tilespmem:$0x7F0];
	_ =	sdelay $0x6  }
0xe4: {  	p0 =	sne.s32 s8, $0x900  }
.Ltmp0:
0xe5: {  	[tilespmem:v1+s14+$0x0] =	vst.idx.add.f32.msk $0xffff, v0;
	(pc) =	sbr.rel @p0 .LBB2_2-.Ltmp0, $4  }
0xe6: {  	[spmem:s2] =	stream.indirect.scatter.add.f32 [tilespmem:s19], [sflag:$0x3], $0x80, s5, s15, $0xb8;
	[tilespmem:$0x1F000] =	vst v63  }
0xe7: {  	_ =	swait.ge [sflag:s13], $0x4000  }
0xe8: {  	[sflag:s13] =	ssyncset.done $0x0  }
0xe9: {  	s8 =	sadd.s32 $0x100, s8;
	[sflag:s13] =	ssyncadd.s32 $0xFFFFC000  }
0xea: {  	s8 =	rddreg [dreg:$0x6]  }
0xeb: {  	[hbm4b:s8+s15] =	stream.strided.scatter [tilespmem:s14], [sflag:$0x3], $0x2800, s25, s15, $0x38;
	[tilespmem:$0x1F000] =	vst v63  }
0xec: {  	_ =	swait.ge [sflag:s13], $0x2800  }
0xed: {  	[sflag:s13] =	ssyncset.done $0x0  }
0xee: {  	s6 =	sadd.s32 $0x1, s6;
	[sflag:s13] =	ssyncadd.s32 $0xFFFFD800  }
0xef: {  	p0 =	sne.s32 s6, s10;
	[bflag:$0x0] =	sbarrier.arrive $0xFFFF  }
.Ltmp1:
0xf0: {  	s9 =	rddreg [dreg:$0x7];
	(pc) =	sbr.rel @p0 .LBB2_1-.Ltmp1, $4  }
0xf1: {  	[hbm:s9], [sflag:s7] =	dma.local [spmem:s12], $0x2800  }
0xf2: {  	_ =	swait.ge [sflag:s13], $0x2800  }
0xf3: {  	[sflag:s13] =	ssyncset.done $0x0  }
0xf4: {  	[sflag:s13] =	ssyncadd.s32 $0xFFFFD800  }
0xf5: {  	_ =	sfence.sel $0x180000  }
0xf6: {  	[bflag:$0x0] =	sbarrier.arrive $0xFFFF  }
0xf7: {  	_ =	strace $0x90000047  }
0xf8: {  	s0 =	stileid.u32;
	[bflag:$0x2] =	sbarrier.arrive $0xFFFF  }
0xf9: {  	p0 =	sne.s32 s0, $0x0;
	s0 =	rddreg [dreg:$0x3]  }
0xfa: {  	s0 =	sadd.s32 @!p0 $0x100000, s0  }
0xfb: {  	[sflag:s0] =	ssyncadd.tile.s32 @!p0 $0x1;
	_ =	shalt  }
.Lfunc_end2:
_tile_overlayer_lowered:
.L_overlay_start_2:
0xfc: {  	(tag) =	ssettag $0x2  }
0xfd: {  	s0 =	rddreg [dreg:$0x0];
	s2 =	stileid.u32  }
0xfe: {  	s1 =	rddreg [dreg:$0x1];
	p0 =	sne.s32 s2, $0x0  }
0xff: {  	s3 =	rddreg [dreg:$0x2];
	[bflag:$0x3] =	sbarrier.arrive $0xFFFF;
	s2 =	simm.s32 @!p0 $0x1C03  }
0x100: {  	[timem:s3], [sflag:s2] =	dma.local @!p0 [hbm:s0], s1  }
0x101: {  	s0 =	simm.s32 @!p0 $0x3  }
0x102: {  	_ =	swait.ge @!p0 [sflag:s0], s1  }
0x103: {  	s1 =	ssub.s32 @!p0 $0x0, s1;
	[sflag:s0] =	ssyncset.done @!p0 $0x0  }
0x104: {  	[sflag:s0] =	ssyncadd.s32 @!p0 s1  }
0x105: {  	[bflag:$0x3] =	sbarrier.arrive $0xFFFF  }
0x106: {  	_ =	shalt  }

// kernel: kernel.9.cloned.1.call-start
scs
__scs_entry_jumppad:
0x0: {  	(pc) =	sbr.rel $0x88, $3  }
0x1: {  	(tag) =	ssettag $0x0;
	lr =	simm.s32 $0x1  }
0x2: {  	[smem:$0x3F96] =	sst lr;
	_ =	strace $0xD0000000  }
0x3: {  	_ = 	snop  }
0x4: {  	_ = 	snop  }
0x5: {  	_ = 	snop  }
0x6: {  	_ = 	snop  }
0x7: {  	_ = 	snop  }
__scs_overlays_trampoline_lowered:
0x8: {  	[smem:$0x3FA5] =	sst s0  }
0x9: {  	[smem:$0x3FA6] =	sst s1  }
0xa: {  	[smem:$0x3FA7] =	sst s2  }
0xb: {  	[smem:$0x3FA8] =	sst s3  }
0xc: {  	[smem:$0x3FA9] =	sst s4  }
0xd: {  	[smem:$0x3FAA] =	sst s5  }
0xe: {  	[smem:$0x3FAB] =	sst s6  }
0xf: {  	[smem:$0x3FAC] =	sst s7  }
0x10: {  	[smem:$0x3FAD] =	sst s8  }
0x11: {  	[smem:$0x3FAE] =	sst s9;
	s0 =	simm.s32 @!p0 $0x0  }
0x12: {  	s1 =	sld [smem:$0x3F94];
	s0 =	simm.s32 @p0 $0x1  }
0x13: {  	[smem:$0x3FAF] =	sst s0;
	s0 =	simm.s32 @!p1 $0x0  }
0x14: {  	s2 =	sld [smem:$0x3F93];
	s0 =	simm.s32 @p1 $0x1  }
0x15: {  	[smem:$0x3FB0] =	sst s0;
	s0 =	simm.s32 @!p2 $0x0  }
0x16: {  	s3 =	sld [smem:$0x3FDB];
	s0 =	simm.s32 @p2 $0x1  }
0x17: {  	s4 =	simm.s32 $0x1BF5;
	[smem:$0x3FB2] =	sst s0  }
0x18: {  	s0 =	sld [smem:$0x3F95];
	_ =	swait.ge [sflag:s4], $0x0  }
0x19: {  	s7 =	sld [smem:$0x3F96]  }
0x1a: {  	s8 =	sadd.s32 $0xFFFFE003, lr  }
0x1b: {  	s9 =	sadd.s32 $0xFFFFFEF7, lr;
	s5 =	simm.s32 $0xFFFFFFFF;
	p2 =	slt.u32 s8, $0xFFFFF086  }
0x1c: {  	p1 =	slt.u32 s9, $0xF7A;
	s5 =	simm.s32 @!p2 $0x0  }
0x1d: {  	s5 =	simm.s32 @p1 $0x1;
	p0 =	seq.s32 s7, s2  }
0x1e: {  	s7 =	smul.u32 @!p0 $0xF7A, s2;
	p2 =	seq.s32 @!p0 s5, $0x0  }
0x1f: {  	s9 =	smul.u32 $0xF7A, s1;
	s8 =	simm.s32 @!p0 $0x1BF5;
	p2 =	por !p2, p0  }
0x20: {  	[sflag:s8] =	ssyncset.s32 @!p0 $0xFFFFF086;
	s6 =	sadd.s32 @!p0 s3, s7;
	s7 =	simm.s32 @!p0 $0x108  }
0x21: {  	s3 =	sadd.s32 s3, s9;
	s6 =	sadd.s32 @!p0 $0x88, s6;
	s7 =	simm.s32 @p2 $0x1082  }
0x22: {  	[simem:s7], [sflag:s8] =	dma.local @!p0 [hbm:s6], $0xF7A  }
0x23: {  	s9 =	sor.u32 $0xD0000000, s2;
	s6 =	simm.s32 $0x108;
	_ =	swait.ge @!p0 [sflag:s8], $0x0  }
0x24: {  	s3 =	sadd.s32 $0x88, s3;
	s6 =	simm.s32 @!p1 $0x1082;
	[sflag:s4] =	ssyncset.s32 $0xFFFFF086  }
0x25: {  	[simem:s6], [sflag:s4] =	dma.local [hbm:s3], $0xF7A  }
0x26: {  	[smem:$0x3F96] =	sst s1;
	(tag) =	ssettag s2;
	_ =	strace s9  }
0x27: {  	s1 =	sld [smem:$0x3FA6]  }
0x28: {  	s2 =	sld [smem:$0x3FA7]  }
0x29: {  	s4 =	sld [smem:$0x3FA9]  }
0x2a: {  	p0 =	seq.s32 s5, $0x0;
	s5 =	sld [smem:$0x3FAA]  }
0x2b: {  	s6 =	sld [smem:$0x3FAB]  }
0x2c: {  	s7 =	sld [smem:$0x3FAC]  }
0x2d: {  	s3 =	simm.s32 $0x108;
	s8 =	sld [smem:$0x3FAD]  }
0x2e: {  	s3 =	simm.s32 @!p0 $0x1082;
	s9 =	sld [smem:$0x3FAE]  }
0x2f: {  	lr =	sadd.s32 s0, s3;
	s0 =	sld [smem:$0x3FA5]  }
0x30: {  	s3 =	sld [smem:$0x3FA8]  }
0x31: {  	[smem:$0x3FB1] =	sst s10  }
0x32: {  	s10 =	sld [smem:$0x3FAF];
	_ =	sdelay $0x3  }
0x33: {  	p0 =	seq.s32 s10, $0x1;
	s10 =	sld [smem:$0x3FB1];
	_ =	sdelay $0x3  }
0x34: {  	[smem:$0x3FB1] =	sst s10  }
0x35: {  	s10 =	sld [smem:$0x3FB0];
	_ =	sdelay $0x3  }
0x36: {  	p1 =	seq.s32 s10, $0x1;
	s10 =	sld [smem:$0x3FB1];
	_ =	sdelay $0x3  }
0x37: {  	[smem:$0x3FB1] =	sst s10  }
0x38: {  	s10 =	sld [smem:$0x3FB2]  }
0x39: {  	_ = 	snop;
	(pc) =	sbr.ind lr, $3  }
0x3a: {  	_ = 	snop  }
0x3b: {  	_ = 	snop  }
0x3c: {  	p2 =	seq.s32 s10, $0x1;
	s10 =	sld [smem:$0x3FB1]  }
0x3d: {  	_ =	shalt  }
0x3e: {  	_ =	shalt  }
0x3f: {  	_ =	shalt  }
0x40: {  	_ =	shalt  }
0x41: {  	_ =	shalt  }
0x42: {  	_ =	shalt  }
0x43: {  	_ =	shalt  }
0x44: {  	_ =	shalt  }
0x45: {  	_ =	shalt  }
0x46: {  	_ =	shalt  }
0x47: {  	_ =	shalt  }
0x48: {  	_ =	shalt  }
0x49: {  	_ =	shalt  }
0x4a: {  	_ =	shalt  }
0x4b: {  	_ =	shalt  }
0x4c: {  	_ =	shalt  }
0x4d: {  	_ =	shalt  }
0x4e: {  	_ =	shalt  }
0x4f: {  	_ =	shalt  }
0x50: {  	_ =	shalt  }
0x51: {  	_ =	shalt  }
0x52: {  	_ =	shalt  }
0x53: {  	_ =	shalt  }
0x54: {  	_ =	shalt  }
0x55: {  	_ =	shalt  }
0x56: {  	_ =	shalt  }
0x57: {  	_ =	shalt  }
0x58: {  	_ =	shalt  }
0x59: {  	_ =	shalt  }
0x5a: {  	_ =	shalt  }
0x5b: {  	_ =	shalt  }
0x5c: {  	_ =	shalt  }
0x5d: {  	_ =	shalt  }
0x5e: {  	_ =	shalt  }
0x5f: {  	_ =	shalt  }
0x60: {  	_ =	shalt  }
0x61: {  	_ =	shalt  }
0x62: {  	_ =	shalt  }
0x63: {  	_ =	shalt  }
0x64: {  	_ =	shalt  }
0x65: {  	_ =	shalt  }
0x66: {  	_ =	shalt  }
0x67: {  	_ =	shalt  }
0x68: {  	_ =	shalt  }
0x69: {  	_ =	shalt  }
0x6a: {  	_ =	shalt  }
0x6b: {  	_ =	shalt  }
0x6c: {  	_ =	shalt  }
0x6d: {  	_ =	shalt  }
0x6e: {  	_ =	shalt  }
0x6f: {  	_ =	shalt  }
0x70: {  	_ =	shalt  }
0x71: {  	_ =	shalt  }
0x72: {  	_ =	shalt  }
0x73: {  	_ =	shalt  }
0x74: {  	_ =	shalt  }
0x75: {  	_ =	shalt  }
0x76: {  	_ =	shalt  }
0x77: {  	_ =	shalt  }
0x78: {  	_ =	shalt  }
0x79: {  	_ =	shalt  }
0x7a: {  	_ =	shalt  }
0x7b: {  	_ =	shalt  }
0x7c: {  	_ =	shalt  }
0x7d: {  	_ =	shalt  }
0x7e: {  	_ =	shalt  }
0x7f: {  	_ =	shalt  }
0x80: {  	_ =	shalt  }
0x81: {  	_ =	shalt  }
0x82: {  	_ =	shalt  }
0x83: {  	_ =	shalt  }
0x84: {  	_ =	shalt  }
0x85: {  	_ =	shalt  }
0x86: {  	_ =	shalt  }
0x87: {  	_ =	shalt  }
.Lfunc_end0:
.L_simem_size_0:
called_computation.1_lowered:
.L_overlay_start_0:
0x88: {  	s2 =	sld [smem:$0x3FD9]  }
0x89: {  	s3 =	sld [smem:$0x3FFE];
	_ =	sdelay $0x1  }
0x8a: {  	s1 =	srdreg.scid  }
0x8b: {  	s0 =	sand.u32 $0x1, s1  }
0x8c: {  	s16 =	sshll.u32 s0, $0xA;
	s2 =	sadd.s32 s3, s2  }
0x8d: {  	s2 =	sadd.s32 s2, s16  }
0x8e: {  	[smem:$0x3FBD] =	sst s2  }
0x8f: {  	_ = 	snop  }
0x90: {  	(tm) =	ssettm $0x1  }
0x91: {  	s17 =	sld [smem:$0x3FFB];
	_ =	sdelay $0x3  }
0x92: {  	_ =	strace s17  }
0x93: {  	s2 =	sld [smem:$0x3FFC];
	_ =	sdelay $0x3  }
0x94: {  	_ =	strace s2  }
0x95: {  	s2 =	sld [smem:$0x3FFD];
	_ =	sdelay $0x3  }
0x96: {  	_ =	strace s2  }
0x97: {  	_ =	strace $0x8FFFFFFF  }
0x98: {  	s18 =	sld [smem:$0x3FDB];
	_ =	sdelay $0x1  }
0x99: {  	s19 =	simm.s32 $_scs_section_size  }
0x9a: {  	s4 =	simm.s32 $_size__tile_overlayer_lowered;
	s5 =	simm.s32 $_tile_overlayer_lowered  }
0x9b: {  	s22 =	simm.s32 $0x1BFF;
	s21 =	sshll.u32 s5, $0x1;
	s2 =	sadd.s32 s19, s18  }
0x9c: {  	s6 =	simm.s32 $0x0;
	s20 =	sshll.u32 s4, $0x1;
	s4 =	sadd.s32 s21, s2  }
0x9d: {  	[timem:s6], [sflag:s22] =	dma.local [hbm:s4], s20  }
0x9e: {  	_ =	swait.ge [sflag:s22], s20  }
0x9f: {  	s3 =	ssub.s32 $0x0, s20;
	[sflag:s22] =	ssyncset.done $0x0  }
0xa0: {  	[sflag:s22] =	ssyncadd.s32 s3;
	_ =	sdelay $0x1  }
0xa1: {  	s23 =	simm.s32 $0x1B8B  }
0xa2: {  	_ =	swait.ge [sflag:s23], $0x1  }
0xa3: {  	[sflag:s23] =	ssyncset.done $0x0  }
0xa4: {  	s25 =	simm.s32 $0x1B8E;
	s24 =	sld [smem:$0x3FFE];
	[sflag:s23] =	ssyncadd.s32 $0xFFFFFFFF  }
0xa5: {  	s26 =	simm.s32 $execute0_lowered;
	[smem:$0x3FD2] =	sst s25  }
0xa6: {  	s4 =	sshll.u32 s26, $0x1;
	_ =	strace $0x80000049;
	[dreg:$0x1] =	wrdreg $0xFFFFFFFF  }
0xa7: {  	s28 =	simm.s32 $_size_execute0_lowered;
	s2 =	sadd.s32 s2, s4;
	[dreg:$0x0] =	wrdreg $0x0  }
0xa8: {  	s4 =	sshll.u32 s28, $0x1;
	[dreg:$0x2] =	wrdreg s2  }
0xa9: {  	[dreg:$0x3] =	wrdreg s4  }
0xaa: {  	[dreg:$0x4] =	wrdreg $0xC0  }
0xab: {  	_ =	task [dreg:s6], $0x5FFFF  }
0xac: {  	[dreg:$0x1] =	wrdreg $0xFFFFFFFF  }
0xad: {  	[dreg:$0x0] =	wrdreg $0x60  }
0xae: {  	[dreg:$0x2] =	wrdreg s24  }
0xaf: {  	[dreg:$0x3] =	wrdreg $0x88000  }
0xb0: {  	[dreg:$0x4] =	wrdreg $0x9  }
0xb1: {  	_ =	task.clear_ibuf [dreg:s6], $0x5FFFF;
	_ =	strace $0x90000049  }
0xb2: {  	s29 =	simm.s32 $0x9;
	_ =	strace $0x8000004B  }
0xb3: {  	_ =	swait.ge [sflag:s29], $0x1  }
0xb4: {  	[sflag:s29] =	ssyncadd.s32 $0xFFFFFFFF  }
0xb5: {  	_ =	strace $0x9000004B  }
0xb6: {  	_ =	sfence  }
0xb7: {  	s30 =	sld [smem:$0x0];
	_ =	sdelay $0x2  }
0xb8: {  	s31 =	sshll.u32 s1, $0xD;
	s1 =	sshrl.u32 s1, $0x2  }
0xb9: {  	s3 =	sand.u32 $0x4000, s31;
	s1 =	sadd.s32 s1, s30  }
0xba: {  	s0 =	sor.u32 s3, s0;
	s1 =	sshll.u32 s1, $0x11  }
0xbb: {  	s0 =	sor.u32 s1, s0  }
0xbc: {  	s0 =	sadd.s32 $0x8F2B, s0  }
0xbd: {  	[sflag:s0] =	ssyncadd.remote.s32 $0x1  }
0xbe: {  	_ =	sfence.sel $0xFFFF  }
0xbf: {  	[dreg:$0x0] =	wrdreg $0xFFFFFFFF;
	(pc) =	sbr.abs _section_cstart, $3  }
0xc0: {  	[dreg:$0x1] =	wrdreg $0xFFFFFFFF  }
0xc1: {  	_ =	task.clear_ibuf [dreg:s6], $0x2FFFF;
	_ =	strace $0x9FFFFFFF  }
0xc2: {  	(tm) =	ssettm $0x7FFFFFFF  }
0xc3: {  	_ =	shalt  }
tec
execute0_lowered:
.L_overlay_start_1:
0x0: {  	(tag) =	ssettag $0x1  }
0x1: {  	s0 =	srdreg.scid;
	s1 =	rddreg [dreg:$0x0]  }
0x2: {  	s8 =	stileid.u32;
	s2 =	rddreg [dreg:$0x1];
	s3 =	simm.s32 $0x0  }
0x3: {  	s11 =	simm.s32 $0x3;
	s12 =	simm.s32 $0x80;
	s13 =	simm.s32 $0x800  }
0x4: {  	s14 =	simm.s32 $0x1;
	s15 =	simm.s32 $0x100;
	s16 =	simm.s32 $0x4800  }
0x5: {  	s17 =	simm.s32 $0x2;
	s18 =	simm.s32 $0x200;
	s19 =	simm.s32 $0x180  }
0x6: {  	s20 =	simm.s32 $0x300;
	s21 =	simm.s32 $0x280;
	s5 =	smul.u32 $0x5800, s8  }
0x7: {  	s28 =	simm.s32 $0x580;
	s29 =	simm.s32 $0x700;
	s22 =	smul.u32 $0x14000, s8  }
0x8: {  	s30 =	simm.s32 $0x680;
	s0 =	sand.u32 $0x1, s0;
	s23 =	smul.u32 $0x50000, s8  }
0x9: {  	s31 =	simm.s32 $0x780;
	[smem:$0x7FF] =	sst s3;
	s4 =	smul.u32 $0x58000, s0  }
0xa: {  	s9 =	sadd.s32 $0x18400, s1;
	s26 =	sshll.u32 s8, $0x6;
	s6 =	smul.u32 $0x140000, s0  }
0xb: {  	_ =	strace $0x8000004A;
	s0 =	ssub.s32 $0x2, s0;
	[dreg:$0x3] =	wrdreg s9  }
0xc: {  	s24 =	sshrl.u32 s0, $0x1;
	s25 =	sshrl.u32 s23, $0x2;
	s23 =	simm.s32 $0x380  }
0xd: {  	s4 =	sadd.s32 s5, s4;
	s5 =	sadd.s32 s22, s6;
	s0 =	ssub.s32 s0, s24  }
0xe: {  	s6 =	sor.u32 $0x1C03, s26;
	s22 =	simm.s32 $0x400;
	s24 =	simm.s32 $0x500  }
0xf: {  	s26 =	simm.s32 $0x600;
	s7 =	sshrl.u32 s4, $0x3;
	s4 =	sadd.s32 $0x1AC00, s1  }
0x10: {  	s5 =	sshrl.u32 s5, $0x3;
	s0 =	smax.u32 s0, $0x1;
	s7 =	sadd.s32 s7, s1  }
0x11: {  	s1 =	sadd.s32 s5, s1;
	s5 =	sadd.s32 s25, s2;
	[dreg:$0x5] =	wrdreg s0  }
0x12: {  	s25 =	simm.s32 $0x480;
	s1 =	sadd.s32 $0x42C00, s1;
	s9 =	sadd.s32 $0x2400, s7  }
0x13: {  	s10 =	sshrl.u32 s5, $0x3;
	[dreg:$0x4] =	wrdreg s1;
	s1 =	simm.s32 $0x0  }
.LBB2_1:
0x14: {  	s0 =	rddreg [dreg:$0x3]  }
0x15: {  	[spmem:s10], [sflag:s6] =	dma.local [hbm:s0], $0x2800  }
0x16: {  	_ =	swait.ge [sflag:s11], $0x2800  }
0x17: {  	[sflag:s11] =	ssyncset.done $0x0  }
0x18: {  	[sflag:s11] =	ssyncadd.s32 $0xFFFFD800  }
0x19: {  	s8 =	sadd.s32 $0x0, s9;
	[bflag:$0x0] =	sbarrier.arrive $0xFFFF  }
0x1a: {  	[tilespmem:s3], [sflag:$0x3] =	stream.linear.gather [hbm4b:s8+s3], $0x800, $0x38;
	[tilespmem:$0x1C800] =	vst v63  }
0x1b: {  	_ =	swait.ge [sflag:s11], $0x800  }
0x1c: {  	[sflag:s11] =	ssyncset.done $0x0  }
0x1d: {  	[sflag:s11] =	ssyncadd.s32 $0xFFFFF800  }
0x1e: {  	[tilespmem:s13], [sflag:$0x1] =	stream.indirect.gather [hbm4b:s4+s12], $0x80, s3, s12, $0xb8;
	[tilespmem:$0x1C800] =	vst v63  }
0x1f: {  	_ =	swait.ge [sflag:s14], $0x4000  }
0x20: {  	[sflag:s14] =	ssyncset.done $0x0  }
0x21: {  	[sflag:s14] =	ssyncadd.s32 $0xFFFFC000  }
0x22: {  	[tilespmem:s16], [sflag:$0x2] =	stream.indirect.gather [hbm4b:s4+s12], $0x80, s15, s12, $0xb8;
	[tilespmem:$0x1C800] =	vst v63  }
0x23: {  	_ = 	snop  }
0x24: {  	[spmem:s2] =	stream.indirect.scatter.add.f32 [tilespmem:s13], [sflag:$0x3], $0x80, s12, s12, $0xb8;
	[tilespmem:$0x1C800] =	vst v63  }
0x25: {  	_ =	swait.ge [sflag:s11], $0x4000  }
0x26: {  	[sflag:s11] =	ssyncset.done $0x0  }
0x27: {  	[sflag:s11] =	ssyncadd.s32 $0xFFFFC000  }
0x28: {  	_ =	swait.ge [sflag:s17], $0x4000  }
0x29: {  	[sflag:s17] =	ssyncset.done $0x0  }
0x2a: {  	[sflag:s17] =	ssyncadd.s32 $0xFFFFC000  }
0x2b: {  	[tilespmem:s13], [sflag:$0x1] =	stream.indirect.gather [hbm4b:s4+s12], $0x80, s18, s12, $0xb8;
	[tilespmem:$0x1C800] =	vst v63  }
0x2c: {  	_ = 	snop  }
0x2d: {  	[spmem:s2] =	stream.indirect.scatter.add.f32 [tilespmem:s16], [sflag:$0x3], $0x80, s19, s12, $0xb8;
	[tilespmem:$0x1C800] =	vst v63  }
0x2e: {  	_ =	swait.ge [sflag:s11], $0x4000  }
0x2f: {  	[sflag:s11] =	ssyncset.done $0x0  }
0x30: {  	[sflag:s11] =	ssyncadd.s32 $0xFFFFC000  }
0x31: {  	_ =	swait.ge [sflag:s14], $0x4000  }
0x32: {  	[sflag:s14] =	ssyncset.done $0x0  }
0x33: {  	[sflag:s14] =	ssyncadd.s32 $0xFFFFC000  }
0x34: {  	[tilespmem:s16], [sflag:$0x2] =	stream.indirect.gather [hbm4b:s4+s12], $0x80, s20, s12, $0xb8;
	[tilespmem:$0x1C800] =	vst v63  }
0x35: {  	_ = 	snop  }
0x36: {  	[spmem:s2] =	stream.indirect.scatter.add.f32 [tilespmem:s13], [sflag:$0x3], $0x80, s21, s12, $0xb8;
	[tilespmem:$0x1C800] =	vst v63  }
0x37: {  	_ =	swait.ge [sflag:s11], $0x4000  }
0x38: {  	[sflag:s11] =	ssyncset.done $0x0  }
0x39: {  	[sflag:s11] =	ssyncadd.s32 $0xFFFFC000  }
0x3a: {  	_ =	swait.ge [sflag:s17], $0x4000  }
0x3b: {  	[sflag:s17] =	ssyncset.done $0x0  }
0x3c: {  	[sflag:s17] =	ssyncadd.s32 $0xFFFFC000  }
0x3d: {  	[tilespmem:s13], [sflag:$0x1] =	stream.indirect.gather [hbm4b:s4+s12], $0x80, s22, s12, $0xb8;
	[tilespmem:$0x1C800] =	vst v63  }
0x3e: {  	_ = 	snop  }
0x3f: {  	[spmem:s2] =	stream.indirect.scatter.add.f32 [tilespmem:s16], [sflag:$0x3], $0x80, s23, s12, $0xb8;
	[tilespmem:$0x1C800] =	vst v63  }
0x40: {  	_ =	swait.ge [sflag:s11], $0x4000  }
0x41: {  	[sflag:s11] =	ssyncset.done $0x0  }
0x42: {  	[sflag:s11] =	ssyncadd.s32 $0xFFFFC000  }
0x43: {  	_ =	swait.ge [sflag:s14], $0x4000  }
0x44: {  	[sflag:s14] =	ssyncset.done $0x0  }
0x45: {  	[sflag:s14] =	ssyncadd.s32 $0xFFFFC000  }
0x46: {  	[tilespmem:s16], [sflag:$0x2] =	stream.indirect.gather [hbm4b:s4+s12], $0x80, s24, s12, $0xb8;
	[tilespmem:$0x1C800] =	vst v63  }
0x47: {  	_ = 	snop  }
0x48: {  	[spmem:s2] =	stream.indirect.scatter.add.f32 [tilespmem:s13], [sflag:$0x3], $0x80, s25, s12, $0xb8;
	[tilespmem:$0x1C800] =	vst v63  }
0x49: {  	_ =	swait.ge [sflag:s11], $0x4000  }
0x4a: {  	[sflag:s11] =	ssyncset.done $0x0  }
0x4b: {  	[sflag:s11] =	ssyncadd.s32 $0xFFFFC000  }
0x4c: {  	_ =	swait.ge [sflag:s17], $0x4000  }
0x4d: {  	[sflag:s17] =	ssyncset.done $0x0  }
0x4e: {  	[sflag:s17] =	ssyncadd.s32 $0xFFFFC000  }
0x4f: {  	[tilespmem:s13], [sflag:$0x1] =	stream.indirect.gather [hbm4b:s4+s12], $0x80, s26, s12, $0xb8;
	[tilespmem:$0x1C800] =	vst v63  }
0x50: {  	_ = 	snop  }
0x51: {  	[spmem:s2] =	stream.indirect.scatter.add.f32 [tilespmem:s16], [sflag:$0x3], $0x80, s28, s12, $0xb8;
	[tilespmem:$0x1C800] =	vst v63  }
0x52: {  	_ =	swait.ge [sflag:s11], $0x4000  }
0x53: {  	[sflag:s11] =	ssyncset.done $0x0  }
0x54: {  	[sflag:s11] =	ssyncadd.s32 $0xFFFFC000  }
0x55: {  	_ =	swait.ge [sflag:s14], $0x4000  }
0x56: {  	[sflag:s14] =	ssyncset.done $0x0  }
0x57: {  	[sflag:s14] =	ssyncadd.s32 $0xFFFFC000  }
0x58: {  	[tilespmem:s16], [sflag:$0x2] =	stream.indirect.gather [hbm4b:s4+s12], $0x80, s29, s12, $0xb8;
	[tilespmem:$0x1C800] =	vst v63  }
0x59: {  	_ = 	snop  }
0x5a: {  	[spmem:s2] =	stream.indirect.scatter.add.f32 [tilespmem:s13], [sflag:$0x3], $0x80, s30, s12, $0xb8;
	[tilespmem:$0x1C800] =	vst v63  }
0x5b: {  	_ =	swait.ge [sflag:s11], $0x4000  }
0x5c: {  	[sflag:s11] =	ssyncset.done $0x0  }
0x5d: {  	[sflag:s11] =	ssyncadd.s32 $0xFFFFC000  }
0x5e: {  	_ =	swait.ge [sflag:s17], $0x4000  }
0x5f: {  	[sflag:s17] =	ssyncset.done $0x0  }
0x60: {  	[sflag:s17] =	ssyncadd.s32 $0xFFFFC000  }
0x61: {  	[spmem:s2] =	stream.indirect.scatter.add.f32 [tilespmem:s16], [sflag:$0x3], $0x80, s31, s12, $0xb8;
	[tilespmem:$0x1C800] =	vst v63  }
0x62: {  	_ =	swait.ge [sflag:s11], $0x4000  }
0x63: {  	s5 =	simm.s32 $0x200;
	s0 =	simm.s32 $0x100;
	[sflag:s11] =	ssyncset.done $0x0  }
.LBB2_2:
0x64: {  	s8 =	sadd.s32 s0, s9  }
0x65: {  	[sflag:s11] =	ssyncadd.s32 $0xFFFFC000;
	s0 =	smov.u32 s5;
	s7 =	sadd.s32 $0x100, s5  }
0x66: {  	[tilespmem:s3], [sflag:$0x3] =	stream.linear.gather [hbm4b:s8+s3], $0x800, $0x38;
	[tilespmem:$0x1C800] =	vst v63  }
0x67: {  	p0 =	sne.s32 s5, $0x900;
	_ =	swait.ge [sflag:s11], $0x800  }
0x68: {  	[sflag:s11] =	ssyncset.done $0x0  }
0x69: {  	[sflag:s11] =	ssyncadd.s32 $0xFFFFF800  }
0x6a: {  	[tilespmem:s13], [sflag:$0x1] =	stream.indirect.gather [hbm4b:s4+s12], $0x80, s3, s12, $0xb8;
	[tilespmem:$0x1C800] =	vst v63  }
0x6b: {  	_ =	swait.ge [sflag:s14], $0x4000  }
0x6c: {  	[sflag:s14] =	ssyncset.done $0x0  }
0x6d: {  	[sflag:s14] =	ssyncadd.s32 $0xFFFFC000  }
0x6e: {  	[tilespmem:s16], [sflag:$0x2] =	stream.indirect.gather [hbm4b:s4+s12], $0x80, s15, s12, $0xb8;
	[tilespmem:$0x1C800] =	vst v63  }
0x6f: {  	_ = 	snop  }
0x70: {  	[spmem:s2] =	stream.indirect.scatter.add.f32 [tilespmem:s13], [sflag:$0x3], $0x80, s12, s12, $0xb8;
	[tilespmem:$0x1C800] =	vst v63  }
0x71: {  	_ =	swait.ge [sflag:s11], $0x4000  }
0x72: {  	[sflag:s11] =	ssyncset.done $0x0  }
0x73: {  	[sflag:s11] =	ssyncadd.s32 $0xFFFFC000  }
0x74: {  	_ =	swait.ge [sflag:s17], $0x4000  }
0x75: {  	[sflag:s17] =	ssyncset.done $0x0  }
0x76: {  	[sflag:s17] =	ssyncadd.s32 $0xFFFFC000  }
0x77: {  	[tilespmem:s13], [sflag:$0x1] =	stream.indirect.gather [hbm4b:s4+s12], $0x80, s18, s12, $0xb8;
	[tilespmem:$0x1C800] =	vst v63  }
0x78: {  	_ = 	snop  }
0x79: {  	[spmem:s2] =	stream.indirect.scatter.add.f32 [tilespmem:s16], [sflag:$0x3], $0x80, s19, s12, $0xb8;
	[tilespmem:$0x1C800] =	vst v63  }
0x7a: {  	_ =	swait.ge [sflag:s11], $0x4000  }
0x7b: {  	[sflag:s11] =	ssyncset.done $0x0  }
0x7c: {  	[sflag:s11] =	ssyncadd.s32 $0xFFFFC000  }
0x7d: {  	_ =	swait.ge [sflag:s14], $0x4000  }
0x7e: {  	[sflag:s14] =	ssyncset.done $0x0  }
0x7f: {  	[sflag:s14] =	ssyncadd.s32 $0xFFFFC000  }
0x80: {  	[tilespmem:s16], [sflag:$0x2] =	stream.indirect.gather [hbm4b:s4+s12], $0x80, s20, s12, $0xb8;
	[tilespmem:$0x1C800] =	vst v63  }
0x81: {  	_ = 	snop  }
0x82: {  	[spmem:s2] =	stream.indirect.scatter.add.f32 [tilespmem:s13], [sflag:$0x3], $0x80, s21, s12, $0xb8;
	[tilespmem:$0x1C800] =	vst v63  }
0x83: {  	_ =	swait.ge [sflag:s11], $0x4000  }
0x84: {  	[sflag:s11] =	ssyncset.done $0x0  }
0x85: {  	[sflag:s11] =	ssyncadd.s32 $0xFFFFC000  }
0x86: {  	_ =	swait.ge [sflag:s17], $0x4000  }
0x87: {  	[sflag:s17] =	ssyncset.done $0x0  }
0x88: {  	[sflag:s17] =	ssyncadd.s32 $0xFFFFC000  }
0x89: {  	[tilespmem:s13], [sflag:$0x1] =	stream.indirect.gather [hbm4b:s4+s12], $0x80, s22, s12, $0xb8;
	[tilespmem:$0x1C800] =	vst v63  }
0x8a: {  	_ = 	snop  }
0x8b: {  	[spmem:s2] =	stream.indirect.scatter.add.f32 [tilespmem:s16], [sflag:$0x3], $0x80, s23, s12, $0xb8;
	[tilespmem:$0x1C800] =	vst v63  }
0x8c: {  	_ =	swait.ge [sflag:s11], $0x4000  }
0x8d: {  	[sflag:s11] =	ssyncset.done $0x0  }
0x8e: {  	[sflag:s11] =	ssyncadd.s32 $0xFFFFC000  }
0x8f: {  	_ =	swait.ge [sflag:s14], $0x4000  }
0x90: {  	[sflag:s14] =	ssyncset.done $0x0  }
0x91: {  	[sflag:s14] =	ssyncadd.s32 $0xFFFFC000  }
0x92: {  	[tilespmem:s16], [sflag:$0x2] =	stream.indirect.gather [hbm4b:s4+s12], $0x80, s24, s12, $0xb8;
	[tilespmem:$0x1C800] =	vst v63  }
0x93: {  	_ = 	snop  }
0x94: {  	[spmem:s2] =	stream.indirect.scatter.add.f32 [tilespmem:s13], [sflag:$0x3], $0x80, s25, s12, $0xb8;
	[tilespmem:$0x1C800] =	vst v63  }
0x95: {  	_ =	swait.ge [sflag:s11], $0x4000  }
0x96: {  	[sflag:s11] =	ssyncset.done $0x0  }
0x97: {  	[sflag:s11] =	ssyncadd.s32 $0xFFFFC000  }
0x98: {  	_ =	swait.ge [sflag:s17], $0x4000  }
0x99: {  	[sflag:s17] =	ssyncset.done $0x0  }
0x9a: {  	[sflag:s17] =	ssyncadd.s32 $0xFFFFC000  }
0x9b: {  	[tilespmem:s13], [sflag:$0x1] =	stream.indirect.gather [hbm4b:s4+s12], $0x80, s26, s12, $0xb8;
	[tilespmem:$0x1C800] =	vst v63  }
0x9c: {  	_ = 	snop  }
0x9d: {  	[spmem:s2] =	stream.indirect.scatter.add.f32 [tilespmem:s16], [sflag:$0x3], $0x80, s28, s12, $0xb8;
	[tilespmem:$0x1C800] =	vst v63  }
0x9e: {  	_ =	swait.ge [sflag:s11], $0x4000  }
0x9f: {  	[sflag:s11] =	ssyncset.done $0x0  }
0xa0: {  	[sflag:s11] =	ssyncadd.s32 $0xFFFFC000  }
0xa1: {  	_ =	swait.ge [sflag:s14], $0x4000  }
0xa2: {  	[sflag:s14] =	ssyncset.done $0x0  }
0xa3: {  	[sflag:s14] =	ssyncadd.s32 $0xFFFFC000  }
0xa4: {  	[tilespmem:s16], [sflag:$0x2] =	stream.indirect.gather [hbm4b:s4+s12], $0x80, s29, s12, $0xb8;
	[tilespmem:$0x1C800] =	vst v63  }
0xa5: {  	_ = 	snop  }
0xa6: {  	[spmem:s2] =	stream.indirect.scatter.add.f32 [tilespmem:s13], [sflag:$0x3], $0x80, s30, s12, $0xb8;
	[tilespmem:$0x1C800] =	vst v63  }
0xa7: {  	_ =	swait.ge [sflag:s11], $0x4000  }
0xa8: {  	[sflag:s11] =	ssyncset.done $0x0  }
0xa9: {  	[sflag:s11] =	ssyncadd.s32 $0xFFFFC000  }
0xaa: {  	_ =	swait.ge [sflag:s17], $0x4000  }
.Ltmp0:
0xab: {  	[sflag:s17] =	ssyncset.done $0x0;
	(pc) =	sbr.rel @p0 .LBB2_2-.Ltmp0, $4  }
0xac: {  	[sflag:s17] =	ssyncadd.s32 $0xFFFFC000  }
0xad: {  	[spmem:s2] =	stream.indirect.scatter.add.f32 [tilespmem:s16], [sflag:$0x3], $0x80, s31, s12, $0xb8;
	[tilespmem:$0x1C800] =	vst v63  }
0xae: {  	_ =	swait.ge [sflag:s11], $0x4000  }
0xaf: {  	s5 =	smov.u32 s7;
	[sflag:s11] =	ssyncset.done $0x0  }
0xb0: {  	s0 =	sadd.s32 s0, s9;
	[sflag:s11] =	ssyncadd.s32 $0xFFFFC000  }
0xb1: {  	[tilespmem:s3], [sflag:$0x3] =	stream.linear.gather [hbm4b:s0+s3], $0x800, $0x38;
	[tilespmem:$0x1C800] =	vst v63  }
0xb2: {  	_ =	swait.ge [sflag:s11], $0x800  }
0xb3: {  	[sflag:s11] =	ssyncset.done $0x0  }
0xb4: {  	[sflag:s11] =	ssyncadd.s32 $0xFFFFF800  }
0xb5: {  	[tilespmem:s13], [sflag:$0x1] =	stream.indirect.gather [hbm4b:s4+s12], $0x80, s3, s12, $0xb8;
	[tilespmem:$0x1C800] =	vst v63  }
0xb6: {  	_ =	swait.ge [sflag:s14], $0x4000  }
0xb7: {  	[sflag:s14] =	ssyncset.done $0x0  }
0xb8: {  	[sflag:s14] =	ssyncadd.s32 $0xFFFFC000  }
0xb9: {  	[tilespmem:s16], [sflag:$0x2] =	stream.indirect.gather [hbm4b:s4+s12], $0x80, s15, s12, $0xb8;
	[tilespmem:$0x1C800] =	vst v63  }
0xba: {  	_ = 	snop  }
0xbb: {  	[spmem:s2] =	stream.indirect.scatter.add.f32 [tilespmem:s13], [sflag:$0x3], $0x80, s12, s12, $0xb8;
	[tilespmem:$0x1C800] =	vst v63  }
0xbc: {  	_ =	swait.ge [sflag:s11], $0x4000  }
0xbd: {  	[sflag:s11] =	ssyncset.done $0x0  }
0xbe: {  	[sflag:s11] =	ssyncadd.s32 $0xFFFFC000  }
0xbf: {  	_ =	swait.ge [sflag:s17], $0x4000  }
0xc0: {  	[sflag:s17] =	ssyncset.done $0x0  }
0xc1: {  	[sflag:s17] =	ssyncadd.s32 $0xFFFFC000  }
0xc2: {  	[tilespmem:s13], [sflag:$0x1] =	stream.indirect.gather [hbm4b:s4+s12], $0x80, s18, s12, $0xb8;
	[tilespmem:$0x1C800] =	vst v63  }
0xc3: {  	_ = 	snop  }
0xc4: {  	[spmem:s2] =	stream.indirect.scatter.add.f32 [tilespmem:s16], [sflag:$0x3], $0x80, s19, s12, $0xb8;
	[tilespmem:$0x1C800] =	vst v63  }
0xc5: {  	_ =	swait.ge [sflag:s11], $0x4000  }
0xc6: {  	[sflag:s11] =	ssyncset.done $0x0  }
0xc7: {  	[sflag:s11] =	ssyncadd.s32 $0xFFFFC000  }
0xc8: {  	_ =	swait.ge [sflag:s14], $0x4000  }
0xc9: {  	[sflag:s14] =	ssyncset.done $0x0  }
0xca: {  	[sflag:s14] =	ssyncadd.s32 $0xFFFFC000  }
0xcb: {  	[tilespmem:s16], [sflag:$0x2] =	stream.indirect.gather [hbm4b:s4+s12], $0x80, s20, s12, $0xb8;
	[tilespmem:$0x1C800] =	vst v63  }
0xcc: {  	_ = 	snop  }
0xcd: {  	[spmem:s2] =	stream.indirect.scatter.add.f32 [tilespmem:s13], [sflag:$0x3], $0x80, s21, s12, $0xb8;
	[tilespmem:$0x1C800] =	vst v63  }
0xce: {  	_ =	swait.ge [sflag:s11], $0x4000  }
0xcf: {  	[sflag:s11] =	ssyncset.done $0x0  }
0xd0: {  	[sflag:s11] =	ssyncadd.s32 $0xFFFFC000  }
0xd1: {  	_ =	swait.ge [sflag:s17], $0x4000  }
0xd2: {  	[sflag:s17] =	ssyncset.done $0x0  }
0xd3: {  	[sflag:s17] =	ssyncadd.s32 $0xFFFFC000  }
0xd4: {  	[tilespmem:s13], [sflag:$0x1] =	stream.indirect.gather [hbm4b:s4+s12], $0x80, s22, s12, $0xb8;
	[tilespmem:$0x1C800] =	vst v63  }
0xd5: {  	_ = 	snop  }
0xd6: {  	[spmem:s2] =	stream.indirect.scatter.add.f32 [tilespmem:s16], [sflag:$0x3], $0x80, s23, s12, $0xb8;
	[tilespmem:$0x1C800] =	vst v63  }
0xd7: {  	_ =	swait.ge [sflag:s11], $0x4000  }
0xd8: {  	[sflag:s11] =	ssyncset.done $0x0  }
0xd9: {  	[sflag:s11] =	ssyncadd.s32 $0xFFFFC000  }
0xda: {  	_ =	swait.ge [sflag:s14], $0x4000  }
0xdb: {  	[sflag:s14] =	ssyncset.done $0x0  }
0xdc: {  	[sflag:s14] =	ssyncadd.s32 $0xFFFFC000  }
0xdd: {  	[tilespmem:s16], [sflag:$0x2] =	stream.indirect.gather [hbm4b:s4+s12], $0x80, s24, s12, $0xb8;
	[tilespmem:$0x1C800] =	vst v63  }
0xde: {  	_ = 	snop  }
0xdf: {  	[spmem:s2] =	stream.indirect.scatter.add.f32 [tilespmem:s13], [sflag:$0x3], $0x80, s25, s12, $0xb8;
	[tilespmem:$0x1C800] =	vst v63  }
0xe0: {  	_ =	swait.ge [sflag:s11], $0x4000  }
0xe1: {  	[sflag:s11] =	ssyncset.done $0x0  }
0xe2: {  	[sflag:s11] =	ssyncadd.s32 $0xFFFFC000  }
0xe3: {  	_ =	swait.ge [sflag:s17], $0x4000  }
0xe4: {  	[sflag:s17] =	ssyncset.done $0x0  }
0xe5: {  	[sflag:s17] =	ssyncadd.s32 $0xFFFFC000  }
0xe6: {  	[tilespmem:s13], [sflag:$0x1] =	stream.indirect.gather [hbm4b:s4+s12], $0x80, s26, s12, $0xb8;
	[tilespmem:$0x1C800] =	vst v63  }
0xe7: {  	_ = 	snop  }
0xe8: {  	[spmem:s2] =	stream.indirect.scatter.add.f32 [tilespmem:s16], [sflag:$0x3], $0x80, s28, s12, $0xb8;
	[tilespmem:$0x1C800] =	vst v63  }
0xe9: {  	_ =	swait.ge [sflag:s11], $0x4000  }
0xea: {  	[sflag:s11] =	ssyncset.done $0x0  }
0xeb: {  	[sflag:s11] =	ssyncadd.s32 $0xFFFFC000  }
0xec: {  	_ =	swait.ge [sflag:s14], $0x4000  }
0xed: {  	[sflag:s14] =	ssyncset.done $0x0  }
0xee: {  	[sflag:s14] =	ssyncadd.s32 $0xFFFFC000  }
0xef: {  	[tilespmem:s16], [sflag:$0x2] =	stream.indirect.gather [hbm4b:s4+s12], $0x80, s29, s12, $0xb8;
	[tilespmem:$0x1C800] =	vst v63  }
0xf0: {  	_ = 	snop  }
0xf1: {  	[spmem:s2] =	stream.indirect.scatter.add.f32 [tilespmem:s13], [sflag:$0x3], $0x80, s30, s12, $0xb8;
	[tilespmem:$0x1C800] =	vst v63  }
0xf2: {  	_ =	swait.ge [sflag:s11], $0x4000  }
0xf3: {  	[sflag:s11] =	ssyncset.done $0x0  }
0xf4: {  	[sflag:s11] =	ssyncadd.s32 $0xFFFFC000  }
0xf5: {  	_ =	swait.ge [sflag:s17], $0x4000  }
0xf6: {  	[sflag:s17] =	ssyncset.done $0x0  }
0xf7: {  	[sflag:s17] =	ssyncadd.s32 $0xFFFFC000  }
0xf8: {  	[spmem:s2] =	stream.indirect.scatter.add.f32 [tilespmem:s16], [sflag:$0x3], $0x80, s31, s12, $0xb8;
	[tilespmem:$0x1C800] =	vst v63  }
0xf9: {  	_ =	swait.ge [sflag:s11], $0x4000  }
0xfa: {  	[sflag:s11] =	ssyncset.done $0x0  }
0xfb: {  	[sflag:s11] =	ssyncadd.s32 $0xFFFFC000  }
0xfc: {  	[bflag:$0x0] =	sbarrier.arrive $0xFFFF  }
0xfd: {  	s7 =	rddreg [dreg:$0x4]  }
0xfe: {  	[hbm:s7], [sflag:s6] =	dma.local [spmem:s10], $0x2800  }
0xff: {  	_ =	swait.ge [sflag:s11], $0x2800  }
0x100: {  	s1 =	sadd.s32 $0x1, s1;
	s8 =	rddreg [dreg:$0x5]  }
0x101: {  	p0 =	sne.s32 s1, s8  }
.Ltmp1:
0x102: {  	_ = 	snop;
	(pc) =	sbr.rel @p0 .LBB2_1-.Ltmp1, $3  }
0x103: {  	_ =	sdelay $0x1  }
0x104: {  	[sflag:s11] =	ssyncset.done $0x0  }
0x105: {  	[sflag:s11] =	ssyncadd.s32 $0xFFFFD800  }
0x106: {  	_ =	sfence.sel $0x180000  }
0x107: {  	[bflag:$0x0] =	sbarrier.arrive $0xFFFF  }
0x108: {  	_ =	strace $0x9000004A  }
0x109: {  	s0 =	stileid.u32;
	[bflag:$0x2] =	sbarrier.arrive $0xFFFF  }
0x10a: {  	p0 =	sne.s32 s0, $0x0;
	s0 =	rddreg [dreg:$0x2]  }
0x10b: {  	s0 =	sadd.s32 @!p0 $0x100000, s0  }
0x10c: {  	[sflag:s0] =	ssyncadd.tile.s32 @!p0 $0x1;
	_ =	shalt  }
.Lfunc_end2:
_tile_overlayer_lowered:
.L_overlay_start_2:
0x10d: {  	(tag) =	ssettag $0x2  }
0x10e: {  	s0 =	rddreg [dreg:$0x0];
	s2 =	stileid.u32  }
0x10f: {  	s1 =	rddreg [dreg:$0x1];
	p0 =	sne.s32 s2, $0x0  }
0x110: {  	s3 =	rddreg [dreg:$0x2];
	[bflag:$0x3] =	sbarrier.arrive $0xFFFF;
	s2 =	simm.s32 @!p0 $0x1C03  }
0x111: {  	[timem:s3], [sflag:s2] =	dma.local @!p0 [hbm:s0], s1  }
0x112: {  	s0 =	simm.s32 @!p0 $0x3  }
0x113: {  	_ =	swait.ge @!p0 [sflag:s0], s1  }
0x114: {  	s1 =	ssub.s32 @!p0 $0x0, s1;
	[sflag:s0] =	ssyncset.done @!p0 $0x0  }
0x115: {  	[sflag:s0] =	ssyncadd.s32 @!p0 s1  }
0x116: {  	[bflag:$0x3] =	sbarrier.arrive $0xFFFF  }
0x117: {  	_ =	shalt  }

</sc_bundles>
